<compile_context>
chip_gen: v7x
topology: tpu7x:2x2x1
jax: 0.10.2.dev20260603
libtpu: 0.0.44.dev20260713+nightly
codegen_flags: <defaults>
</compile_context>

<pallas_src>
import jax
import jax.numpy as jnp
from jax import lax
from jax.experimental import pallas as pl
from jax.experimental.pallas import tpu as pltpu
from jax.experimental.pallas import tpu_sc as plsc

HIDDEN = 1024
N = 4 * 4096
NC, NS, L = 2, 16, 16
NW = NC * NS
RPW = N // NW
C = 16
NCHUNK = RPW // C


def _emb_body(w_hbm, p_hbm, wi_hbm, pi_hbm, o_hbm,
              widx, pidx,
              wb0, wb1, pb0, pb1, ob0, ob1,
              sw0, sw1, sp0, sp1, ss0, ss1):
    wbuf = (wb0, wb1)
    pbuf = (pb0, pb1)
    obuf = (ob0, ob1)
    sem_w = (sw0, sw1)
    sem_p = (sp0, sp1)
    sem_s = (ss0, ss1)

    wid = lax.axis_index("s") * NC + lax.axis_index("c")
    base = wid * RPW
    pltpu.sync_copy(wi_hbm.at[pl.ds(base, RPW)], widx)
    pltpu.sync_copy(pi_hbm.at[pl.ds(base, RPW)], pidx)

    def gather_copies(g, b):
        cw = pltpu.make_async_copy(
            w_hbm.at[widx.at[pl.ds(g * C, C)]], wbuf[b], sem_w[b])
        cp = pltpu.make_async_copy(
            p_hbm.at[pidx.at[pl.ds(g * C, C)]], pbuf[b], sem_p[b])
        return (cw, cp)

    def store_copy(g, b):
        return pltpu.make_async_copy(
            obuf[b], o_hbm.at[pl.ds(base + g * C, C)], sem_s[b])

    for b in (0, 1):
        for c in gather_copies(b, b):
            c.start()

    @pl.loop(0, NCHUNK, step=2)
    def _pair(g):
        for b in (0, 1):
            gg = g + b
            for c in gather_copies(gg, b):
                c.wait()

            @pl.when(gg >= 2)
            def _():
                store_copy(gg - 2, b).wait()

            @pl.loop(0, C)
            def _row(r):
                for u in range(HIDDEN // L):
                    s = pl.ds(u * L, L)
                    obuf[b][r, s] = wbuf[b][r, s] + pbuf[b][r, s]

            @pl.when(gg + 2 < NCHUNK)
            def _():
                for c in gather_copies(gg + 2, b):
                    c.start()

            store_copy(gg, b).start()

    for b in (0, 1):
        store_copy(NCHUNK - 2 + b, b).wait()


def kernel(input_ids, position_ids, word_embeddings, position_embeddings):
    wids = input_ids.reshape(-1).astype(jnp.int32)
    pids = position_ids.reshape(-1).astype(jnp.int32)
    mesh = plsc.VectorSubcoreMesh(core_axis_name="c", subcore_axis_name="s")
    k = pl.kernel(
        _emb_body,
        out_type=jax.ShapeDtypeStruct((N, HIDDEN), jnp.float32),
        mesh=mesh,
        scratch_types=(
            [pltpu.VMEM((RPW,), jnp.int32)] * 2
            + [pltpu.VMEM((C, HIDDEN), jnp.float32)] * 6
            + [pltpu.SemaphoreType.DMA] * 6
        ),
    )
    out = k(word_embeddings, position_embeddings, wids, pids)
    return out.reshape(input_ids.shape + (HIDDEN,))

# --- scband reference (transcript-rebuilt; emitter-appended) ---
"""Pipeline reference for scband-embedding-6150393168489 (READ-ONLY COPY).

The authoritative reference and input builder live on the scoring server;
editing this copy changes nothing except your own understanding.
"""

import jax, jax.numpy as jnp
import numpy as np

VOCAB = 50304
HIDDEN = 1024
MAX_SEQ = 4096
B, S = 4, 4096


def setup_inputs(seed: int = 0) -> dict:
    key = jax.random.key(seed)
    k1, k2, k3, k4 = jax.random.split(key, 4)
    input_ids = jax.random.randint(k1, (B, S), 0, VOCAB, dtype=jnp.int64 if jax.config.jax_enable_x64 else jnp.int32)
    position_ids = jax.random.randint(k2, (B, S), 0, MAX_SEQ, dtype=jnp.int64 if jax.config.jax_enable_x64 else jnp.int32)
    word_embeddings = jax.random.normal(k3, (VOCAB, HIDDEN), dtype=jnp.float32) * 0.02
    position_embeddings = jax.random.normal(k4, (MAX_SEQ, HIDDEN), dtype=jnp.float32) * 0.02
    return {
        'input_ids': input_ids,
        'position_ids': position_ids,
        'word_embeddings': word_embeddings,
        'position_embeddings': position_embeddings,
    }


def reference(input_ids, position_ids, word_embeddings, position_embeddings):
    # Megatron Embedding.forward: word lookup + position lookup, no tokentype,
    # dropout in eval mode is identity.
    words = jnp.take(word_embeddings, input_ids, axis=0)
    pos = jnp.take(position_embeddings, position_ids, axis=0)
    embeddings = words + pos
    return embeddings

if __name__ == "__main__":
    import jax
    _d = setup_inputs()
    print(jax.jit(kernel)(*tuple(_d.values())))

</pallas_src>

<mosaic_0001>
#map = affine_map<(d0, d1) -> (0, 0)>
#map1 = affine_map<(d0, d1) -> (0)>
module attributes {stable_mosaic.version = 14 : i64} {
  func.func @_emb_body(%arg0: i32, %arg1: i32, %arg2: memref<50304x1024xf32, #tpu.memory_space<hbm>>, %arg3: memref<4096x1024xf32, #tpu.memory_space<hbm>>, %arg4: memref<16384xi32, #tpu.memory_space<hbm>>, %arg5: memref<16384xi32, #tpu.memory_space<hbm>>, %arg6: memref<16384x1024xf32, #tpu.memory_space<hbm>>, %arg7: memref<512xi32, #tpu.memory_space<vmem>>, %arg8: memref<512xi32, #tpu.memory_space<vmem>>, %arg9: memref<16x1024xf32, #tpu.memory_space<vmem>>, %arg10: memref<16x1024xf32, #tpu.memory_space<vmem>>, %arg11: memref<16x1024xf32, #tpu.memory_space<vmem>>, %arg12: memref<16x1024xf32, #tpu.memory_space<vmem>>, %arg13: memref<16x1024xf32, #tpu.memory_space<vmem>>, %arg14: memref<16x1024xf32, #tpu.memory_space<vmem>>, %arg15: memref<!tpu.dma_semaphore, #tpu.memory_space<semaphore_mem>>, %arg16: memref<!tpu.dma_semaphore, #tpu.memory_space<semaphore_mem>>, %arg17: memref<!tpu.dma_semaphore, #tpu.memory_space<semaphore_mem>>, %arg18: memref<!tpu.dma_semaphore, #tpu.memory_space<semaphore_mem>>, %arg19: memref<!tpu.dma_semaphore, #tpu.memory_space<semaphore_mem>>, %arg20: memref<!tpu.dma_semaphore, #tpu.memory_space<semaphore_mem>>) attributes {dimension_semantics = [#tpu.dimension_semantics<core_parallel>, #tpu.dimension_semantics<subcore_parallel>], iteration_bounds = array<i64: 2, 16>, scalar_prefetch = 0 : i64, scratch_operands = 14 : i64, tpu.core_type = #tpu.core_type<sc_vector_subcore>, window_params = [{transform_indices = #map}, {transform_indices = #map}, {transform_indices = #map1}, {transform_indices = #map1}, {transform_indices = #map}]} {
    %mul3A = arith.constant 2 : i32
    %mul3A_0 = arith.muli %arg1, %mul3A : i32
    %add3A = arith.addi %mul3A_0, %arg0 : i32
    %mul3A_1 = arith.constant 512 : i32
    %mul3A_2 = arith.muli %add3A, %mul3A_1 : i32
    "tpu.region"() ({
      %run_scoped3A = tpu.sem_alloc : memref<!tpu.dma_semaphore, #tpu.memory_space<semaphore_mem>>
      %dma_start3A_37 = tpu.memref_slice %arg4[%mul3A_2] : memref<16384xi32, #tpu.memory_space<hbm>> -> memref<512xi32, #tpu.memory_space<hbm>>
      %dma_start3A_38 = tpu.memref_slice %arg4[%mul3A_2] : memref<16384xi32, #tpu.memory_space<hbm>> -> memref<512xi32, #tpu.memory_space<hbm>>
      tpu.enqueue_dma source(%dma_start3A_38 : memref<512xi32, #tpu.memory_space<hbm>>) target(%arg7 : memref<512xi32, #tpu.memory_space<vmem>>) target_semaphore(%run_scoped3A : memref<!tpu.dma_semaphore, #tpu.memory_space<semaphore_mem>>)
      %dma_wait3A_39 = tpu.memref_slice %arg4[%mul3A_2] : memref<16384xi32, #tpu.memory_space<hbm>> -> memref<512xi32, #tpu.memory_space<hbm>>
      %dma_wait3A_40 = tpu.memref_slice %arg4[%mul3A_2] : memref<16384xi32, #tpu.memory_space<hbm>> -> memref<512xi32, #tpu.memory_space<hbm>>
      tpu.wait_dma2 semaphore(%run_scoped3A : memref<!tpu.dma_semaphore, #tpu.memory_space<semaphore_mem>>) src(%dma_wait3A_40 : memref<512xi32, #tpu.memory_space<hbm>>) dst(%arg7 : memref<512xi32, #tpu.memory_space<vmem>>)
      tpu.yield
    }) : () -> ()
    "tpu.region"() ({
      %run_scoped3A = tpu.sem_alloc : memref<!tpu.dma_semaphore, #tpu.memory_space<semaphore_mem>>
      %dma_start3A_37 = tpu.memref_slice %arg5[%mul3A_2] : memref<16384xi32, #tpu.memory_space<hbm>> -> memref<512xi32, #tpu.memory_space<hbm>>
      %dma_start3A_38 = tpu.memref_slice %arg5[%mul3A_2] : memref<16384xi32, #tpu.memory_space<hbm>> -> memref<512xi32, #tpu.memory_space<hbm>>
      tpu.enqueue_dma source(%dma_start3A_38 : memref<512xi32, #tpu.memory_space<hbm>>) target(%arg8 : memref<512xi32, #tpu.memory_space<vmem>>) target_semaphore(%run_scoped3A : memref<!tpu.dma_semaphore, #tpu.memory_space<semaphore_mem>>)
      %dma_wait3A_39 = tpu.memref_slice %arg5[%mul3A_2] : memref<16384xi32, #tpu.memory_space<hbm>> -> memref<512xi32, #tpu.memory_space<hbm>>
      %dma_wait3A_40 = tpu.memref_slice %arg5[%mul3A_2] : memref<16384xi32, #tpu.memory_space<hbm>> -> memref<512xi32, #tpu.memory_space<hbm>>
      tpu.wait_dma2 semaphore(%run_scoped3A : memref<!tpu.dma_semaphore, #tpu.memory_space<semaphore_mem>>) src(%dma_wait3A_40 : memref<512xi32, #tpu.memory_space<hbm>>) dst(%arg8 : memref<512xi32, #tpu.memory_space<vmem>>)
      tpu.yield
    }) : () -> ()
    %dma_start3A = arith.constant 0 : i32
    %dma_start3A_3 = tpu.memref_slice %arg7[%dma_start3A] : memref<512xi32, #tpu.memory_space<vmem>> -> memref<16xi32, #tpu.memory_space<vmem>>
    %dma_start3A_4 = arith.constant 0 : i32
    %dma_start3A_5 = arith.constant 0 : i32
    %dma_start3A_6 = tpu.memref_slice %arg2[%dma_start3A_4, %dma_start3A_5] : memref<50304x1024xf32, #tpu.memory_space<hbm>> -> memref<50304x1024xf32, #tpu.memory_space<hbm>>
    tpu.enqueue_indirect_dma source(%dma_start3A_6 : memref<50304x1024xf32, #tpu.memory_space<hbm>>) target(%arg9 : memref<16x1024xf32, #tpu.memory_space<vmem>>) offsets(%dma_start3A_3 : memref<16xi32, #tpu.memory_space<vmem>>) semaphore(%arg15 : memref<!tpu.dma_semaphore, #tpu.memory_space<semaphore_mem>>)
    %dma_start3A_7 = arith.constant 0 : i32
    %dma_start3A_8 = tpu.memref_slice %arg8[%dma_start3A_7] : memref<512xi32, #tpu.memory_space<vmem>> -> memref<16xi32, #tpu.memory_space<vmem>>
    %dma_start3A_9 = arith.constant 0 : i32
    %dma_start3A_10 = arith.constant 0 : i32
    %dma_start3A_11 = tpu.memref_slice %arg3[%dma_start3A_9, %dma_start3A_10] : memref<4096x1024xf32, #tpu.memory_space<hbm>> -> memref<4096x1024xf32, #tpu.memory_space<hbm>>
    tpu.enqueue_indirect_dma source(%dma_start3A_11 : memref<4096x1024xf32, #tpu.memory_space<hbm>>) target(%arg11 : memref<16x1024xf32, #tpu.memory_space<vmem>>) offsets(%dma_start3A_8 : memref<16xi32, #tpu.memory_space<vmem>>) semaphore(%arg17 : memref<!tpu.dma_semaphore, #tpu.memory_space<semaphore_mem>>)
    %dma_start3A_12 = arith.constant 16 : i32
    %dma_start3A_13 = tpu.memref_slice %arg7[%dma_start3A_12] : memref<512xi32, #tpu.memory_space<vmem>> -> memref<16xi32, #tpu.memory_space<vmem>>
    %dma_start3A_14 = arith.constant 0 : i32
    %dma_start3A_15 = arith.constant 0 : i32
    %dma_start3A_16 = tpu.memref_slice %arg2[%dma_start3A_14, %dma_start3A_15] : memref<50304x1024xf32, #tpu.memory_space<hbm>> -> memref<50304x1024xf32, #tpu.memory_space<hbm>>
    tpu.enqueue_indirect_dma source(%dma_start3A_16 : memref<50304x1024xf32, #tpu.memory_space<hbm>>) target(%arg10 : memref<16x1024xf32, #tpu.memory_space<vmem>>) offsets(%dma_start3A_13 : memref<16xi32, #tpu.memory_space<vmem>>) semaphore(%arg16 : memref<!tpu.dma_semaphore, #tpu.memory_space<semaphore_mem>>)
    %dma_start3A_17 = arith.constant 16 : i32
    %dma_start3A_18 = tpu.memref_slice %arg8[%dma_start3A_17] : memref<512xi32, #tpu.memory_space<vmem>> -> memref<16xi32, #tpu.memory_space<vmem>>
    %dma_start3A_19 = arith.constant 0 : i32
    %dma_start3A_20 = arith.constant 0 : i32
    %dma_start3A_21 = tpu.memref_slice %arg3[%dma_start3A_19, %dma_start3A_20] : memref<4096x1024xf32, #tpu.memory_space<hbm>> -> memref<4096x1024xf32, #tpu.memory_space<hbm>>
    tpu.enqueue_indirect_dma source(%dma_start3A_21 : memref<4096x1024xf32, #tpu.memory_space<hbm>>) target(%arg12 : memref<16x1024xf32, #tpu.memory_space<vmem>>) offsets(%dma_start3A_18 : memref<16xi32, #tpu.memory_space<vmem>>) semaphore(%arg18 : memref<!tpu.dma_semaphore, #tpu.memory_space<semaphore_mem>>)
    %scan3A = arith.constant 0 : i32
    %scan3A_22 = arith.constant 16 : i32
    %scan3A_23 = arith.addi %scan3A, %scan3A_22 : i32
    %scan3A_24 = arith.constant 1 : i32
    scf.for %scan3A_37 = %scan3A to %scan3A_23 step %scan3A_24  : i32 {
      %mul3A_38 = arith.constant 2 : i32
      %mul3A_39 = arith.muli %scan3A_37, %mul3A_38 : i32
      %add3A_40 = arith.constant 0 : i32
      %add3A_41 = arith.addi %add3A_40, %mul3A_39 : i32
      %add3A_42 = arith.constant 0 : i32
      %add3A_43 = arith.addi %add3A_41, %add3A_42 : i32
      %mul3A_44 = arith.constant 16 : i32
      %mul3A_45 = arith.muli %add3A_43, %mul3A_44 : i32
      %mul3A_46 = arith.constant 16 : i32
      %mul3A_47 = arith.muli %add3A_43, %mul3A_46 : i32
      %dma_wait3A_48 = tpu.memref_slice %arg7[%mul3A_45] : memref<512xi32, #tpu.memory_space<vmem>> -> memref<16xi32, #tpu.memory_space<vmem>>
      %dma_wait3A_49 = arith.constant 0 : i32
      %dma_wait3A_50 = arith.constant 0 : i32
      %dma_wait3A_51 = tpu.memref_slice %arg2[%dma_wait3A_49, %dma_wait3A_50] : memref<50304x1024xf32, #tpu.memory_space<hbm>> -> memref<50304x1024xf32, #tpu.memory_space<hbm>>
      tpu.wait_indirect_dma semaphore(%arg15 : memref<!tpu.dma_semaphore, #tpu.memory_space<semaphore_mem>>) src(%dma_wait3A_51 : memref<50304x1024xf32, #tpu.memory_space<hbm>>) dst(%arg9 : memref<16x1024xf32, #tpu.memory_space<vmem>>)
      %dma_wait3A_52 = tpu.memref_slice %arg8[%mul3A_47] : memref<512xi32, #tpu.memory_space<vmem>> -> memref<16xi32, #tpu.memory_space<vmem>>
      %dma_wait3A_53 = arith.constant 0 : i32
      %dma_wait3A_54 = arith.constant 0 : i32
      %dma_wait3A_55 = tpu.memref_slice %arg3[%dma_wait3A_53, %dma_wait3A_54] : memref<4096x1024xf32, #tpu.memory_space<hbm>> -> memref<4096x1024xf32, #tpu.memory_space<hbm>>
      tpu.wait_indirect_dma semaphore(%arg17 : memref<!tpu.dma_semaphore, #tpu.memory_space<semaphore_mem>>) src(%dma_wait3A_55 : memref<4096x1024xf32, #tpu.memory_space<hbm>>) dst(%arg11 : memref<16x1024xf32, #tpu.memory_space<vmem>>)
      %ge3A = arith.constant 2 : i32
      %ge3A_56 = arith.cmpi sge, %add3A_43, %ge3A : i32
      %convert_element_type3A = arith.extui %ge3A_56 : i1 to i32
      %cond3A = arith.constant 0 : i32
      %cond3A_57 = arith.cmpi ne, %convert_element_type3A, %cond3A : i32
      scf.if %cond3A_57 {
        %sub3A = arith.constant 2 : i32
        %sub3A_114 = arith.subi %add3A_43, %sub3A : i32
        %mul3A_115 = arith.constant 16 : i32
        %mul3A_116 = arith.muli %sub3A_114, %mul3A_115 : i32
        %add3A_117 = arith.addi %mul3A_2, %mul3A_116 : i32
        %dma_wait3A_118 = arith.constant 0 : i32
        %dma_wait3A_119 = tpu.memref_slice %arg6[%add3A_117, %dma_wait3A_118] : memref<16384x1024xf32, #tpu.memory_space<hbm>> -> memref<16x1024xf32, #tpu.memory_space<hbm>>
        %dma_wait3A_120 = arith.constant 0 : i32
        %dma_wait3A_121 = tpu.memref_slice %arg6[%add3A_117, %dma_wait3A_120] : memref<16384x1024xf32, #tpu.memory_space<hbm>> -> memref<16x1024xf32, #tpu.memory_space<hbm>>
        tpu.wait_dma2 semaphore(%arg19 : memref<!tpu.dma_semaphore, #tpu.memory_space<semaphore_mem>>) src(%arg13 : memref<16x1024xf32, #tpu.memory_space<vmem>>) dst(%dma_wait3A_121 : memref<16x1024xf32, #tpu.memory_space<hbm>>)
      } else {
      }
      %scan3A_58 = arith.constant 0 : i32
      %scan3A_59 = arith.constant 16 : i32
      %scan3A_60 = arith.addi %scan3A_58, %scan3A_59 : i32
      %scan3A_61 = arith.constant 1 : i32
      scf.for %scan3A_114 = %scan3A_58 to %scan3A_60 step %scan3A_61  : i32 {
        %mul3A_115 = arith.constant 1 : i32
        %mul3A_116 = arith.muli %scan3A_114, %mul3A_115 : i32
        %add3A_117 = arith.constant 0 : i32
        %add3A_118 = arith.addi %add3A_117, %mul3A_116 : i32
        %get3A = arith.index_cast %add3A_118 : i32 to index
        %get3A_119 = arith.constant 0 : index
        %get3A_120 = tpu.vector_load %arg9[%get3A, %get3A_119] {strides = array<i32>} : memref<16x1024xf32, #tpu.memory_space<vmem>>, vector<1x16xf32>,
        %get3A_121 = vector.shape_cast %get3A_120 : vector<1x16xf32> to vector<16xf32>
        %get3A_122 = arith.index_cast %add3A_118 : i32 to index
        %get3A_123 = arith.constant 0 : index
        %get3A_124 = tpu.vector_load %arg11[%get3A_122, %get3A_123] {strides = array<i32>} : memref<16x1024xf32, #tpu.memory_space<vmem>>, vector<1x16xf32>,
        %get3A_125 = vector.shape_cast %get3A_124 : vector<1x16xf32> to vector<16xf32>
        %add3A_126 = arith.addf %get3A_121, %get3A_125 : vector<16xf32>
        %swap3A = arith.index_cast %add3A_118 : i32 to index
        %swap3A_127 = arith.constant 0 : index
        %swap3A_128 = tpu.vector_load %arg13[%swap3A, %swap3A_127] {strides = array<i32>} : memref<16x1024xf32, #tpu.memory_space<vmem>>, vector<1x16xf32>,
        %swap3A_129 = vector.shape_cast %swap3A_128 : vector<1x16xf32> to vector<16xf32>
        %swap3A_130 = vector.shape_cast %add3A_126 : vector<16xf32> to vector<1x16xf32>
        tpu.vector_store %arg13[%swap3A, %swap3A_127], %swap3A_130 {strides = array<i32>} : memref<16x1024xf32, #tpu.memory_space<vmem>>, vector<1x16xf32>,
        %get3A_131 = arith.index_cast %add3A_118 : i32 to index
        %get3A_132 = arith.constant 16 : index
        %get3A_133 = tpu.vector_load %arg9[%get3A_131, %get3A_132] {strides = array<i32>} : memref<16x1024xf32, #tpu.memory_space<vmem>>, vector<1x16xf32>,
        %get3A_134 = vector.shape_cast %get3A_133 : vector<1x16xf32> to vector<16xf32>
        %get3A_135 = arith.index_cast %add3A_118 : i32 to index
        %get3A_136 = arith.constant 16 : index
        %get3A_137 = tpu.vector_load %arg11[%get3A_135, %get3A_136] {strides = array<i32>} : memref<16x1024xf32, #tpu.memory_space<vmem>>, vector<1x16xf32>,
        %get3A_138 = vector.shape_cast %get3A_137 : vector<1x16xf32> to vector<16xf32>
        %add3A_139 = arith.addf %get3A_134, %get3A_138 : vector<16xf32>
        %swap3A_140 = arith.index_cast %add3A_118 : i32 to index
        %swap3A_141 = arith.constant 16 : index
        %swap3A_142 = tpu.vector_load %arg13[%swap3A_140, %swap3A_141] {strides = array<i32>} : memref<16x1024xf32, #tpu.memory_space<vmem>>, vector<1x16xf32>,
        %swap3A_143 = vector.shape_cast %swap3A_142 : vector<1x16xf32> to vector<16xf32>
        %swap3A_144 = vector.shape_cast %add3A_139 : vector<16xf32> to vector<1x16xf32>
        tpu.vector_store %arg13[%swap3A_140, %swap3A_141], %swap3A_144 {strides = array<i32>} : memref<16x1024xf32, #tpu.memory_space<vmem>>, vector<1x16xf32>,
        %get3A_145 = arith.index_cast %add3A_118 : i32 to index
        %get3A_146 = arith.constant 32 : index
        %get3A_147 = tpu.vector_load %arg9[%get3A_145, %get3A_146] {strides = array<i32>} : memref<16x1024xf32, #tpu.memory_space<vmem>>, vector<1x16xf32>,
        %get3A_148 = vector.shape_cast %get3A_147 : vector<1x16xf32> to vector<16xf32>
        %get3A_149 = arith.index_cast %add3A_118 : i32 to index
        %get3A_150 = arith.constant 32 : index
        %get3A_151 = tpu.vector_load %arg11[%get3A_149, %get3A_150] {strides = array<i32>} : memref<16x1024xf32, #tpu.memory_space<vmem>>, vector<1x16xf32>,
        %get3A_152 = vector.shape_cast %get3A_151 : vector<1x16xf32> to vector<16xf32>
        %add3A_153 = arith.addf %get3A_148, %get3A_152 : vector<16xf32>
        %swap3A_154 = arith.index_cast %add3A_118 : i32 to index
        %swap3A_155 = arith.constant 32 : index
        %swap3A_156 = tpu.vector_load %arg13[%swap3A_154, %swap3A_155] {strides = array<i32>} : memref<16x1024xf32, #tpu.memory_space<vmem>>, vector<1x16xf32>,
        %swap3A_157 = vector.shape_cast %swap3A_156 : vector<1x16xf32> to vector<16xf32>
        %swap3A_158 = vector.shape_cast %add3A_153 : vector<16xf32> to vector<1x16xf32>
        tpu.vector_store %arg13[%swap3A_154, %swap3A_155], %swap3A_158 {strides = array<i32>} : memref<16x1024xf32, #tpu.memory_space<vmem>>, vector<1x16xf32>,
        %get3A_159 = arith.index_cast %add3A_118 : i32 to index
        %get3A_160 = arith.constant 48 : index
        %get3A_161 = tpu.vector_load %arg9[%get3A_159, %get3A_160] {strides = array<i32>} : memref<16x1024xf32, #tpu.memory_space<vmem>>, vector<1x16xf32>,
        %get3A_162 = vector.shape_cast %get3A_161 : vector<1x16xf32> to vector<16xf32>
        %get3A_163 = arith.index_cast %add3A_118 : i32 to index
        %get3A_164 = arith.constant 48 : index
        %get3A_165 = tpu.vector_load %arg11[%get3A_163, %get3A_164] {strides = array<i32>} : memref<16x1024xf32, #tpu.memory_space<vmem>>, vector<1x16xf32>,
        %get3A_166 = vector.shape_cast %get3A_165 : vector<1x16xf32> to vector<16xf32>
        %add3A_167 = arith.addf %get3A_162, %get3A_166 : vector<16xf32>
        %swap3A_168 = arith.index_cast %add3A_118 : i32 to index
        %swap3A_169 = arith.constant 48 : index
        %swap3A_170 = tpu.vector_load %arg13[%swap3A_168, %swap3A_169] {strides = array<i32>} : memref<16x1024xf32, #tpu.memory_space<vmem>>, vector<1x16xf32>,
        %swap3A_171 = vector.shape_cast %swap3A_170 : vector<1x16xf32> to vector<16xf32>
        %swap3A_172 = vector.shape_cast %add3A_167 : vector<16xf32> to vector<1x16xf32>
        tpu.vector_store %arg13[%swap3A_168, %swap3A_169], %swap3A_172 {strides = array<i32>} : memref<16x1024xf32, #tpu.memory_space<vmem>>, vector<1x16xf32>,
        %get3A_173 = arith.index_cast %add3A_118 : i32 to index
        %get3A_174 = arith.constant 64 : index
        %get3A_175 = tpu.vector_load %arg9[%get3A_173, %get3A_174] {strides = array<i32>} : memref<16x1024xf32, #tpu.memory_space<vmem>>, vector<1x16xf32>,
        %get3A_176 = vector.shape_cast %get3A_175 : vector<1x16xf32> to vector<16xf32>
        %get3A_177 = arith.index_cast %add3A_118 : i32 to index
        %get3A_178 = arith.constant 64 : index
        %get3A_179 = tpu.vector_load %arg11[%get3A_177, %get3A_178] {strides = array<i32>} : memref<16x1024xf32, #tpu.memory_space<vmem>>, vector<1x16xf32>,
        %get3A_180 = vector.shape_cast %get3A_179 : vector<1x16xf32> to vector<16xf32>
        %add3A_181 = arith.addf %get3A_176, %get3A_180 : vector<16xf32>
        %swap3A_182 = arith.index_cast %add3A_118 : i32 to index
        %swap3A_183 = arith.constant 64 : index
        %swap3A_184 = tpu.vector_load %arg13[%swap3A_182, %swap3A_183] {strides = array<i32>} : memref<16x1024xf32, #tpu.memory_space<vmem>>, vector<1x16xf32>,
        %swap3A_185 = vector.shape_cast %swap3A_184 : vector<1x16xf32> to vector<16xf32>
        %swap3A_186 = vector.shape_cast %add3A_181 : vector<16xf32> to vector<1x16xf32>
        tpu.vector_store %arg13[%swap3A_182, %swap3A_183], %swap3A_186 {strides = array<i32>} : memref<16x1024xf32, #tpu.memory_space<vmem>>, vector<1x16xf32>,
        %get3A_187 = arith.index_cast %add3A_118 : i32 to index
        %get3A_188 = arith.constant 80 : index
        %get3A_189 = tpu.vector_load %arg9[%get3A_187, %get3A_188] {strides = array<i32>} : memref<16x1024xf32, #tpu.memory_space<vmem>>, vector<1x16xf32>,
        %get3A_190 = vector.shape_cast %get3A_189 : vector<1x16xf32> to vector<16xf32>
        %get3A_191 = arith.index_cast %add3A_118 : i32 to index
        %get3A_192 = arith.constant 80 : index
        %get3A_193 = tpu.vector_load %arg11[%get3A_191, %get3A_192] {strides = array<i32>} : memref<16x1024xf32, #tpu.memory_space<vmem>>, vector<1x16xf32>,
        %get3A_194 = vector.shape_cast %get3A_193 : vector<1x16xf32> to vector<16xf32>
        %add3A_195 = arith.addf %get3A_190, %get3A_194 : vector<16xf32>
        %swap3A_196 = arith.index_cast %add3A_118 : i32 to index
        %swap3A_197 = arith.constant 80 : index
        %swap3A_198 = tpu.vector_load %arg13[%swap3A_196, %swap3A_197] {strides = array<i32>} : memref<16x1024xf32, #tpu.memory_space<vmem>>, vector<1x16xf32>,
        %swap3A_199 = vector.shape_cast %swap3A_198 : vector<1x16xf32> to vector<16xf32>
        %swap3A_200 = vector.shape_cast %add3A_195 : vector<16xf32> to vector<1x16xf32>
        tpu.vector_store %arg13[%swap3A_196, %swap3A_197], %swap3A_200 {strides = array<i32>} : memref<16x1024xf32, #tpu.memory_space<vmem>>, vector<1x16xf32>,
        %get3A_201 = arith.index_cast %add3A_118 : i32 to index
        %get3A_202 = arith.constant 96 : index
        %get3A_203 = tpu.vector_load %arg9[%get3A_201, %get3A_202] {strides = array<i32>} : memref<16x1024xf32, #tpu.memory_space<vmem>>, vector<1x16xf32>,
        %get3A_204 = vector.shape_cast %get3A_203 : vector<1x16xf32> to vector<16xf32>
        %get3A_205 = arith.index_cast %add3A_118 : i32 to index
        %get3A_206 = arith.constant 96 : index
        %get3A_207 = tpu.vector_load %arg11[%get3A_205, %get3A_206] {strides = array<i32>} : memref<16x1024xf32, #tpu.memory_space<vmem>>, vector<1x16xf32>,
        %get3A_208 = vector.shape_cast %get3A_207 : vector<1x16xf32> to vector<16xf32>
        %add3A_209 = arith.addf %get3A_204, %get3A_208 : vector<16xf32>
        %swap3A_210 = arith.index_cast %add3A_118 : i32 to index
        %swap3A_211 = arith.constant 96 : index
        %swap3A_212 = tpu.vector_load %arg13[%swap3A_210, %swap3A_211] {strides = array<i32>} : memref<16x1024xf32, #tpu.memory_space<vmem>>, vector<1x16xf32>,
        %swap3A_213 = vector.shape_cast %swap3A_212 : vector<1x16xf32> to vector<16xf32>
        %swap3A_214 = vector.shape_cast %add3A_209 : vector<16xf32> to vector<1x16xf32>
        tpu.vector_store %arg13[%swap3A_210, %swap3A_211], %swap3A_214 {strides = array<i32>} : memref<16x1024xf32, #tpu.memory_space<vmem>>, vector<1x16xf32>,
        %get3A_215 = arith.index_cast %add3A_118 : i32 to index
        %get3A_216 = arith.constant 112 : index
        %get3A_217 = tpu.vector_load %arg9[%get3A_215, %get3A_216] {strides = array<i32>} : memref<16x1024xf32, #tpu.memory_space<vmem>>, vector<1x16xf32>,
        %get3A_218 = vector.shape_cast %get3A_217 : vector<1x16xf32> to vector<16xf32>
        %get3A_219 = arith.index_cast %add3A_118 : i32 to index
        %get3A_220 = arith.constant 112 : index
        %get3A_221 = tpu.vector_load %arg11[%get3A_219, %get3A_220] {strides = array<i32>} : memref<16x1024xf32, #tpu.memory_space<vmem>>, vector<1x16xf32>,
        %get3A_222 = vector.shape_cast %get3A_221 : vector<1x16xf32> to vector<16xf32>
        %add3A_223 = arith.addf %get3A_218, %get3A_222 : vector<16xf32>
        %swap3A_224 = arith.index_cast %add3A_118 : i32 to index
        %swap3A_225 = arith.constant 112 : index
        %swap3A_226 = tpu.vector_load %arg13[%swap3A_224, %swap3A_225] {strides = array<i32>} : memref<16x1024xf32, #tpu.memory_space<vmem>>, vector<1x16xf32>,
        %swap3A_227 = vector.shape_cast %swap3A_226 : vector<1x16xf32> to vector<16xf32>
        %swap3A_228 = vector.shape_cast %add3A_223 : vector<16xf32> to vector<1x16xf32>
        tpu.vector_store %arg13[%swap3A_224, %swap3A_225], %swap3A_228 {strides = array<i32>} : memref<16x1024xf32, #tpu.memory_space<vmem>>, vector<1x16xf32>,
        %get3A_229 = arith.index_cast %add3A_118 : i32 to index
        %get3A_230 = arith.constant 128 : index
        %get3A_231 = tpu.vector_load %arg9[%get3A_229, %get3A_230] {strides = array<i32>} : memref<16x1024xf32, #tpu.memory_space<vmem>>, vector<1x16xf32>,
        %get3A_232 = vector.shape_cast %get3A_231 : vector<1x16xf32> to vector<16xf32>
        %get3A_233 = arith.index_cast %add3A_118 : i32 to index
        %get3A_234 = arith.constant 128 : index
        %get3A_235 = tpu.vector_load %arg11[%get3A_233, %get3A_234] {strides = array<i32>} : memref<16x1024xf32, #tpu.memory_space<vmem>>, vector<1x16xf32>,
        %get3A_236 = vector.shape_cast %get3A_235 : vector<1x16xf32> to vector<16xf32>
        %add3A_237 = arith.addf %get3A_232, %get3A_236 : vector<16xf32>
        %swap3A_238 = arith.index_cast %add3A_118 : i32 to index
        %swap3A_239 = arith.constant 128 : index
        %swap3A_240 = tpu.vector_load %arg13[%swap3A_238, %swap3A_239] {strides = array<i32>} : memref<16x1024xf32, #tpu.memory_space<vmem>>, vector<1x16xf32>,
        %swap3A_241 = vector.shape_cast %swap3A_240 : vector<1x16xf32> to vector<16xf32>
        %swap3A_242 = vector.shape_cast %add3A_237 : vector<16xf32> to vector<1x16xf32>
        tpu.vector_store %arg13[%swap3A_238, %swap3A_239], %swap3A_242 {strides = array<i32>} : memref<16x1024xf32, #tpu.memory_space<vmem>>, vector<1x16xf32>,
        %get3A_243 = arith.index_cast %add3A_118 : i32 to index
        %get3A_244 = arith.constant 144 : index
        %get3A_245 = tpu.vector_load %arg9[%get3A_243, %get3A_244] {strides = array<i32>} : memref<16x1024xf32, #tpu.memory_space<vmem>>, vector<1x16xf32>,
        %get3A_246 = vector.shape_cast %get3A_245 : vector<1x16xf32> to vector<16xf32>
        %get3A_247 = arith.index_cast %add3A_118 : i32 to index
        %get3A_248 = arith.constant 144 : index
        %get3A_249 = tpu.vector_load %arg11[%get3A_247, %get3A_248] {strides = array<i32>} : memref<16x1024xf32, #tpu.memory_space<vmem>>, vector<1x16xf32>,
        %get3A_250 = vector.shape_cast %get3A_249 : vector<1x16xf32> to vector<16xf32>
        %add3A_251 = arith.addf %get3A_246, %get3A_250 : vector<16xf32>
        %swap3A_252 = arith.index_cast %add3A_118 : i32 to index
        %swap3A_253 = arith.constant 144 : index
        %swap3A_254 = tpu.vector_load %arg13[%swap3A_252, %swap3A_253] {strides = array<i32>} : memref<16x1024xf32, #tpu.memory_space<vmem>>, vector<1x16xf32>,
        %swap3A_255 = vector.shape_cast %swap3A_254 : vector<1x16xf32> to vector<16xf32>
        %swap3A_256 = vector.shape_cast %add3A_251 : vector<16xf32> to vector<1x16xf32>
        tpu.vector_store %arg13[%swap3A_252, %swap3A_253], %swap3A_256 {strides = array<i32>} : memref<16x1024xf32, #tpu.memory_space<vmem>>, vector<1x16xf32>,
        %get3A_257 = arith.index_cast %add3A_118 : i32 to index
        %get3A_258 = arith.constant 160 : index
        %get3A_259 = tpu.vector_load %arg9[%get3A_257, %get3A_258] {strides = array<i32>} : memref<16x1024xf32, #tpu.memory_space<vmem>>, vector<1x16xf32>,
        %get3A_260 = vector.shape_cast %get3A_259 : vector<1x16xf32> to vector<16xf32>
        %get3A_261 = arith.index_cast %add3A_118 : i32 to index
        %get3A_262 = arith.constant 160 : index
        %get3A_263 = tpu.vector_load %arg11[%get3A_261, %get3A_262] {strides = array<i32>} : memref<16x1024xf32, #tpu.memory_space<vmem>>, vector<1x16xf32>,
        %get3A_264 = vector.shape_cast %get3A_263 : vector<1x16xf32> to vector<16xf32>
        %add3A_265 = arith.addf %get3A_260, %get3A_264 : vector<16xf32>
        %swap3A_266 = arith.index_cast %add3A_118 : i32 to index
        %swap3A_267 = arith.constant 160 : index
        %swap3A_268 = tpu.vector_load %arg13[%swap3A_266, %swap3A_267] {strides = array<i32>} : memref<16x1024xf32, #tpu.memory_space<vmem>>, vector<1x16xf32>,
        %swap3A_269 = vector.shape_cast %swap3A_268 : vector<1x16xf32> to vector<16xf32>
        %swap3A_270 = vector.shape_cast %add3A_265 : vector<16xf32> to vector<1x16xf32>
        tpu.vector_store %arg13[%swap3A_266, %swap3A_267], %swap3A_270 {strides = array<i32>} : memref<16x1024xf32, #tpu.memory_space<vmem>>, vector<1x16xf32>,
        %get3A_271 = arith.index_cast %add3A_118 : i32 to index
        %get3A_272 = arith.constant 176 : index
        %get3A_273 = tpu.vector_load %arg9[%get3A_271, %get3A_272] {strides = array<i32>} : memref<16x1024xf32, #tpu.memory_space<vmem>>, vector<1x16xf32>,
        %get3A_274 = vector.shape_cast %get3A_273 : vector<1x16xf32> to vector<16xf32>
        %get3A_275 = arith.index_cast %add3A_118 : i32 to index
        %get3A_276 = arith.constant 176 : index
        %get3A_277 = tpu.vector_load %arg11[%get3A_275, %get3A_276] {strides = array<i32>} : memref<16x1024xf32, #tpu.memory_space<vmem>>, vector<1x16xf32>,
        %get3A_278 = vector.shape_cast %get3A_277 : vector<1x16xf32> to vector<16xf32>
        %add3A_279 = arith.addf %get3A_274, %get3A_278 : vector<16xf32>
        %swap3A_280 = arith.index_cast %add3A_118 : i32 to index
        %swap3A_281 = arith.constant 176 : index
        %swap3A_282 = tpu.vector_load %arg13[%swap3A_280, %swap3A_281] {strides = array<i32>} : memref<16x1024xf32, #tpu.memory_space<vmem>>, vector<1x16xf32>,
        %swap3A_283 = vector.shape_cast %swap3A_282 : vector<1x16xf32> to vector<16xf32>
        %swap3A_284 = vector.shape_cast %add3A_279 : vector<16xf32> to vector<1x16xf32>
        tpu.vector_store %arg13[%swap3A_280, %swap3A_281], %swap3A_284 {strides = array<i32>} : memref<16x1024xf32, #tpu.memory_space<vmem>>, vector<1x16xf32>,
        %get3A_285 = arith.index_cast %add3A_118 : i32 to index
        %get3A_286 = arith.constant 192 : index
        %get3A_287 = tpu.vector_load %arg9[%get3A_285, %get3A_286] {strides = array<i32>} : memref<16x1024xf32, #tpu.memory_space<vmem>>, vector<1x16xf32>,
        %get3A_288 = vector.shape_cast %get3A_287 : vector<1x16xf32> to vector<16xf32>
        %get3A_289 = arith.index_cast %add3A_118 : i32 to index
        %get3A_290 = arith.constant 192 : index
        %get3A_291 = tpu.vector_load %arg11[%get3A_289, %get3A_290] {strides = array<i32>} : memref<16x1024xf32, #tpu.memory_space<vmem>>, vector<1x16xf32>,
        %get3A_292 = vector.shape_cast %get3A_291 : vector<1x16xf32> to vector<16xf32>
        %add3A_293 = arith.addf %get3A_288, %get3A_292 : vector<16xf32>
        %swap3A_294 = arith.index_cast %add3A_118 : i32 to index
        %swap3A_295 = arith.constant 192 : index
        %swap3A_296 = tpu.vector_load %arg13[%swap3A_294, %swap3A_295] {strides = array<i32>} : memref<16x1024xf32, #tpu.memory_space<vmem>>, vector<1x16xf32>,
        %swap3A_297 = vector.shape_cast %swap3A_296 : vector<1x16xf32> to vector<16xf32>
        %swap3A_298 = vector.shape_cast %add3A_293 : vector<16xf32> to vector<1x16xf32>
        tpu.vector_store %arg13[%swap3A_294, %swap3A_295], %swap3A_298 {strides = array<i32>} : memref<16x1024xf32, #tpu.memory_space<vmem>>, vector<1x16xf32>,
        %get3A_299 = arith.index_cast %add3A_118 : i32 to index
        %get3A_300 = arith.constant 208 : index
        %get3A_301 = tpu.vector_load %arg9[%get3A_299, %get3A_300] {strides = array<i32>} : memref<16x1024xf32, #tpu.memory_space<vmem>>, vector<1x16xf32>,
        %get3A_302 = vector.shape_cast %get3A_301 : vector<1x16xf32> to vector<16xf32>
        %get3A_303 = arith.index_cast %add3A_118 : i32 to index
        %get3A_304 = arith.constant 208 : index
        %get3A_305 = tpu.vector_load %arg11[%get3A_303, %get3A_304] {strides = array<i32>} : memref<16x1024xf32, #tpu.memory_space<vmem>>, vector<1x16xf32>,
        %get3A_306 = vector.shape_cast %get3A_305 : vector<1x16xf32> to vector<16xf32>
        %add3A_307 = arith.addf %get3A_302, %get3A_306 : vector<16xf32>
        %swap3A_308 = arith.index_cast %add3A_118 : i32 to index
        %swap3A_309 = arith.constant 208 : index
        %swap3A_310 = tpu.vector_load %arg13[%swap3A_308, %swap3A_309] {strides = array<i32>} : memref<16x1024xf32, #tpu.memory_space<vmem>>, vector<1x16xf32>,
        %swap3A_311 = vector.shape_cast %swap3A_310 : vector<1x16xf32> to vector<16xf32>
        %swap3A_312 = vector.shape_cast %add3A_307 : vector<16xf32> to vector<1x16xf32>
        tpu.vector_store %arg13[%swap3A_308, %swap3A_309], %swap3A_312 {strides = array<i32>} : memref<16x1024xf32, #tpu.memory_space<vmem>>, vector<1x16xf32>,
        %get3A_313 = arith.index_cast %add3A_118 : i32 to index
        %get3A_314 = arith.constant 224 : index
        %get3A_315 = tpu.vector_load %arg9[%get3A_313, %get3A_314] {strides = array<i32>} : memref<16x1024xf32, #tpu.memory_space<vmem>>, vector<1x16xf32>,
        %get3A_316 = vector.shape_cast %get3A_315 : vector<1x16xf32> to vector<16xf32>
        %get3A_317 = arith.index_cast %add3A_118 : i32 to index
        %get3A_318 = arith.constant 224 : index
        %get3A_319 = tpu.vector_load %arg11[%get3A_317, %get3A_318] {strides = array<i32>} : memref<16x1024xf32, #tpu.memory_space<vmem>>, vector<1x16xf32>,
        %get3A_320 = vector.shape_cast %get3A_319 : vector<1x16xf32> to vector<16xf32>
        %add3A_321 = arith.addf %get3A_316, %get3A_320 : vector<16xf32>
        %swap3A_322 = arith.index_cast %add3A_118 : i32 to index
        %swap3A_323 = arith.constant 224 : index
        %swap3A_324 = tpu.vector_load %arg13[%swap3A_322, %swap3A_323] {strides = array<i32>} : memref<16x1024xf32, #tpu.memory_space<vmem>>, vector<1x16xf32>,
        %swap3A_325 = vector.shape_cast %swap3A_324 : vector<1x16xf32> to vector<16xf32>
        %swap3A_326 = vector.shape_cast %add3A_321 : vector<16xf32> to vector<1x16xf32>
        tpu.vector_store %arg13[%swap3A_322, %swap3A_323], %swap3A_326 {strides = array<i32>} : memref<16x1024xf32, #tpu.memory_space<vmem>>, vector<1x16xf32>,
        %get3A_327 = arith.index_cast %add3A_118 : i32 to index
        %get3A_328 = arith.constant 240 : index
        %get3A_329 = tpu.vector_load %arg9[%get3A_327, %get3A_328] {strides = array<i32>} : memref<16x1024xf32, #tpu.memory_space<vmem>>, vector<1x16xf32>,
        %get3A_330 = vector.shape_cast %get3A_329 : vector<1x16xf32> to vector<16xf32>
        %get3A_331 = arith.index_cast %add3A_118 : i32 to index
        %get3A_332 = arith.constant 240 : index
        %get3A_333 = tpu.vector_load %arg11[%get3A_331, %get3A_332] {strides = array<i32>} : memref<16x1024xf32, #tpu.memory_space<vmem>>, vector<1x16xf32>,
        %get3A_334 = vector.shape_cast %get3A_333 : vector<1x16xf32> to vector<16xf32>
        %add3A_335 = arith.addf %get3A_330, %get3A_334 : vector<16xf32>
        %swap3A_336 = arith.index_cast %add3A_118 : i32 to index
        %swap3A_337 = arith.constant 240 : index
        %swap3A_338 = tpu.vector_load %arg13[%swap3A_336, %swap3A_337] {strides = array<i32>} : memref<16x1024xf32, #tpu.memory_space<vmem>>, vector<1x16xf32>,
        %swap3A_339 = vector.shape_cast %swap3A_338 : vector<1x16xf32> to vector<16xf32>
        %swap3A_340 = vector.shape_cast %add3A_335 : vector<16xf32> to vector<1x16xf32>
        tpu.vector_store %arg13[%swap3A_336, %swap3A_337], %swap3A_340 {strides = array<i32>} : memref<16x1024xf32, #tpu.memory_space<vmem>>, vector<1x16xf32>,
        %get3A_341 = arith.index_cast %add3A_118 : i32 to index
        %get3A_342 = arith.constant 256 : index
        %get3A_343 = tpu.vector_load %arg9[%get3A_341, %get3A_342] {strides = array<i32>} : memref<16x1024xf32, #tpu.memory_space<vmem>>, vector<1x16xf32>,
        %get3A_344 = vector.shape_cast %get3A_343 : vector<1x16xf32> to vector<16xf32>
        %get3A_345 = arith.index_cast %add3A_118 : i32 to index
        %get3A_346 = arith.constant 256 : index
        %get3A_347 = tpu.vector_load %arg11[%get3A_345, %get3A_346] {strides = array<i32>} : memref<16x1024xf32, #tpu.memory_space<vmem>>, vector<1x16xf32>,
        %get3A_348 = vector.shape_cast %get3A_347 : vector<1x16xf32> to vector<16xf32>
        %add3A_349 = arith.addf %get3A_344, %get3A_348 : vector<16xf32>
        %swap3A_350 = arith.index_cast %add3A_118 : i32 to index
        %swap3A_351 = arith.constant 256 : index
        %swap3A_352 = tpu.vector_load %arg13[%swap3A_350, %swap3A_351] {strides = array<i32>} : memref<16x1024xf32, #tpu.memory_space<vmem>>, vector<1x16xf32>,
        %swap3A_353 = vector.shape_cast %swap3A_352 : vector<1x16xf32> to vector<16xf32>
        %swap3A_354 = vector.shape_cast %add3A_349 : vector<16xf32> to vector<1x16xf32>
        tpu.vector_store %arg13[%swap3A_350, %swap3A_351], %swap3A_354 {strides = array<i32>} : memref<16x1024xf32, #tpu.memory_space<vmem>>, vector<1x16xf32>,
        %get3A_355 = arith.index_cast %add3A_118 : i32 to index
        %get3A_356 = arith.constant 272 : index
        %get3A_357 = tpu.vector_load %arg9[%get3A_355, %get3A_356] {strides = array<i32>} : memref<16x1024xf32, #tpu.memory_space<vmem>>, vector<1x16xf32>,
        %get3A_358 = vector.shape_cast %get3A_357 : vector<1x16xf32> to vector<16xf32>
        %get3A_359 = arith.index_cast %add3A_118 : i32 to index
        %get3A_360 = arith.constant 272 : index
        %get3A_361 = tpu.vector_load %arg11[%get3A_359, %get3A_360] {strides = array<i32>} : memref<16x1024xf32, #tpu.memory_space<vmem>>, vector<1x16xf32>,
        %get3A_362 = vector.shape_cast %get3A_361 : vector<1x16xf32> to vector<16xf32>
        %add3A_363 = arith.addf %get3A_358, %get3A_362 : vector<16xf32>
        %swap3A_364 = arith.index_cast %add3A_118 : i32 to index
        %swap3A_365 = arith.constant 272 : index
        %swap3A_366 = tpu.vector_load %arg13[%swap3A_364, %swap3A_365] {strides = array<i32>} : memref<16x1024xf32, #tpu.memory_space<vmem>>, vector<1x16xf32>,
        %swap3A_367 = vector.shape_cast %swap3A_366 : vector<1x16xf32> to vector<16xf32>
        %swap3A_368 = vector.shape_cast %add3A_363 : vector<16xf32> to vector<1x16xf32>
        tpu.vector_store %arg13[%swap3A_364, %swap3A_365], %swap3A_368 {strides = array<i32>} : memref<16x1024xf32, #tpu.memory_space<vmem>>, vector<1x16xf32>,
        %get3A_369 = arith.index_cast %add3A_118 : i32 to index
        %get3A_370 = arith.constant 288 : index
        %get3A_371 = tpu.vector_load %arg9[%get3A_369, %get3A_370] {strides = array<i32>} : memref<16x1024xf32, #tpu.memory_space<vmem>>, vector<1x16xf32>,
        %get3A_372 = vector.shape_cast %get3A_371 : vector<1x16xf32> to vector<16xf32>
        %get3A_373 = arith.index_cast %add3A_118 : i32 to index
        %get3A_374 = arith.constant 288 : index
        %get3A_375 = tpu.vector_load %arg11[%get3A_373, %get3A_374] {strides = array<i32>} : memref<16x1024xf32, #tpu.memory_space<vmem>>, vector<1x16xf32>,
        %get3A_376 = vector.shape_cast %get3A_375 : vector<1x16xf32> to vector<16xf32>
        %add3A_377 = arith.addf %get3A_372, %get3A_376 : vector<16xf32>
        %swap3A_378 = arith.index_cast %add3A_118 : i32 to index
        %swap3A_379 = arith.constant 288 : index
        %swap3A_380 = tpu.vector_load %arg13[%swap3A_378, %swap3A_379] {strides = array<i32>} : memref<16x1024xf32, #tpu.memory_space<vmem>>, vector<1x16xf32>,
        %swap3A_381 = vector.shape_cast %swap3A_380 : vector<1x16xf32> to vector<16xf32>
        %swap3A_382 = vector.shape_cast %add3A_377 : vector<16xf32> to vector<1x16xf32>
        tpu.vector_store %arg13[%swap3A_378, %swap3A_379], %swap3A_382 {strides = array<i32>} : memref<16x1024xf32, #tpu.memory_space<vmem>>, vector<1x16xf32>,
        %get3A_383 = arith.index_cast %add3A_118 : i32 to index
        %get3A_384 = arith.constant 304 : index
        %get3A_385 = tpu.vector_load %arg9[%get3A_383, %get3A_384] {strides = array<i32>} : memref<16x1024xf32, #tpu.memory_space<vmem>>, vector<1x16xf32>,
        %get3A_386 = vector.shape_cast %get3A_385 : vector<1x16xf32> to vector<16xf32>
        %get3A_387 = arith.index_cast %add3A_118 : i32 to index
        %get3A_388 = arith.constant 304 : index
        %get3A_389 = tpu.vector_load %arg11[%get3A_387, %get3A_388] {strides = array<i32>} : memref<16x1024xf32, #tpu.memory_space<vmem>>, vector<1x16xf32>,
        %get3A_390 = vector.shape_cast %get3A_389 : vector<1x16xf32> to vector<16xf32>
        %add3A_391 = arith.addf %get3A_386, %get3A_390 : vector<16xf32>
        %swap3A_392 = arith.index_cast %add3A_118 : i32 to index
        %swap3A_393 = arith.constant 304 : index
        %swap3A_394 = tpu.vector_load %arg13[%swap3A_392, %swap3A_393] {strides = array<i32>} : memref<16x1024xf32, #tpu.memory_space<vmem>>, vector<1x16xf32>,
        %swap3A_395 = vector.shape_cast %swap3A_394 : vector<1x16xf32> to vector<16xf32>
        %swap3A_396 = vector.shape_cast %add3A_391 : vector<16xf32> to vector<1x16xf32>
        tpu.vector_store %arg13[%swap3A_392, %swap3A_393], %swap3A_396 {strides = array<i32>} : memref<16x1024xf32, #tpu.memory_space<vmem>>, vector<1x16xf32>,
        %get3A_397 = arith.index_cast %add3A_118 : i32 to index
        %get3A_398 = arith.constant 320 : index
        %get3A_399 = tpu.vector_load %arg9[%get3A_397, %get3A_398] {strides = array<i32>} : memref<16x1024xf32, #tpu.memory_space<vmem>>, vector<1x16xf32>,
        %get3A_400 = vector.shape_cast %get3A_399 : vector<1x16xf32> to vector<16xf32>
        %get3A_401 = arith.index_cast %add3A_118 : i32 to index
        %get3A_402 = arith.constant 320 : index
        %get3A_403 = tpu.vector_load %arg11[%get3A_401, %get3A_402] {strides = array<i32>} : memref<16x1024xf32, #tpu.memory_space<vmem>>, vector<1x16xf32>,
        %get3A_404 = vector.shape_cast %get3A_403 : vector<1x16xf32> to vector<16xf32>
        %add3A_405 = arith.addf %get3A_400, %get3A_404 : vector<16xf32>
        %swap3A_406 = arith.index_cast %add3A_118 : i32 to index
        %swap3A_407 = arith.constant 320 : index
        %swap3A_408 = tpu.vector_load %arg13[%swap3A_406, %swap3A_407] {strides = array<i32>} : memref<16x1024xf32, #tpu.memory_space<vmem>>, vector<1x16xf32>,
        %swap3A_409 = vector.shape_cast %swap3A_408 : vector<1x16xf32> to vector<16xf32>
        %swap3A_410 = vector.shape_cast %add3A_405 : vector<16xf32> to vector<1x16xf32>
        tpu.vector_store %arg13[%swap3A_406, %swap3A_407], %swap3A_410 {strides = array<i32>} : memref<16x1024xf32, #tpu.memory_space<vmem>>, vector<1x16xf32>,
        %get3A_411 = arith.index_cast %add3A_118 : i32 to index
        %get3A_412 = arith.constant 336 : index
        %get3A_413 = tpu.vector_load %arg9[%get3A_411, %get3A_412] {strides = array<i32>} : memref<16x1024xf32, #tpu.memory_space<vmem>>, vector<1x16xf32>,
        %get3A_414 = vector.shape_cast %get3A_413 : vector<1x16xf32> to vector<16xf32>
        %get3A_415 = arith.index_cast %add3A_118 : i32 to index
        %get3A_416 = arith.constant 336 : index
        %get3A_417 = tpu.vector_load %arg11[%get3A_415, %get3A_416] {strides = array<i32>} : memref<16x1024xf32, #tpu.memory_space<vmem>>, vector<1x16xf32>,
        %get3A_418 = vector.shape_cast %get3A_417 : vector<1x16xf32> to vector<16xf32>
        %add3A_419 = arith.addf %get3A_414, %get3A_418 : vector<16xf32>
        %swap3A_420 = arith.index_cast %add3A_118 : i32 to index
        %swap3A_421 = arith.constant 336 : index
        %swap3A_422 = tpu.vector_load %arg13[%swap3A_420, %swap3A_421] {strides = array<i32>} : memref<16x1024xf32, #tpu.memory_space<vmem>>, vector<1x16xf32>,
        %swap3A_423 = vector.shape_cast %swap3A_422 : vector<1x16xf32> to vector<16xf32>
        %swap3A_424 = vector.shape_cast %add3A_419 : vector<16xf32> to vector<1x16xf32>
        tpu.vector_store %arg13[%swap3A_420, %swap3A_421], %swap3A_424 {strides = array<i32>} : memref<16x1024xf32, #tpu.memory_space<vmem>>, vector<1x16xf32>,
        %get3A_425 = arith.index_cast %add3A_118 : i32 to index
        %get3A_426 = arith.constant 352 : index
        %get3A_427 = tpu.vector_load %arg9[%get3A_425, %get3A_426] {strides = array<i32>} : memref<16x1024xf32, #tpu.memory_space<vmem>>, vector<1x16xf32>,
        %get3A_428 = vector.shape_cast %get3A_427 : vector<1x16xf32> to vector<16xf32>
        %get3A_429 = arith.index_cast %add3A_118 : i32 to index
        %get3A_430 = arith.constant 352 : index
        %get3A_431 = tpu.vector_load %arg11[%get3A_429, %get3A_430] {strides = array<i32>} : memref<16x1024xf32, #tpu.memory_space<vmem>>, vector<1x16xf32>,
        %get3A_432 = vector.shape_cast %get3A_431 : vector<1x16xf32> to vector<16xf32>
        %add3A_433 = arith.addf %get3A_428, %get3A_432 : vector<16xf32>
        %swap3A_434 = arith.index_cast %add3A_118 : i32 to index
        %swap3A_435 = arith.constant 352 : index
        %swap3A_436 = tpu.vector_load %arg13[%swap3A_434, %swap3A_435] {strides = array<i32>} : memref<16x1024xf32, #tpu.memory_space<vmem>>, vector<1x16xf32>,
        %swap3A_437 = vector.shape_cast %swap3A_436 : vector<1x16xf32> to vector<16xf32>
        %swap3A_438 = vector.shape_cast %add3A_433 : vector<16xf32> to vector<1x16xf32>
        tpu.vector_store %arg13[%swap3A_434, %swap3A_435], %swap3A_438 {strides = array<i32>} : memref<16x1024xf32, #tpu.memory_space<vmem>>, vector<1x16xf32>,
        %get3A_439 = arith.index_cast %add3A_118 : i32 to index
        %get3A_440 = arith.constant 368 : index
        %get3A_441 = tpu.vector_load %arg9[%get3A_439, %get3A_440] {strides = array<i32>} : memref<16x1024xf32, #tpu.memory_space<vmem>>, vector<1x16xf32>,
        %get3A_442 = vector.shape_cast %get3A_441 : vector<1x16xf32> to vector<16xf32>
        %get3A_443 = arith.index_cast %add3A_118 : i32 to index
        %get3A_444 = arith.constant 368 : index
        %get3A_445 = tpu.vector_load %arg11[%get3A_443, %get3A_444] {strides = array<i32>} : memref<16x1024xf32, #tpu.memory_space<vmem>>, vector<1x16xf32>,
        %get3A_446 = vector.shape_cast %get3A_445 : vector<1x16xf32> to vector<16xf32>
        %add3A_447 = arith.addf %get3A_442, %get3A_446 : vector<16xf32>
        %swap3A_448 = arith.index_cast %add3A_118 : i32 to index
        %swap3A_449 = arith.constant 368 : index
        %swap3A_450 = tpu.vector_load %arg13[%swap3A_448, %swap3A_449] {strides = array<i32>} : memref<16x1024xf32, #tpu.memory_space<vmem>>, vector<1x16xf32>,
        %swap3A_451 = vector.shape_cast %swap3A_450 : vector<1x16xf32> to vector<16xf32>
        %swap3A_452 = vector.shape_cast %add3A_447 : vector<16xf32> to vector<1x16xf32>
        tpu.vector_store %arg13[%swap3A_448, %swap3A_449], %swap3A_452 {strides = array<i32>} : memref<16x1024xf32, #tpu.memory_space<vmem>>, vector<1x16xf32>,
        %get3A_453 = arith.index_cast %add3A_118 : i32 to index
        %get3A_454 = arith.constant 384 : index
        %get3A_455 = tpu.vector_load %arg9[%get3A_453, %get3A_454] {strides = array<i32>} : memref<16x1024xf32, #tpu.memory_space<vmem>>, vector<1x16xf32>,
        %get3A_456 = vector.shape_cast %get3A_455 : vector<1x16xf32> to vector<16xf32>
        %get3A_457 = arith.index_cast %add3A_118 : i32 to index
        %get3A_458 = arith.constant 384 : index
        %get3A_459 = tpu.vector_load %arg11[%get3A_457, %get3A_458] {strides = array<i32>} : memref<16x1024xf32, #tpu.memory_space<vmem>>, vector<1x16xf32>,
        %get3A_460 = vector.shape_cast %get3A_459 : vector<1x16xf32> to vector<16xf32>
        %add3A_461 = arith.addf %get3A_456, %get3A_460 : vector<16xf32>
        %swap3A_462 = arith.index_cast %add3A_118 : i32 to index
        %swap3A_463 = arith.constant 384 : index
        %swap3A_464 = tpu.vector_load %arg13[%swap3A_462, %swap3A_463] {strides = array<i32>} : memref<16x1024xf32, #tpu.memory_space<vmem>>, vector<1x16xf32>,
        %swap3A_465 = vector.shape_cast %swap3A_464 : vector<1x16xf32> to vector<16xf32>
        %swap3A_466 = vector.shape_cast %add3A_461 : vector<16xf32> to vector<1x16xf32>
        tpu.vector_store %arg13[%swap3A_462, %swap3A_463], %swap3A_466 {strides = array<i32>} : memref<16x1024xf32, #tpu.memory_space<vmem>>, vector<1x16xf32>,
        %get3A_467 = arith.index_cast %add3A_118 : i32 to index
        %get3A_468 = arith.constant 400 : index
        %get3A_469 = tpu.vector_load %arg9[%get3A_467, %get3A_468] {strides = array<i32>} : memref<16x1024xf32, #tpu.memory_space<vmem>>, vector<1x16xf32>,
        %get3A_470 = vector.shape_cast %get3A_469 : vector<1x16xf32> to vector<16xf32>
        %get3A_471 = arith.index_cast %add3A_118 : i32 to index
        %get3A_472 = arith.constant 400 : index
        %get3A_473 = tpu.vector_load %arg11[%get3A_471, %get3A_472] {strides = array<i32>} : memref<16x1024xf32, #tpu.memory_space<vmem>>, vector<1x16xf32>,
        %get3A_474 = vector.shape_cast %get3A_473 : vector<1x16xf32> to vector<16xf32>
        %add3A_475 = arith.addf %get3A_470, %get3A_474 : vector<16xf32>
        %swap3A_476 = arith.index_cast %add3A_118 : i32 to index
        %swap3A_477 = arith.constant 400 : index
        %swap3A_478 = tpu.vector_load %arg13[%swap3A_476, %swap3A_477] {strides = array<i32>} : memref<16x1024xf32, #tpu.memory_space<vmem>>, vector<1x16xf32>,
        %swap3A_479 = vector.shape_cast %swap3A_478 : vector<1x16xf32> to vector<16xf32>
        %swap3A_480 = vector.shape_cast %add3A_475 : vector<16xf32> to vector<1x16xf32>
        tpu.vector_store %arg13[%swap3A_476, %swap3A_477], %swap3A_480 {strides = array<i32>} : memref<16x1024xf32, #tpu.memory_space<vmem>>, vector<1x16xf32>,
        %get3A_481 = arith.index_cast %add3A_118 : i32 to index
        %get3A_482 = arith.constant 416 : index
        %get3A_483 = tpu.vector_load %arg9[%get3A_481, %get3A_482] {strides = array<i32>} : memref<16x1024xf32, #tpu.memory_space<vmem>>, vector<1x16xf32>,
        %get3A_484 = vector.shape_cast %get3A_483 : vector<1x16xf32> to vector<16xf32>
        %get3A_485 = arith.index_cast %add3A_118 : i32 to index
        %get3A_486 = arith.constant 416 : index
        %get3A_487 = tpu.vector_load %arg11[%get3A_485, %get3A_486] {strides = array<i32>} : memref<16x1024xf32, #tpu.memory_space<vmem>>, vector<1x16xf32>,
        %get3A_488 = vector.shape_cast %get3A_487 : vector<1x16xf32> to vector<16xf32>
        %add3A_489 = arith.addf %get3A_484, %get3A_488 : vector<16xf32>
        %swap3A_490 = arith.index_cast %add3A_118 : i32 to index
        %swap3A_491 = arith.constant 416 : index
        %swap3A_492 = tpu.vector_load %arg13[%swap3A_490, %swap3A_491] {strides = array<i32>} : memref<16x1024xf32, #tpu.memory_space<vmem>>, vector<1x16xf32>,
        %swap3A_493 = vector.shape_cast %swap3A_492 : vector<1x16xf32> to vector<16xf32>
        %swap3A_494 = vector.shape_cast %add3A_489 : vector<16xf32> to vector<1x16xf32>
        tpu.vector_store %arg13[%swap3A_490, %swap3A_491], %swap3A_494 {strides = array<i32>} : memref<16x1024xf32, #tpu.memory_space<vmem>>, vector<1x16xf32>,
        %get3A_495 = arith.index_cast %add3A_118 : i32 to index
        %get3A_496 = arith.constant 432 : index
        %get3A_497 = tpu.vector_load %arg9[%get3A_495, %get3A_496] {strides = array<i32>} : memref<16x1024xf32, #tpu.memory_space<vmem>>, vector<1x16xf32>,
        %get3A_498 = vector.shape_cast %get3A_497 : vector<1x16xf32> to vector<16xf32>
        %get3A_499 = arith.index_cast %add3A_118 : i32 to index
        %get3A_500 = arith.constant 432 : index
        %get3A_501 = tpu.vector_load %arg11[%get3A_499, %get3A_500] {strides = array<i32>} : memref<16x1024xf32, #tpu.memory_space<vmem>>, vector<1x16xf32>,
        %get3A_502 = vector.shape_cast %get3A_501 : vector<1x16xf32> to vector<16xf32>
        %add3A_503 = arith.addf %get3A_498, %get3A_502 : vector<16xf32>
        %swap3A_504 = arith.index_cast %add3A_118 : i32 to index
        %swap3A_505 = arith.constant 432 : index
        %swap3A_506 = tpu.vector_load %arg13[%swap3A_504, %swap3A_505] {strides = array<i32>} : memref<16x1024xf32, #tpu.memory_space<vmem>>, vector<1x16xf32>,
        %swap3A_507 = vector.shape_cast %swap3A_506 : vector<1x16xf32> to vector<16xf32>
        %swap3A_508 = vector.shape_cast %add3A_503 : vector<16xf32> to vector<1x16xf32>
        tpu.vector_store %arg13[%swap3A_504, %swap3A_505], %swap3A_508 {strides = array<i32>} : memref<16x1024xf32, #tpu.memory_space<vmem>>, vector<1x16xf32>,
        %get3A_509 = arith.index_cast %add3A_118 : i32 to index
        %get3A_510 = arith.constant 448 : index
        %get3A_511 = tpu.vector_load %arg9[%get3A_509, %get3A_510] {strides = array<i32>} : memref<16x1024xf32, #tpu.memory_space<vmem>>, vector<1x16xf32>,
        %get3A_512 = vector.shape_cast %get3A_511 : vector<1x16xf32> to vector<16xf32>
        %get3A_513 = arith.index_cast %add3A_118 : i32 to index
        %get3A_514 = arith.constant 448 : index
        %get3A_515 = tpu.vector_load %arg11[%get3A_513, %get3A_514] {strides = array<i32>} : memref<16x1024xf32, #tpu.memory_space<vmem>>, vector<1x16xf32>,
        %get3A_516 = vector.shape_cast %get3A_515 : vector<1x16xf32> to vector<16xf32>
        %add3A_517 = arith.addf %get3A_512, %get3A_516 : vector<16xf32>
        %swap3A_518 = arith.index_cast %add3A_118 : i32 to index
        %swap3A_519 = arith.constant 448 : index
        %swap3A_520 = tpu.vector_load %arg13[%swap3A_518, %swap3A_519] {strides = array<i32>} : memref<16x1024xf32, #tpu.memory_space<vmem>>, vector<1x16xf32>,
        %swap3A_521 = vector.shape_cast %swap3A_520 : vector<1x16xf32> to vector<16xf32>
        %swap3A_522 = vector.shape_cast %add3A_517 : vector<16xf32> to vector<1x16xf32>
        tpu.vector_store %arg13[%swap3A_518, %swap3A_519], %swap3A_522 {strides = array<i32>} : memref<16x1024xf32, #tpu.memory_space<vmem>>, vector<1x16xf32>,
        %get3A_523 = arith.index_cast %add3A_118 : i32 to index
        %get3A_524 = arith.constant 464 : index
        %get3A_525 = tpu.vector_load %arg9[%get3A_523, %get3A_524] {strides = array<i32>} : memref<16x1024xf32, #tpu.memory_space<vmem>>, vector<1x16xf32>,
        %get3A_526 = vector.shape_cast %get3A_525 : vector<1x16xf32> to vector<16xf32>
        %get3A_527 = arith.index_cast %add3A_118 : i32 to index
        %get3A_528 = arith.constant 464 : index
        %get3A_529 = tpu.vector_load %arg11[%get3A_527, %get3A_528] {strides = array<i32>} : memref<16x1024xf32, #tpu.memory_space<vmem>>, vector<1x16xf32>,
        %get3A_530 = vector.shape_cast %get3A_529 : vector<1x16xf32> to vector<16xf32>
        %add3A_531 = arith.addf %get3A_526, %get3A_530 : vector<16xf32>
        %swap3A_532 = arith.index_cast %add3A_118 : i32 to index
        %swap3A_533 = arith.constant 464 : index
        %swap3A_534 = tpu.vector_load %arg13[%swap3A_532, %swap3A_533] {strides = array<i32>} : memref<16x1024xf32, #tpu.memory_space<vmem>>, vector<1x16xf32>,
        %swap3A_535 = vector.shape_cast %swap3A_534 : vector<1x16xf32> to vector<16xf32>
        %swap3A_536 = vector.shape_cast %add3A_531 : vector<16xf32> to vector<1x16xf32>
        tpu.vector_store %arg13[%swap3A_532, %swap3A_533], %swap3A_536 {strides = array<i32>} : memref<16x1024xf32, #tpu.memory_space<vmem>>, vector<1x16xf32>,
        %get3A_537 = arith.index_cast %add3A_118 : i32 to index
        %get3A_538 = arith.constant 480 : index
        %get3A_539 = tpu.vector_load %arg9[%get3A_537, %get3A_538] {strides = array<i32>} : memref<16x1024xf32, #tpu.memory_space<vmem>>, vector<1x16xf32>,
        %get3A_540 = vector.shape_cast %get3A_539 : vector<1x16xf32> to vector<16xf32>
        %get3A_541 = arith.index_cast %add3A_118 : i32 to index
        %get3A_542 = arith.constant 480 : index
        %get3A_543 = tpu.vector_load %arg11[%get3A_541, %get3A_542] {strides = array<i32>} : memref<16x1024xf32, #tpu.memory_space<vmem>>, vector<1x16xf32>,
        %get3A_544 = vector.shape_cast %get3A_543 : vector<1x16xf32> to vector<16xf32>
        %add3A_545 = arith.addf %get3A_540, %get3A_544 : vector<16xf32>
        %swap3A_546 = arith.index_cast %add3A_118 : i32 to index
        %swap3A_547 = arith.constant 480 : index
        %swap3A_548 = tpu.vector_load %arg13[%swap3A_546, %swap3A_547] {strides = array<i32>} : memref<16x1024xf32, #tpu.memory_space<vmem>>, vector<1x16xf32>,
        %swap3A_549 = vector.shape_cast %swap3A_548 : vector<1x16xf32> to vector<16xf32>
        %swap3A_550 = vector.shape_cast %add3A_545 : vector<16xf32> to vector<1x16xf32>
        tpu.vector_store %arg13[%swap3A_546, %swap3A_547], %swap3A_550 {strides = array<i32>} : memref<16x1024xf32, #tpu.memory_space<vmem>>, vector<1x16xf32>,
        %get3A_551 = arith.index_cast %add3A_118 : i32 to index
        %get3A_552 = arith.constant 496 : index
        %get3A_553 = tpu.vector_load %arg9[%get3A_551, %get3A_552] {strides = array<i32>} : memref<16x1024xf32, #tpu.memory_space<vmem>>, vector<1x16xf32>,
        %get3A_554 = vector.shape_cast %get3A_553 : vector<1x16xf32> to vector<16xf32>
        %get3A_555 = arith.index_cast %add3A_118 : i32 to index
        %get3A_556 = arith.constant 496 : index
        %get3A_557 = tpu.vector_load %arg11[%get3A_555, %get3A_556] {strides = array<i32>} : memref<16x1024xf32, #tpu.memory_space<vmem>>, vector<1x16xf32>,
        %get3A_558 = vector.shape_cast %get3A_557 : vector<1x16xf32> to vector<16xf32>
        %add3A_559 = arith.addf %get3A_554, %get3A_558 : vector<16xf32>
        %swap3A_560 = arith.index_cast %add3A_118 : i32 to index
        %swap3A_561 = arith.constant 496 : index
        %swap3A_562 = tpu.vector_load %arg13[%swap3A_560, %swap3A_561] {strides = array<i32>} : memref<16x1024xf32, #tpu.memory_space<vmem>>, vector<1x16xf32>,
        %swap3A_563 = vector.shape_cast %swap3A_562 : vector<1x16xf32> to vector<16xf32>
        %swap3A_564 = vector.shape_cast %add3A_559 : vector<16xf32> to vector<1x16xf32>
        tpu.vector_store %arg13[%swap3A_560, %swap3A_561], %swap3A_564 {strides = array<i32>} : memref<16x1024xf32, #tpu.memory_space<vmem>>, vector<1x16xf32>,
        %get3A_565 = arith.index_cast %add3A_118 : i32 to index
        %get3A_566 = arith.constant 512 : index
        %get3A_567 = tpu.vector_load %arg9[%get3A_565, %get3A_566] {strides = array<i32>} : memref<16x1024xf32, #tpu.memory_space<vmem>>, vector<1x16xf32>,
        %get3A_568 = vector.shape_cast %get3A_567 : vector<1x16xf32> to vector<16xf32>
        %get3A_569 = arith.index_cast %add3A_118 : i32 to index
        %get3A_570 = arith.constant 512 : index
        %get3A_571 = tpu.vector_load %arg11[%get3A_569, %get3A_570] {strides = array<i32>} : memref<16x1024xf32, #tpu.memory_space<vmem>>, vector<1x16xf32>,
        %get3A_572 = vector.shape_cast %get3A_571 : vector<1x16xf32> to vector<16xf32>
        %add3A_573 = arith.addf %get3A_568, %get3A_572 : vector<16xf32>
        %swap3A_574 = arith.index_cast %add3A_118 : i32 to index
        %swap3A_575 = arith.constant 512 : index
        %swap3A_576 = tpu.vector_load %arg13[%swap3A_574, %swap3A_575] {strides = array<i32>} : memref<16x1024xf32, #tpu.memory_space<vmem>>, vector<1x16xf32>,
        %swap3A_577 = vector.shape_cast %swap3A_576 : vector<1x16xf32> to vector<16xf32>
        %swap3A_578 = vector.shape_cast %add3A_573 : vector<16xf32> to vector<1x16xf32>
        tpu.vector_store %arg13[%swap3A_574, %swap3A_575], %swap3A_578 {strides = array<i32>} : memref<16x1024xf32, #tpu.memory_space<vmem>>, vector<1x16xf32>,
        %get3A_579 = arith.index_cast %add3A_118 : i32 to index
        %get3A_580 = arith.constant 528 : index
        %get3A_581 = tpu.vector_load %arg9[%get3A_579, %get3A_580] {strides = array<i32>} : memref<16x1024xf32, #tpu.memory_space<vmem>>, vector<1x16xf32>,
        %get3A_582 = vector.shape_cast %get3A_581 : vector<1x16xf32> to vector<16xf32>
        %get3A_583 = arith.index_cast %add3A_118 : i32 to index
        %get3A_584 = arith.constant 528 : index
        %get3A_585 = tpu.vector_load %arg11[%get3A_583, %get3A_584] {strides = array<i32>} : memref<16x1024xf32, #tpu.memory_space<vmem>>, vector<1x16xf32>,
        %get3A_586 = vector.shape_cast %get3A_585 : vector<1x16xf32> to vector<16xf32>
        %add3A_587 = arith.addf %get3A_582, %get3A_586 : vector<16xf32>
        %swap3A_588 = arith.index_cast %add3A_118 : i32 to index
        %swap3A_589 = arith.constant 528 : index
        %swap3A_590 = tpu.vector_load %arg13[%swap3A_588, %swap3A_589] {strides = array<i32>} : memref<16x1024xf32, #tpu.memory_space<vmem>>, vector<1x16xf32>,
        %swap3A_591 = vector.shape_cast %swap3A_590 : vector<1x16xf32> to vector<16xf32>
        %swap3A_592 = vector.shape_cast %add3A_587 : vector<16xf32> to vector<1x16xf32>
        tpu.vector_store %arg13[%swap3A_588, %swap3A_589], %swap3A_592 {strides = array<i32>} : memref<16x1024xf32, #tpu.memory_space<vmem>>, vector<1x16xf32>,
        %get3A_593 = arith.index_cast %add3A_118 : i32 to index
        %get3A_594 = arith.constant 544 : index
        %get3A_595 = tpu.vector_load %arg9[%get3A_593, %get3A_594] {strides = array<i32>} : memref<16x1024xf32, #tpu.memory_space<vmem>>, vector<1x16xf32>,
        %get3A_596 = vector.shape_cast %get3A_595 : vector<1x16xf32> to vector<16xf32>
        %get3A_597 = arith.index_cast %add3A_118 : i32 to index
        %get3A_598 = arith.constant 544 : index
        %get3A_599 = tpu.vector_load %arg11[%get3A_597, %get3A_598] {strides = array<i32>} : memref<16x1024xf32, #tpu.memory_space<vmem>>, vector<1x16xf32>,
        %get3A_600 = vector.shape_cast %get3A_599 : vector<1x16xf32> to vector<16xf32>
        %add3A_601 = arith.addf %get3A_596, %get3A_600 : vector<16xf32>
        %swap3A_602 = arith.index_cast %add3A_118 : i32 to index
        %swap3A_603 = arith.constant 544 : index
        %swap3A_604 = tpu.vector_load %arg13[%swap3A_602, %swap3A_603] {strides = array<i32>} : memref<16x1024xf32, #tpu.memory_space<vmem>>, vector<1x16xf32>,
        %swap3A_605 = vector.shape_cast %swap3A_604 : vector<1x16xf32> to vector<16xf32>
        %swap3A_606 = vector.shape_cast %add3A_601 : vector<16xf32> to vector<1x16xf32>
        tpu.vector_store %arg13[%swap3A_602, %swap3A_603], %swap3A_606 {strides = array<i32>} : memref<16x1024xf32, #tpu.memory_space<vmem>>, vector<1x16xf32>,
        %get3A_607 = arith.index_cast %add3A_118 : i32 to index
        %get3A_608 = arith.constant 560 : index
        %get3A_609 = tpu.vector_load %arg9[%get3A_607, %get3A_608] {strides = array<i32>} : memref<16x1024xf32, #tpu.memory_space<vmem>>, vector<1x16xf32>,
        %get3A_610 = vector.shape_cast %get3A_609 : vector<1x16xf32> to vector<16xf32>
        %get3A_611 = arith.index_cast %add3A_118 : i32 to index
        %get3A_612 = arith.constant 560 : index
        %get3A_613 = tpu.vector_load %arg11[%get3A_611, %get3A_612] {strides = array<i32>} : memref<16x1024xf32, #tpu.memory_space<vmem>>, vector<1x16xf32>,
        %get3A_614 = vector.shape_cast %get3A_613 : vector<1x16xf32> to vector<16xf32>
        %add3A_615 = arith.addf %get3A_610, %get3A_614 : vector<16xf32>
        %swap3A_616 = arith.index_cast %add3A_118 : i32 to index
        %swap3A_617 = arith.constant 560 : index
        %swap3A_618 = tpu.vector_load %arg13[%swap3A_616, %swap3A_617] {strides = array<i32>} : memref<16x1024xf32, #tpu.memory_space<vmem>>, vector<1x16xf32>,
        %swap3A_619 = vector.shape_cast %swap3A_618 : vector<1x16xf32> to vector<16xf32>
        %swap3A_620 = vector.shape_cast %add3A_615 : vector<16xf32> to vector<1x16xf32>
        tpu.vector_store %arg13[%swap3A_616, %swap3A_617], %swap3A_620 {strides = array<i32>} : memref<16x1024xf32, #tpu.memory_space<vmem>>, vector<1x16xf32>,
        %get3A_621 = arith.index_cast %add3A_118 : i32 to index
        %get3A_622 = arith.constant 576 : index
        %get3A_623 = tpu.vector_load %arg9[%get3A_621, %get3A_622] {strides = array<i32>} : memref<16x1024xf32, #tpu.memory_space<vmem>>, vector<1x16xf32>,
        %get3A_624 = vector.shape_cast %get3A_623 : vector<1x16xf32> to vector<16xf32>
        %get3A_625 = arith.index_cast %add3A_118 : i32 to index
        %get3A_626 = arith.constant 576 : index
        %get3A_627 = tpu.vector_load %arg11[%get3A_625, %get3A_626] {strides = array<i32>} : memref<16x1024xf32, #tpu.memory_space<vmem>>, vector<1x16xf32>,
        %get3A_628 = vector.shape_cast %get3A_627 : vector<1x16xf32> to vector<16xf32>
        %add3A_629 = arith.addf %get3A_624, %get3A_628 : vector<16xf32>
        %swap3A_630 = arith.index_cast %add3A_118 : i32 to index
        %swap3A_631 = arith.constant 576 : index
        %swap3A_632 = tpu.vector_load %arg13[%swap3A_630, %swap3A_631] {strides = array<i32>} : memref<16x1024xf32, #tpu.memory_space<vmem>>, vector<1x16xf32>,
        %swap3A_633 = vector.shape_cast %swap3A_632 : vector<1x16xf32> to vector<16xf32>
        %swap3A_634 = vector.shape_cast %add3A_629 : vector<16xf32> to vector<1x16xf32>
        tpu.vector_store %arg13[%swap3A_630, %swap3A_631], %swap3A_634 {strides = array<i32>} : memref<16x1024xf32, #tpu.memory_space<vmem>>, vector<1x16xf32>,
        %get3A_635 = arith.index_cast %add3A_118 : i32 to index
        %get3A_636 = arith.constant 592 : index
        %get3A_637 = tpu.vector_load %arg9[%get3A_635, %get3A_636] {strides = array<i32>} : memref<16x1024xf32, #tpu.memory_space<vmem>>, vector<1x16xf32>,
        %get3A_638 = vector.shape_cast %get3A_637 : vector<1x16xf32> to vector<16xf32>
        %get3A_639 = arith.index_cast %add3A_118 : i32 to index
        %get3A_640 = arith.constant 592 : index
        %get3A_641 = tpu.vector_load %arg11[%get3A_639, %get3A_640] {strides = array<i32>} : memref<16x1024xf32, #tpu.memory_space<vmem>>, vector<1x16xf32>,
        %get3A_642 = vector.shape_cast %get3A_641 : vector<1x16xf32> to vector<16xf32>
        %add3A_643 = arith.addf %get3A_638, %get3A_642 : vector<16xf32>
        %swap3A_644 = arith.index_cast %add3A_118 : i32 to index
        %swap3A_645 = arith.constant 592 : index
        %swap3A_646 = tpu.vector_load %arg13[%swap3A_644, %swap3A_645] {strides = array<i32>} : memref<16x1024xf32, #tpu.memory_space<vmem>>, vector<1x16xf32>,
        %swap3A_647 = vector.shape_cast %swap3A_646 : vector<1x16xf32> to vector<16xf32>
        %swap3A_648 = vector.shape_cast %add3A_643 : vector<16xf32> to vector<1x16xf32>
        tpu.vector_store %arg13[%swap3A_644, %swap3A_645], %swap3A_648 {strides = array<i32>} : memref<16x1024xf32, #tpu.memory_space<vmem>>, vector<1x16xf32>,
        %get3A_649 = arith.index_cast %add3A_118 : i32 to index
        %get3A_650 = arith.constant 608 : index
        %get3A_651 = tpu.vector_load %arg9[%get3A_649, %get3A_650] {strides = array<i32>} : memref<16x1024xf32, #tpu.memory_space<vmem>>, vector<1x16xf32>,
        %get3A_652 = vector.shape_cast %get3A_651 : vector<1x16xf32> to vector<16xf32>
        %get3A_653 = arith.index_cast %add3A_118 : i32 to index
        %get3A_654 = arith.constant 608 : index
        %get3A_655 = tpu.vector_load %arg11[%get3A_653, %get3A_654] {strides = array<i32>} : memref<16x1024xf32, #tpu.memory_space<vmem>>, vector<1x16xf32>,
        %get3A_656 = vector.shape_cast %get3A_655 : vector<1x16xf32> to vector<16xf32>
        %add3A_657 = arith.addf %get3A_652, %get3A_656 : vector<16xf32>
        %swap3A_658 = arith.index_cast %add3A_118 : i32 to index
        %swap3A_659 = arith.constant 608 : index
        %swap3A_660 = tpu.vector_load %arg13[%swap3A_658, %swap3A_659] {strides = array<i32>} : memref<16x1024xf32, #tpu.memory_space<vmem>>, vector<1x16xf32>,
        %swap3A_661 = vector.shape_cast %swap3A_660 : vector<1x16xf32> to vector<16xf32>
        %swap3A_662 = vector.shape_cast %add3A_657 : vector<16xf32> to vector<1x16xf32>
        tpu.vector_store %arg13[%swap3A_658, %swap3A_659], %swap3A_662 {strides = array<i32>} : memref<16x1024xf32, #tpu.memory_space<vmem>>, vector<1x16xf32>,
        %get3A_663 = arith.index_cast %add3A_118 : i32 to index
        %get3A_664 = arith.constant 624 : index
        %get3A_665 = tpu.vector_load %arg9[%get3A_663, %get3A_664] {strides = array<i32>} : memref<16x1024xf32, #tpu.memory_space<vmem>>, vector<1x16xf32>,
        %get3A_666 = vector.shape_cast %get3A_665 : vector<1x16xf32> to vector<16xf32>
        %get3A_667 = arith.index_cast %add3A_118 : i32 to index
        %get3A_668 = arith.constant 624 : index
        %get3A_669 = tpu.vector_load %arg11[%get3A_667, %get3A_668] {strides = array<i32>} : memref<16x1024xf32, #tpu.memory_space<vmem>>, vector<1x16xf32>,
        %get3A_670 = vector.shape_cast %get3A_669 : vector<1x16xf32> to vector<16xf32>
        %add3A_671 = arith.addf %get3A_666, %get3A_670 : vector<16xf32>
        %swap3A_672 = arith.index_cast %add3A_118 : i32 to index
        %swap3A_673 = arith.constant 624 : index
        %swap3A_674 = tpu.vector_load %arg13[%swap3A_672, %swap3A_673] {strides = array<i32>} : memref<16x1024xf32, #tpu.memory_space<vmem>>, vector<1x16xf32>,
        %swap3A_675 = vector.shape_cast %swap3A_674 : vector<1x16xf32> to vector<16xf32>
        %swap3A_676 = vector.shape_cast %add3A_671 : vector<16xf32> to vector<1x16xf32>
        tpu.vector_store %arg13[%swap3A_672, %swap3A_673], %swap3A_676 {strides = array<i32>} : memref<16x1024xf32, #tpu.memory_space<vmem>>, vector<1x16xf32>,
        %get3A_677 = arith.index_cast %add3A_118 : i32 to index
        %get3A_678 = arith.constant 640 : index
        %get3A_679 = tpu.vector_load %arg9[%get3A_677, %get3A_678] {strides = array<i32>} : memref<16x1024xf32, #tpu.memory_space<vmem>>, vector<1x16xf32>,
        %get3A_680 = vector.shape_cast %get3A_679 : vector<1x16xf32> to vector<16xf32>
        %get3A_681 = arith.index_cast %add3A_118 : i32 to index
        %get3A_682 = arith.constant 640 : index
        %get3A_683 = tpu.vector_load %arg11[%get3A_681, %get3A_682] {strides = array<i32>} : memref<16x1024xf32, #tpu.memory_space<vmem>>, vector<1x16xf32>,
        %get3A_684 = vector.shape_cast %get3A_683 : vector<1x16xf32> to vector<16xf32>
        %add3A_685 = arith.addf %get3A_680, %get3A_684 : vector<16xf32>
        %swap3A_686 = arith.index_cast %add3A_118 : i32 to index
        %swap3A_687 = arith.constant 640 : index
        %swap3A_688 = tpu.vector_load %arg13[%swap3A_686, %swap3A_687] {strides = array<i32>} : memref<16x1024xf32, #tpu.memory_space<vmem>>, vector<1x16xf32>,
        %swap3A_689 = vector.shape_cast %swap3A_688 : vector<1x16xf32> to vector<16xf32>
        %swap3A_690 = vector.shape_cast %add3A_685 : vector<16xf32> to vector<1x16xf32>
        tpu.vector_store %arg13[%swap3A_686, %swap3A_687], %swap3A_690 {strides = array<i32>} : memref<16x1024xf32, #tpu.memory_space<vmem>>, vector<1x16xf32>,
        %get3A_691 = arith.index_cast %add3A_118 : i32 to index
        %get3A_692 = arith.constant 656 : index
        %get3A_693 = tpu.vector_load %arg9[%get3A_691, %get3A_692] {strides = array<i32>} : memref<16x1024xf32, #tpu.memory_space<vmem>>, vector<1x16xf32>,
        %get3A_694 = vector.shape_cast %get3A_693 : vector<1x16xf32> to vector<16xf32>
        %get3A_695 = arith.index_cast %add3A_118 : i32 to index
        %get3A_696 = arith.constant 656 : index
        %get3A_697 = tpu.vector_load %arg11[%get3A_695, %get3A_696] {strides = array<i32>} : memref<16x1024xf32, #tpu.memory_space<vmem>>, vector<1x16xf32>,
        %get3A_698 = vector.shape_cast %get3A_697 : vector<1x16xf32> to vector<16xf32>
        %add3A_699 = arith.addf %get3A_694, %get3A_698 : vector<16xf32>
        %swap3A_700 = arith.index_cast %add3A_118 : i32 to index
        %swap3A_701 = arith.constant 656 : index
        %swap3A_702 = tpu.vector_load %arg13[%swap3A_700, %swap3A_701] {strides = array<i32>} : memref<16x1024xf32, #tpu.memory_space<vmem>>, vector<1x16xf32>,
        %swap3A_703 = vector.shape_cast %swap3A_702 : vector<1x16xf32> to vector<16xf32>
        %swap3A_704 = vector.shape_cast %add3A_699 : vector<16xf32> to vector<1x16xf32>
        tpu.vector_store %arg13[%swap3A_700, %swap3A_701], %swap3A_704 {strides = array<i32>} : memref<16x1024xf32, #tpu.memory_space<vmem>>, vector<1x16xf32>,
        %get3A_705 = arith.index_cast %add3A_118 : i32 to index
        %get3A_706 = arith.constant 672 : index
        %get3A_707 = tpu.vector_load %arg9[%get3A_705, %get3A_706] {strides = array<i32>} : memref<16x1024xf32, #tpu.memory_space<vmem>>, vector<1x16xf32>,
        %get3A_708 = vector.shape_cast %get3A_707 : vector<1x16xf32> to vector<16xf32>
        %get3A_709 = arith.index_cast %add3A_118 : i32 to index
        %get3A_710 = arith.constant 672 : index
        %get3A_711 = tpu.vector_load %arg11[%get3A_709, %get3A_710] {strides = array<i32>} : memref<16x1024xf32, #tpu.memory_space<vmem>>, vector<1x16xf32>,
        %get3A_712 = vector.shape_cast %get3A_711 : vector<1x16xf32> to vector<16xf32>
        %add3A_713 = arith.addf %get3A_708, %get3A_712 : vector<16xf32>
        %swap3A_714 = arith.index_cast %add3A_118 : i32 to index
        %swap3A_715 = arith.constant 672 : index
        %swap3A_716 = tpu.vector_load %arg13[%swap3A_714, %swap3A_715] {strides = array<i32>} : memref<16x1024xf32, #tpu.memory_space<vmem>>, vector<1x16xf32>,
        %swap3A_717 = vector.shape_cast %swap3A_716 : vector<1x16xf32> to vector<16xf32>
        %swap3A_718 = vector.shape_cast %add3A_713 : vector<16xf32> to vector<1x16xf32>
        tpu.vector_store %arg13[%swap3A_714, %swap3A_715], %swap3A_718 {strides = array<i32>} : memref<16x1024xf32, #tpu.memory_space<vmem>>, vector<1x16xf32>,
        %get3A_719 = arith.index_cast %add3A_118 : i32 to index
        %get3A_720 = arith.constant 688 : index
        %get3A_721 = tpu.vector_load %arg9[%get3A_719, %get3A_720] {strides = array<i32>} : memref<16x1024xf32, #tpu.memory_space<vmem>>, vector<1x16xf32>,
        %get3A_722 = vector.shape_cast %get3A_721 : vector<1x16xf32> to vector<16xf32>
        %get3A_723 = arith.index_cast %add3A_118 : i32 to index
        %get3A_724 = arith.constant 688 : index
        %get3A_725 = tpu.vector_load %arg11[%get3A_723, %get3A_724] {strides = array<i32>} : memref<16x1024xf32, #tpu.memory_space<vmem>>, vector<1x16xf32>,
        %get3A_726 = vector.shape_cast %get3A_725 : vector<1x16xf32> to vector<16xf32>
        %add3A_727 = arith.addf %get3A_722, %get3A_726 : vector<16xf32>
        %swap3A_728 = arith.index_cast %add3A_118 : i32 to index
        %swap3A_729 = arith.constant 688 : index
        %swap3A_730 = tpu.vector_load %arg13[%swap3A_728, %swap3A_729] {strides = array<i32>} : memref<16x1024xf32, #tpu.memory_space<vmem>>, vector<1x16xf32>,
        %swap3A_731 = vector.shape_cast %swap3A_730 : vector<1x16xf32> to vector<16xf32>
        %swap3A_732 = vector.shape_cast %add3A_727 : vector<16xf32> to vector<1x16xf32>
        tpu.vector_store %arg13[%swap3A_728, %swap3A_729], %swap3A_732 {strides = array<i32>} : memref<16x1024xf32, #tpu.memory_space<vmem>>, vector<1x16xf32>,
        %get3A_733 = arith.index_cast %add3A_118 : i32 to index
        %get3A_734 = arith.constant 704 : index
        %get3A_735 = tpu.vector_load %arg9[%get3A_733, %get3A_734] {strides = array<i32>} : memref<16x1024xf32, #tpu.memory_space<vmem>>, vector<1x16xf32>,
        %get3A_736 = vector.shape_cast %get3A_735 : vector<1x16xf32> to vector<16xf32>
        %get3A_737 = arith.index_cast %add3A_118 : i32 to index
        %get3A_738 = arith.constant 704 : index
        %get3A_739 = tpu.vector_load %arg11[%get3A_737, %get3A_738] {strides = array<i32>} : memref<16x1024xf32, #tpu.memory_space<vmem>>, vector<1x16xf32>,
        %get3A_740 = vector.shape_cast %get3A_739 : vector<1x16xf32> to vector<16xf32>
        %add3A_741 = arith.addf %get3A_736, %get3A_740 : vector<16xf32>
        %swap3A_742 = arith.index_cast %add3A_118 : i32 to index
        %swap3A_743 = arith.constant 704 : index
        %swap3A_744 = tpu.vector_load %arg13[%swap3A_742, %swap3A_743] {strides = array<i32>} : memref<16x1024xf32, #tpu.memory_space<vmem>>, vector<1x16xf32>,
        %swap3A_745 = vector.shape_cast %swap3A_744 : vector<1x16xf32> to vector<16xf32>
        %swap3A_746 = vector.shape_cast %add3A_741 : vector<16xf32> to vector<1x16xf32>
        tpu.vector_store %arg13[%swap3A_742, %swap3A_743], %swap3A_746 {strides = array<i32>} : memref<16x1024xf32, #tpu.memory_space<vmem>>, vector<1x16xf32>,
        %get3A_747 = arith.index_cast %add3A_118 : i32 to index
        %get3A_748 = arith.constant 720 : index
        %get3A_749 = tpu.vector_load %arg9[%get3A_747, %get3A_748] {strides = array<i32>} : memref<16x1024xf32, #tpu.memory_space<vmem>>, vector<1x16xf32>,
        %get3A_750 = vector.shape_cast %get3A_749 : vector<1x16xf32> to vector<16xf32>
        %get3A_751 = arith.index_cast %add3A_118 : i32 to index
        %get3A_752 = arith.constant 720 : index
        %get3A_753 = tpu.vector_load %arg11[%get3A_751, %get3A_752] {strides = array<i32>} : memref<16x1024xf32, #tpu.memory_space<vmem>>, vector<1x16xf32>,
        %get3A_754 = vector.shape_cast %get3A_753 : vector<1x16xf32> to vector<16xf32>
        %add3A_755 = arith.addf %get3A_750, %get3A_754 : vector<16xf32>
        %swap3A_756 = arith.index_cast %add3A_118 : i32 to index
        %swap3A_757 = arith.constant 720 : index
        %swap3A_758 = tpu.vector_load %arg13[%swap3A_756, %swap3A_757] {strides = array<i32>} : memref<16x1024xf32, #tpu.memory_space<vmem>>, vector<1x16xf32>,
        %swap3A_759 = vector.shape_cast %swap3A_758 : vector<1x16xf32> to vector<16xf32>
        %swap3A_760 = vector.shape_cast %add3A_755 : vector<16xf32> to vector<1x16xf32>
        tpu.vector_store %arg13[%swap3A_756, %swap3A_757], %swap3A_760 {strides = array<i32>} : memref<16x1024xf32, #tpu.memory_space<vmem>>, vector<1x16xf32>,
        %get3A_761 = arith.index_cast %add3A_118 : i32 to index
        %get3A_762 = arith.constant 736 : index
        %get3A_763 = tpu.vector_load %arg9[%get3A_761, %get3A_762] {strides = array<i32>} : memref<16x1024xf32, #tpu.memory_space<vmem>>, vector<1x16xf32>,
        %get3A_764 = vector.shape_cast %get3A_763 : vector<1x16xf32> to vector<16xf32>
        %get3A_765 = arith.index_cast %add3A_118 : i32 to index
        %get3A_766 = arith.constant 736 : index
        %get3A_767 = tpu.vector_load %arg11[%get3A_765, %get3A_766] {strides = array<i32>} : memref<16x1024xf32, #tpu.memory_space<vmem>>, vector<1x16xf32>,
        %get3A_768 = vector.shape_cast %get3A_767 : vector<1x16xf32> to vector<16xf32>
        %add3A_769 = arith.addf %get3A_764, %get3A_768 : vector<16xf32>
        %swap3A_770 = arith.index_cast %add3A_118 : i32 to index
        %swap3A_771 = arith.constant 736 : index
        %swap3A_772 = tpu.vector_load %arg13[%swap3A_770, %swap3A_771] {strides = array<i32>} : memref<16x1024xf32, #tpu.memory_space<vmem>>, vector<1x16xf32>,
        %swap3A_773 = vector.shape_cast %swap3A_772 : vector<1x16xf32> to vector<16xf32>
        %swap3A_774 = vector.shape_cast %add3A_769 : vector<16xf32> to vector<1x16xf32>
        tpu.vector_store %arg13[%swap3A_770, %swap3A_771], %swap3A_774 {strides = array<i32>} : memref<16x1024xf32, #tpu.memory_space<vmem>>, vector<1x16xf32>,
        %get3A_775 = arith.index_cast %add3A_118 : i32 to index
        %get3A_776 = arith.constant 752 : index
        %get3A_777 = tpu.vector_load %arg9[%get3A_775, %get3A_776] {strides = array<i32>} : memref<16x1024xf32, #tpu.memory_space<vmem>>, vector<1x16xf32>,
        %get3A_778 = vector.shape_cast %get3A_777 : vector<1x16xf32> to vector<16xf32>
        %get3A_779 = arith.index_cast %add3A_118 : i32 to index
        %get3A_780 = arith.constant 752 : index
        %get3A_781 = tpu.vector_load %arg11[%get3A_779, %get3A_780] {strides = array<i32>} : memref<16x1024xf32, #tpu.memory_space<vmem>>, vector<1x16xf32>,
        %get3A_782 = vector.shape_cast %get3A_781 : vector<1x16xf32> to vector<16xf32>
        %add3A_783 = arith.addf %get3A_778, %get3A_782 : vector<16xf32>
        %swap3A_784 = arith.index_cast %add3A_118 : i32 to index
        %swap3A_785 = arith.constant 752 : index
        %swap3A_786 = tpu.vector_load %arg13[%swap3A_784, %swap3A_785] {strides = array<i32>} : memref<16x1024xf32, #tpu.memory_space<vmem>>, vector<1x16xf32>,
        %swap3A_787 = vector.shape_cast %swap3A_786 : vector<1x16xf32> to vector<16xf32>
        %swap3A_788 = vector.shape_cast %add3A_783 : vector<16xf32> to vector<1x16xf32>
        tpu.vector_store %arg13[%swap3A_784, %swap3A_785], %swap3A_788 {strides = array<i32>} : memref<16x1024xf32, #tpu.memory_space<vmem>>, vector<1x16xf32>,
        %get3A_789 = arith.index_cast %add3A_118 : i32 to index
        %get3A_790 = arith.constant 768 : index
        %get3A_791 = tpu.vector_load %arg9[%get3A_789, %get3A_790] {strides = array<i32>} : memref<16x1024xf32, #tpu.memory_space<vmem>>, vector<1x16xf32>,
        %get3A_792 = vector.shape_cast %get3A_791 : vector<1x16xf32> to vector<16xf32>
        %get3A_793 = arith.index_cast %add3A_118 : i32 to index
        %get3A_794 = arith.constant 768 : index
        %get3A_795 = tpu.vector_load %arg11[%get3A_793, %get3A_794] {strides = array<i32>} : memref<16x1024xf32, #tpu.memory_space<vmem>>, vector<1x16xf32>,
        %get3A_796 = vector.shape_cast %get3A_795 : vector<1x16xf32> to vector<16xf32>
        %add3A_797 = arith.addf %get3A_792, %get3A_796 : vector<16xf32>
        %swap3A_798 = arith.index_cast %add3A_118 : i32 to index
        %swap3A_799 = arith.constant 768 : index
        %swap3A_800 = tpu.vector_load %arg13[%swap3A_798, %swap3A_799] {strides = array<i32>} : memref<16x1024xf32, #tpu.memory_space<vmem>>, vector<1x16xf32>,
        %swap3A_801 = vector.shape_cast %swap3A_800 : vector<1x16xf32> to vector<16xf32>
        %swap3A_802 = vector.shape_cast %add3A_797 : vector<16xf32> to vector<1x16xf32>
        tpu.vector_store %arg13[%swap3A_798, %swap3A_799], %swap3A_802 {strides = array<i32>} : memref<16x1024xf32, #tpu.memory_space<vmem>>, vector<1x16xf32>,
        %get3A_803 = arith.index_cast %add3A_118 : i32 to index
        %get3A_804 = arith.constant 784 : index
        %get3A_805 = tpu.vector_load %arg9[%get3A_803, %get3A_804] {strides = array<i32>} : memref<16x1024xf32, #tpu.memory_space<vmem>>, vector<1x16xf32>,
        %get3A_806 = vector.shape_cast %get3A_805 : vector<1x16xf32> to vector<16xf32>
        %get3A_807 = arith.index_cast %add3A_118 : i32 to index
        %get3A_808 = arith.constant 784 : index
        %get3A_809 = tpu.vector_load %arg11[%get3A_807, %get3A_808] {strides = array<i32>} : memref<16x1024xf32, #tpu.memory_space<vmem>>, vector<1x16xf32>,
        %get3A_810 = vector.shape_cast %get3A_809 : vector<1x16xf32> to vector<16xf32>
        %add3A_811 = arith.addf %get3A_806, %get3A_810 : vector<16xf32>
        %swap3A_812 = arith.index_cast %add3A_118 : i32 to index
        %swap3A_813 = arith.constant 784 : index
        %swap3A_814 = tpu.vector_load %arg13[%swap3A_812, %swap3A_813] {strides = array<i32>} : memref<16x1024xf32, #tpu.memory_space<vmem>>, vector<1x16xf32>,
        %swap3A_815 = vector.shape_cast %swap3A_814 : vector<1x16xf32> to vector<16xf32>
        %swap3A_816 = vector.shape_cast %add3A_811 : vector<16xf32> to vector<1x16xf32>
        tpu.vector_store %arg13[%swap3A_812, %swap3A_813], %swap3A_816 {strides = array<i32>} : memref<16x1024xf32, #tpu.memory_space<vmem>>, vector<1x16xf32>,
        %get3A_817 = arith.index_cast %add3A_118 : i32 to index
        %get3A_818 = arith.constant 800 : index
        %get3A_819 = tpu.vector_load %arg9[%get3A_817, %get3A_818] {strides = array<i32>} : memref<16x1024xf32, #tpu.memory_space<vmem>>, vector<1x16xf32>,
        %get3A_820 = vector.shape_cast %get3A_819 : vector<1x16xf32> to vector<16xf32>
        %get3A_821 = arith.index_cast %add3A_118 : i32 to index
        %get3A_822 = arith.constant 800 : index
        %get3A_823 = tpu.vector_load %arg11[%get3A_821, %get3A_822] {strides = array<i32>} : memref<16x1024xf32, #tpu.memory_space<vmem>>, vector<1x16xf32>,
        %get3A_824 = vector.shape_cast %get3A_823 : vector<1x16xf32> to vector<16xf32>
        %add3A_825 = arith.addf %get3A_820, %get3A_824 : vector<16xf32>
        %swap3A_826 = arith.index_cast %add3A_118 : i32 to index
        %swap3A_827 = arith.constant 800 : index
        %swap3A_828 = tpu.vector_load %arg13[%swap3A_826, %swap3A_827] {strides = array<i32>} : memref<16x1024xf32, #tpu.memory_space<vmem>>, vector<1x16xf32>,
        %swap3A_829 = vector.shape_cast %swap3A_828 : vector<1x16xf32> to vector<16xf32>
        %swap3A_830 = vector.shape_cast %add3A_825 : vector<16xf32> to vector<1x16xf32>
        tpu.vector_store %arg13[%swap3A_826, %swap3A_827], %swap3A_830 {strides = array<i32>} : memref<16x1024xf32, #tpu.memory_space<vmem>>, vector<1x16xf32>,
        %get3A_831 = arith.index_cast %add3A_118 : i32 to index
        %get3A_832 = arith.constant 816 : index
        %get3A_833 = tpu.vector_load %arg9[%get3A_831, %get3A_832] {strides = array<i32>} : memref<16x1024xf32, #tpu.memory_space<vmem>>, vector<1x16xf32>,
        %get3A_834 = vector.shape_cast %get3A_833 : vector<1x16xf32> to vector<16xf32>
        %get3A_835 = arith.index_cast %add3A_118 : i32 to index
        %get3A_836 = arith.constant 816 : index
        %get3A_837 = tpu.vector_load %arg11[%get3A_835, %get3A_836] {strides = array<i32>} : memref<16x1024xf32, #tpu.memory_space<vmem>>, vector<1x16xf32>,
        %get3A_838 = vector.shape_cast %get3A_837 : vector<1x16xf32> to vector<16xf32>
        %add3A_839 = arith.addf %get3A_834, %get3A_838 : vector<16xf32>
        %swap3A_840 = arith.index_cast %add3A_118 : i32 to index
        %swap3A_841 = arith.constant 816 : index
        %swap3A_842 = tpu.vector_load %arg13[%swap3A_840, %swap3A_841] {strides = array<i32>} : memref<16x1024xf32, #tpu.memory_space<vmem>>, vector<1x16xf32>,
        %swap3A_843 = vector.shape_cast %swap3A_842 : vector<1x16xf32> to vector<16xf32>
        %swap3A_844 = vector.shape_cast %add3A_839 : vector<16xf32> to vector<1x16xf32>
        tpu.vector_store %arg13[%swap3A_840, %swap3A_841], %swap3A_844 {strides = array<i32>} : memref<16x1024xf32, #tpu.memory_space<vmem>>, vector<1x16xf32>,
        %get3A_845 = arith.index_cast %add3A_118 : i32 to index
        %get3A_846 = arith.constant 832 : index
        %get3A_847 = tpu.vector_load %arg9[%get3A_845, %get3A_846] {strides = array<i32>} : memref<16x1024xf32, #tpu.memory_space<vmem>>, vector<1x16xf32>,
        %get3A_848 = vector.shape_cast %get3A_847 : vector<1x16xf32> to vector<16xf32>
        %get3A_849 = arith.index_cast %add3A_118 : i32 to index
        %get3A_850 = arith.constant 832 : index
        %get3A_851 = tpu.vector_load %arg11[%get3A_849, %get3A_850] {strides = array<i32>} : memref<16x1024xf32, #tpu.memory_space<vmem>>, vector<1x16xf32>,
        %get3A_852 = vector.shape_cast %get3A_851 : vector<1x16xf32> to vector<16xf32>
        %add3A_853 = arith.addf %get3A_848, %get3A_852 : vector<16xf32>
        %swap3A_854 = arith.index_cast %add3A_118 : i32 to index
        %swap3A_855 = arith.constant 832 : index
        %swap3A_856 = tpu.vector_load %arg13[%swap3A_854, %swap3A_855] {strides = array<i32>} : memref<16x1024xf32, #tpu.memory_space<vmem>>, vector<1x16xf32>,
        %swap3A_857 = vector.shape_cast %swap3A_856 : vector<1x16xf32> to vector<16xf32>
        %swap3A_858 = vector.shape_cast %add3A_853 : vector<16xf32> to vector<1x16xf32>
        tpu.vector_store %arg13[%swap3A_854, %swap3A_855], %swap3A_858 {strides = array<i32>} : memref<16x1024xf32, #tpu.memory_space<vmem>>, vector<1x16xf32>,
        %get3A_859 = arith.index_cast %add3A_118 : i32 to index
        %get3A_860 = arith.constant 848 : index
        %get3A_861 = tpu.vector_load %arg9[%get3A_859, %get3A_860] {strides = array<i32>} : memref<16x1024xf32, #tpu.memory_space<vmem>>, vector<1x16xf32>,
        %get3A_862 = vector.shape_cast %get3A_861 : vector<1x16xf32> to vector<16xf32>
        %get3A_863 = arith.index_cast %add3A_118 : i32 to index
        %get3A_864 = arith.constant 848 : index
        %get3A_865 = tpu.vector_load %arg11[%get3A_863, %get3A_864] {strides = array<i32>} : memref<16x1024xf32, #tpu.memory_space<vmem>>, vector<1x16xf32>,
        %get3A_866 = vector.shape_cast %get3A_865 : vector<1x16xf32> to vector<16xf32>
        %add3A_867 = arith.addf %get3A_862, %get3A_866 : vector<16xf32>
        %swap3A_868 = arith.index_cast %add3A_118 : i32 to index
        %swap3A_869 = arith.constant 848 : index
        %swap3A_870 = tpu.vector_load %arg13[%swap3A_868, %swap3A_869] {strides = array<i32>} : memref<16x1024xf32, #tpu.memory_space<vmem>>, vector<1x16xf32>,
        %swap3A_871 = vector.shape_cast %swap3A_870 : vector<1x16xf32> to vector<16xf32>
        %swap3A_872 = vector.shape_cast %add3A_867 : vector<16xf32> to vector<1x16xf32>
        tpu.vector_store %arg13[%swap3A_868, %swap3A_869], %swap3A_872 {strides = array<i32>} : memref<16x1024xf32, #tpu.memory_space<vmem>>, vector<1x16xf32>,
        %get3A_873 = arith.index_cast %add3A_118 : i32 to index
        %get3A_874 = arith.constant 864 : index
        %get3A_875 = tpu.vector_load %arg9[%get3A_873, %get3A_874] {strides = array<i32>} : memref<16x1024xf32, #tpu.memory_space<vmem>>, vector<1x16xf32>,
        %get3A_876 = vector.shape_cast %get3A_875 : vector<1x16xf32> to vector<16xf32>
        %get3A_877 = arith.index_cast %add3A_118 : i32 to index
        %get3A_878 = arith.constant 864 : index
        %get3A_879 = tpu.vector_load %arg11[%get3A_877, %get3A_878] {strides = array<i32>} : memref<16x1024xf32, #tpu.memory_space<vmem>>, vector<1x16xf32>,
        %get3A_880 = vector.shape_cast %get3A_879 : vector<1x16xf32> to vector<16xf32>
        %add3A_881 = arith.addf %get3A_876, %get3A_880 : vector<16xf32>
        %swap3A_882 = arith.index_cast %add3A_118 : i32 to index
        %swap3A_883 = arith.constant 864 : index
        %swap3A_884 = tpu.vector_load %arg13[%swap3A_882, %swap3A_883] {strides = array<i32>} : memref<16x1024xf32, #tpu.memory_space<vmem>>, vector<1x16xf32>,
        %swap3A_885 = vector.shape_cast %swap3A_884 : vector<1x16xf32> to vector<16xf32>
        %swap3A_886 = vector.shape_cast %add3A_881 : vector<16xf32> to vector<1x16xf32>
        tpu.vector_store %arg13[%swap3A_882, %swap3A_883], %swap3A_886 {strides = array<i32>} : memref<16x1024xf32, #tpu.memory_space<vmem>>, vector<1x16xf32>,
        %get3A_887 = arith.index_cast %add3A_118 : i32 to index
        %get3A_888 = arith.constant 880 : index
        %get3A_889 = tpu.vector_load %arg9[%get3A_887, %get3A_888] {strides = array<i32>} : memref<16x1024xf32, #tpu.memory_space<vmem>>, vector<1x16xf32>,
        %get3A_890 = vector.shape_cast %get3A_889 : vector<1x16xf32> to vector<16xf32>
        %get3A_891 = arith.index_cast %add3A_118 : i32 to index
        %get3A_892 = arith.constant 880 : index
        %get3A_893 = tpu.vector_load %arg11[%get3A_891, %get3A_892] {strides = array<i32>} : memref<16x1024xf32, #tpu.memory_space<vmem>>, vector<1x16xf32>,
        %get3A_894 = vector.shape_cast %get3A_893 : vector<1x16xf32> to vector<16xf32>
        %add3A_895 = arith.addf %get3A_890, %get3A_894 : vector<16xf32>
        %swap3A_896 = arith.index_cast %add3A_118 : i32 to index
        %swap3A_897 = arith.constant 880 : index
        %swap3A_898 = tpu.vector_load %arg13[%swap3A_896, %swap3A_897] {strides = array<i32>} : memref<16x1024xf32, #tpu.memory_space<vmem>>, vector<1x16xf32>,
        %swap3A_899 = vector.shape_cast %swap3A_898 : vector<1x16xf32> to vector<16xf32>
        %swap3A_900 = vector.shape_cast %add3A_895 : vector<16xf32> to vector<1x16xf32>
        tpu.vector_store %arg13[%swap3A_896, %swap3A_897], %swap3A_900 {strides = array<i32>} : memref<16x1024xf32, #tpu.memory_space<vmem>>, vector<1x16xf32>,
        %get3A_901 = arith.index_cast %add3A_118 : i32 to index
        %get3A_902 = arith.constant 896 : index
        %get3A_903 = tpu.vector_load %arg9[%get3A_901, %get3A_902] {strides = array<i32>} : memref<16x1024xf32, #tpu.memory_space<vmem>>, vector<1x16xf32>,
        %get3A_904 = vector.shape_cast %get3A_903 : vector<1x16xf32> to vector<16xf32>
        %get3A_905 = arith.index_cast %add3A_118 : i32 to index
        %get3A_906 = arith.constant 896 : index
        %get3A_907 = tpu.vector_load %arg11[%get3A_905, %get3A_906] {strides = array<i32>} : memref<16x1024xf32, #tpu.memory_space<vmem>>, vector<1x16xf32>,
        %get3A_908 = vector.shape_cast %get3A_907 : vector<1x16xf32> to vector<16xf32>
        %add3A_909 = arith.addf %get3A_904, %get3A_908 : vector<16xf32>
        %swap3A_910 = arith.index_cast %add3A_118 : i32 to index
        %swap3A_911 = arith.constant 896 : index
        %swap3A_912 = tpu.vector_load %arg13[%swap3A_910, %swap3A_911] {strides = array<i32>} : memref<16x1024xf32, #tpu.memory_space<vmem>>, vector<1x16xf32>,
        %swap3A_913 = vector.shape_cast %swap3A_912 : vector<1x16xf32> to vector<16xf32>
        %swap3A_914 = vector.shape_cast %add3A_909 : vector<16xf32> to vector<1x16xf32>
        tpu.vector_store %arg13[%swap3A_910, %swap3A_911], %swap3A_914 {strides = array<i32>} : memref<16x1024xf32, #tpu.memory_space<vmem>>, vector<1x16xf32>,
        %get3A_915 = arith.index_cast %add3A_118 : i32 to index
        %get3A_916 = arith.constant 912 : index
        %get3A_917 = tpu.vector_load %arg9[%get3A_915, %get3A_916] {strides = array<i32>} : memref<16x1024xf32, #tpu.memory_space<vmem>>, vector<1x16xf32>,
        %get3A_918 = vector.shape_cast %get3A_917 : vector<1x16xf32> to vector<16xf32>
        %get3A_919 = arith.index_cast %add3A_118 : i32 to index
        %get3A_920 = arith.constant 912 : index
        %get3A_921 = tpu.vector_load %arg11[%get3A_919, %get3A_920] {strides = array<i32>} : memref<16x1024xf32, #tpu.memory_space<vmem>>, vector<1x16xf32>,
        %get3A_922 = vector.shape_cast %get3A_921 : vector<1x16xf32> to vector<16xf32>
        %add3A_923 = arith.addf %get3A_918, %get3A_922 : vector<16xf32>
        %swap3A_924 = arith.index_cast %add3A_118 : i32 to index
        %swap3A_925 = arith.constant 912 : index
        %swap3A_926 = tpu.vector_load %arg13[%swap3A_924, %swap3A_925] {strides = array<i32>} : memref<16x1024xf32, #tpu.memory_space<vmem>>, vector<1x16xf32>,
        %swap3A_927 = vector.shape_cast %swap3A_926 : vector<1x16xf32> to vector<16xf32>
        %swap3A_928 = vector.shape_cast %add3A_923 : vector<16xf32> to vector<1x16xf32>
        tpu.vector_store %arg13[%swap3A_924, %swap3A_925], %swap3A_928 {strides = array<i32>} : memref<16x1024xf32, #tpu.memory_space<vmem>>, vector<1x16xf32>,
        %get3A_929 = arith.index_cast %add3A_118 : i32 to index
        %get3A_930 = arith.constant 928 : index
        %get3A_931 = tpu.vector_load %arg9[%get3A_929, %get3A_930] {strides = array<i32>} : memref<16x1024xf32, #tpu.memory_space<vmem>>, vector<1x16xf32>,
        %get3A_932 = vector.shape_cast %get3A_931 : vector<1x16xf32> to vector<16xf32>
        %get3A_933 = arith.index_cast %add3A_118 : i32 to index
        %get3A_934 = arith.constant 928 : index
        %get3A_935 = tpu.vector_load %arg11[%get3A_933, %get3A_934] {strides = array<i32>} : memref<16x1024xf32, #tpu.memory_space<vmem>>, vector<1x16xf32>,
        %get3A_936 = vector.shape_cast %get3A_935 : vector<1x16xf32> to vector<16xf32>
        %add3A_937 = arith.addf %get3A_932, %get3A_936 : vector<16xf32>
        %swap3A_938 = arith.index_cast %add3A_118 : i32 to index
        %swap3A_939 = arith.constant 928 : index
        %swap3A_940 = tpu.vector_load %arg13[%swap3A_938, %swap3A_939] {strides = array<i32>} : memref<16x1024xf32, #tpu.memory_space<vmem>>, vector<1x16xf32>,
        %swap3A_941 = vector.shape_cast %swap3A_940 : vector<1x16xf32> to vector<16xf32>
        %swap3A_942 = vector.shape_cast %add3A_937 : vector<16xf32> to vector<1x16xf32>
        tpu.vector_store %arg13[%swap3A_938, %swap3A_939], %swap3A_942 {strides = array<i32>} : memref<16x1024xf32, #tpu.memory_space<vmem>>, vector<1x16xf32>,
        %get3A_943 = arith.index_cast %add3A_118 : i32 to index
        %get3A_944 = arith.constant 944 : index
        %get3A_945 = tpu.vector_load %arg9[%get3A_943, %get3A_944] {strides = array<i32>} : memref<16x1024xf32, #tpu.memory_space<vmem>>, vector<1x16xf32>,
        %get3A_946 = vector.shape_cast %get3A_945 : vector<1x16xf32> to vector<16xf32>
        %get3A_947 = arith.index_cast %add3A_118 : i32 to index
        %get3A_948 = arith.constant 944 : index
        %get3A_949 = tpu.vector_load %arg11[%get3A_947, %get3A_948] {strides = array<i32>} : memref<16x1024xf32, #tpu.memory_space<vmem>>, vector<1x16xf32>,
        %get3A_950 = vector.shape_cast %get3A_949 : vector<1x16xf32> to vector<16xf32>
        %add3A_951 = arith.addf %get3A_946, %get3A_950 : vector<16xf32>
        %swap3A_952 = arith.index_cast %add3A_118 : i32 to index
        %swap3A_953 = arith.constant 944 : index
        %swap3A_954 = tpu.vector_load %arg13[%swap3A_952, %swap3A_953] {strides = array<i32>} : memref<16x1024xf32, #tpu.memory_space<vmem>>, vector<1x16xf32>,
        %swap3A_955 = vector.shape_cast %swap3A_954 : vector<1x16xf32> to vector<16xf32>
        %swap3A_956 = vector.shape_cast %add3A_951 : vector<16xf32> to vector<1x16xf32>
        tpu.vector_store %arg13[%swap3A_952, %swap3A_953], %swap3A_956 {strides = array<i32>} : memref<16x1024xf32, #tpu.memory_space<vmem>>, vector<1x16xf32>,
        %get3A_957 = arith.index_cast %add3A_118 : i32 to index
        %get3A_958 = arith.constant 960 : index
        %get3A_959 = tpu.vector_load %arg9[%get3A_957, %get3A_958] {strides = array<i32>} : memref<16x1024xf32, #tpu.memory_space<vmem>>, vector<1x16xf32>,
        %get3A_960 = vector.shape_cast %get3A_959 : vector<1x16xf32> to vector<16xf32>
        %get3A_961 = arith.index_cast %add3A_118 : i32 to index
        %get3A_962 = arith.constant 960 : index
        %get3A_963 = tpu.vector_load %arg11[%get3A_961, %get3A_962] {strides = array<i32>} : memref<16x1024xf32, #tpu.memory_space<vmem>>, vector<1x16xf32>,
        %get3A_964 = vector.shape_cast %get3A_963 : vector<1x16xf32> to vector<16xf32>
        %add3A_965 = arith.addf %get3A_960, %get3A_964 : vector<16xf32>
        %swap3A_966 = arith.index_cast %add3A_118 : i32 to index
        %swap3A_967 = arith.constant 960 : index
        %swap3A_968 = tpu.vector_load %arg13[%swap3A_966, %swap3A_967] {strides = array<i32>} : memref<16x1024xf32, #tpu.memory_space<vmem>>, vector<1x16xf32>,
        %swap3A_969 = vector.shape_cast %swap3A_968 : vector<1x16xf32> to vector<16xf32>
        %swap3A_970 = vector.shape_cast %add3A_965 : vector<16xf32> to vector<1x16xf32>
        tpu.vector_store %arg13[%swap3A_966, %swap3A_967], %swap3A_970 {strides = array<i32>} : memref<16x1024xf32, #tpu.memory_space<vmem>>, vector<1x16xf32>,
        %get3A_971 = arith.index_cast %add3A_118 : i32 to index
        %get3A_972 = arith.constant 976 : index
        %get3A_973 = tpu.vector_load %arg9[%get3A_971, %get3A_972] {strides = array<i32>} : memref<16x1024xf32, #tpu.memory_space<vmem>>, vector<1x16xf32>,
        %get3A_974 = vector.shape_cast %get3A_973 : vector<1x16xf32> to vector<16xf32>
        %get3A_975 = arith.index_cast %add3A_118 : i32 to index
        %get3A_976 = arith.constant 976 : index
        %get3A_977 = tpu.vector_load %arg11[%get3A_975, %get3A_976] {strides = array<i32>} : memref<16x1024xf32, #tpu.memory_space<vmem>>, vector<1x16xf32>,
        %get3A_978 = vector.shape_cast %get3A_977 : vector<1x16xf32> to vector<16xf32>
        %add3A_979 = arith.addf %get3A_974, %get3A_978 : vector<16xf32>
        %swap3A_980 = arith.index_cast %add3A_118 : i32 to index
        %swap3A_981 = arith.constant 976 : index
        %swap3A_982 = tpu.vector_load %arg13[%swap3A_980, %swap3A_981] {strides = array<i32>} : memref<16x1024xf32, #tpu.memory_space<vmem>>, vector<1x16xf32>,
        %swap3A_983 = vector.shape_cast %swap3A_982 : vector<1x16xf32> to vector<16xf32>
        %swap3A_984 = vector.shape_cast %add3A_979 : vector<16xf32> to vector<1x16xf32>
        tpu.vector_store %arg13[%swap3A_980, %swap3A_981], %swap3A_984 {strides = array<i32>} : memref<16x1024xf32, #tpu.memory_space<vmem>>, vector<1x16xf32>,
        %get3A_985 = arith.index_cast %add3A_118 : i32 to index
        %get3A_986 = arith.constant 992 : index
        %get3A_987 = tpu.vector_load %arg9[%get3A_985, %get3A_986] {strides = array<i32>} : memref<16x1024xf32, #tpu.memory_space<vmem>>, vector<1x16xf32>,
        %get3A_988 = vector.shape_cast %get3A_987 : vector<1x16xf32> to vector<16xf32>
        %get3A_989 = arith.index_cast %add3A_118 : i32 to index
        %get3A_990 = arith.constant 992 : index
        %get3A_991 = tpu.vector_load %arg11[%get3A_989, %get3A_990] {strides = array<i32>} : memref<16x1024xf32, #tpu.memory_space<vmem>>, vector<1x16xf32>,
        %get3A_992 = vector.shape_cast %get3A_991 : vector<1x16xf32> to vector<16xf32>
        %add3A_993 = arith.addf %get3A_988, %get3A_992 : vector<16xf32>
        %swap3A_994 = arith.index_cast %add3A_118 : i32 to index
        %swap3A_995 = arith.constant 992 : index
        %swap3A_996 = tpu.vector_load %arg13[%swap3A_994, %swap3A_995] {strides = array<i32>} : memref<16x1024xf32, #tpu.memory_space<vmem>>, vector<1x16xf32>,
        %swap3A_997 = vector.shape_cast %swap3A_996 : vector<1x16xf32> to vector<16xf32>
        %swap3A_998 = vector.shape_cast %add3A_993 : vector<16xf32> to vector<1x16xf32>
        tpu.vector_store %arg13[%swap3A_994, %swap3A_995], %swap3A_998 {strides = array<i32>} : memref<16x1024xf32, #tpu.memory_space<vmem>>, vector<1x16xf32>,
        %get3A_999 = arith.index_cast %add3A_118 : i32 to index
        %get3A_1000 = arith.constant 1008 : index
        %get3A_1001 = tpu.vector_load %arg9[%get3A_999, %get3A_1000] {strides = array<i32>} : memref<16x1024xf32, #tpu.memory_space<vmem>>, vector<1x16xf32>,
        %get3A_1002 = vector.shape_cast %get3A_1001 : vector<1x16xf32> to vector<16xf32>
        %get3A_1003 = arith.index_cast %add3A_118 : i32 to index
        %get3A_1004 = arith.constant 1008 : index
        %get3A_1005 = tpu.vector_load %arg11[%get3A_1003, %get3A_1004] {strides = array<i32>} : memref<16x1024xf32, #tpu.memory_space<vmem>>, vector<1x16xf32>,
        %get3A_1006 = vector.shape_cast %get3A_1005 : vector<1x16xf32> to vector<16xf32>
        %add3A_1007 = arith.addf %get3A_1002, %get3A_1006 : vector<16xf32>
        %swap3A_1008 = arith.index_cast %add3A_118 : i32 to index
        %swap3A_1009 = arith.constant 1008 : index
        %swap3A_1010 = tpu.vector_load %arg13[%swap3A_1008, %swap3A_1009] {strides = array<i32>} : memref<16x1024xf32, #tpu.memory_space<vmem>>, vector<1x16xf32>,
        %swap3A_1011 = vector.shape_cast %swap3A_1010 : vector<1x16xf32> to vector<16xf32>
        %swap3A_1012 = vector.shape_cast %add3A_1007 : vector<16xf32> to vector<1x16xf32>
        tpu.vector_store %arg13[%swap3A_1008, %swap3A_1009], %swap3A_1012 {strides = array<i32>} : memref<16x1024xf32, #tpu.memory_space<vmem>>, vector<1x16xf32>,
      }
      %scan3A_62 = arith.constant 16 : i32
      %add3A_63 = arith.constant 2 : i32
      %add3A_64 = arith.addi %add3A_43, %add3A_63 : i32
      %lt3A = arith.constant 32 : i32
      %lt3A_65 = arith.cmpi slt, %add3A_64, %lt3A : i32
      %convert_element_type3A_66 = arith.extui %lt3A_65 : i1 to i32
      %cond3A_67 = arith.constant 0 : i32
      %cond3A_68 = arith.cmpi ne, %convert_element_type3A_66, %cond3A_67 : i32
      scf.if %cond3A_68 {
        %add3A_114 = arith.constant 2 : i32
        %add3A_115 = arith.addi %add3A_43, %add3A_114 : i32
        %mul3A_116 = arith.constant 16 : i32
        %mul3A_117 = arith.muli %add3A_115, %mul3A_116 : i32
        %mul3A_118 = arith.constant 16 : i32
        %mul3A_119 = arith.muli %add3A_115, %mul3A_118 : i32
        %dma_start3A_120 = tpu.memref_slice %arg7[%mul3A_117] : memref<512xi32, #tpu.memory_space<vmem>> -> memref<16xi32, #tpu.memory_space<vmem>>
        %dma_start3A_121 = arith.constant 0 : i32
        %dma_start3A_122 = arith.constant 0 : i32
        %dma_start3A_123 = tpu.memref_slice %arg2[%dma_start3A_121, %dma_start3A_122] : memref<50304x1024xf32, #tpu.memory_space<hbm>> -> memref<50304x1024xf32, #tpu.memory_space<hbm>>
        tpu.enqueue_indirect_dma source(%dma_start3A_123 : memref<50304x1024xf32, #tpu.memory_space<hbm>>) target(%arg9 : memref<16x1024xf32, #tpu.memory_space<vmem>>) offsets(%dma_start3A_120 : memref<16xi32, #tpu.memory_space<vmem>>) semaphore(%arg15 : memref<!tpu.dma_semaphore, #tpu.memory_space<semaphore_mem>>)
        %dma_start3A_124 = tpu.memref_slice %arg8[%mul3A_119] : memref<512xi32, #tpu.memory_space<vmem>> -> memref<16xi32, #tpu.memory_space<vmem>>
        %dma_start3A_125 = arith.constant 0 : i32
        %dma_start3A_126 = arith.constant 0 : i32
        %dma_start3A_127 = tpu.memref_slice %arg3[%dma_start3A_125, %dma_start3A_126] : memref<4096x1024xf32, #tpu.memory_space<hbm>> -> memref<4096x1024xf32, #tpu.memory_space<hbm>>
        tpu.enqueue_indirect_dma source(%dma_start3A_127 : memref<4096x1024xf32, #tpu.memory_space<hbm>>) target(%arg11 : memref<16x1024xf32, #tpu.memory_space<vmem>>) offsets(%dma_start3A_124 : memref<16xi32, #tpu.memory_space<vmem>>) semaphore(%arg17 : memref<!tpu.dma_semaphore, #tpu.memory_space<semaphore_mem>>)
      } else {
      }
      %mul3A_69 = arith.constant 16 : i32
      %mul3A_70 = arith.muli %add3A_43, %mul3A_69 : i32
      %add3A_71 = arith.addi %mul3A_2, %mul3A_70 : i32
      %dma_start3A_72 = arith.constant 0 : i32
      %dma_start3A_73 = tpu.memref_slice %arg6[%add3A_71, %dma_start3A_72] : memref<16384x1024xf32, #tpu.memory_space<hbm>> -> memref<16x1024xf32, #tpu.memory_space<hbm>>
      %dma_start3A_74 = arith.constant 0 : i32
      %dma_start3A_75 = tpu.memref_slice %arg6[%add3A_71, %dma_start3A_74] : memref<16384x1024xf32, #tpu.memory_space<hbm>> -> memref<16x1024xf32, #tpu.memory_space<hbm>>
      tpu.enqueue_dma source(%arg13 : memref<16x1024xf32, #tpu.memory_space<vmem>>) target(%dma_start3A_75 : memref<16x1024xf32, #tpu.memory_space<hbm>>) target_semaphore(%arg19 : memref<!tpu.dma_semaphore, #tpu.memory_space<semaphore_mem>>)
      %add3A_76 = arith.constant 1 : i32
      %add3A_77 = arith.addi %add3A_41, %add3A_76 : i32
      %mul3A_78 = arith.constant 16 : i32
      %mul3A_79 = arith.muli %add3A_77, %mul3A_78 : i32
      %mul3A_80 = arith.constant 16 : i32
      %mul3A_81 = arith.muli %add3A_77, %mul3A_80 : i32
      %dma_wait3A_82 = tpu.memref_slice %arg7[%mul3A_79] : memref<512xi32, #tpu.memory_space<vmem>> -> memref<16xi32, #tpu.memory_space<vmem>>
      %dma_wait3A_83 = arith.constant 0 : i32
      %dma_wait3A_84 = arith.constant 0 : i32
      %dma_wait3A_85 = tpu.memref_slice %arg2[%dma_wait3A_83, %dma_wait3A_84] : memref<50304x1024xf32, #tpu.memory_space<hbm>> -> memref<50304x1024xf32, #tpu.memory_space<hbm>>
      tpu.wait_indirect_dma semaphore(%arg16 : memref<!tpu.dma_semaphore, #tpu.memory_space<semaphore_mem>>) src(%dma_wait3A_85 : memref<50304x1024xf32, #tpu.memory_space<hbm>>) dst(%arg10 : memref<16x1024xf32, #tpu.memory_space<vmem>>)
      %dma_wait3A_86 = tpu.memref_slice %arg8[%mul3A_81] : memref<512xi32, #tpu.memory_space<vmem>> -> memref<16xi32, #tpu.memory_space<vmem>>
      %dma_wait3A_87 = arith.constant 0 : i32
      %dma_wait3A_88 = arith.constant 0 : i32
      %dma_wait3A_89 = tpu.memref_slice %arg3[%dma_wait3A_87, %dma_wait3A_88] : memref<4096x1024xf32, #tpu.memory_space<hbm>> -> memref<4096x1024xf32, #tpu.memory_space<hbm>>
      tpu.wait_indirect_dma semaphore(%arg18 : memref<!tpu.dma_semaphore, #tpu.memory_space<semaphore_mem>>) src(%dma_wait3A_89 : memref<4096x1024xf32, #tpu.memory_space<hbm>>) dst(%arg12 : memref<16x1024xf32, #tpu.memory_space<vmem>>)
      %ge3A_90 = arith.constant 2 : i32
      %ge3A_91 = arith.cmpi sge, %add3A_77, %ge3A_90 : i32
      %convert_element_type3A_92 = arith.extui %ge3A_91 : i1 to i32
      %cond3A_93 = arith.constant 0 : i32
      %cond3A_94 = arith.cmpi ne, %convert_element_type3A_92, %cond3A_93 : i32
      scf.if %cond3A_94 {
        %sub3A = arith.constant 2 : i32
        %sub3A_114 = arith.subi %add3A_77, %sub3A : i32
        %mul3A_115 = arith.constant 16 : i32
        %mul3A_116 = arith.muli %sub3A_114, %mul3A_115 : i32
        %add3A_117 = arith.addi %mul3A_2, %mul3A_116 : i32
        %dma_wait3A_118 = arith.constant 0 : i32
        %dma_wait3A_119 = tpu.memref_slice %arg6[%add3A_117, %dma_wait3A_118] : memref<16384x1024xf32, #tpu.memory_space<hbm>> -> memref<16x1024xf32, #tpu.memory_space<hbm>>
        %dma_wait3A_120 = arith.constant 0 : i32
        %dma_wait3A_121 = tpu.memref_slice %arg6[%add3A_117, %dma_wait3A_120] : memref<16384x1024xf32, #tpu.memory_space<hbm>> -> memref<16x1024xf32, #tpu.memory_space<hbm>>
        tpu.wait_dma2 semaphore(%arg20 : memref<!tpu.dma_semaphore, #tpu.memory_space<semaphore_mem>>) src(%arg14 : memref<16x1024xf32, #tpu.memory_space<vmem>>) dst(%dma_wait3A_121 : memref<16x1024xf32, #tpu.memory_space<hbm>>)
      } else {
      }
      %scan3A_95 = arith.constant 0 : i32
      %scan3A_96 = arith.constant 16 : i32
      %scan3A_97 = arith.addi %scan3A_95, %scan3A_96 : i32
      %scan3A_98 = arith.constant 1 : i32
      scf.for %scan3A_114 = %scan3A_95 to %scan3A_97 step %scan3A_98  : i32 {
        %mul3A_115 = arith.constant 1 : i32
        %mul3A_116 = arith.muli %scan3A_114, %mul3A_115 : i32
        %add3A_117 = arith.constant 0 : i32
        %add3A_118 = arith.addi %add3A_117, %mul3A_116 : i32
        %get3A = arith.index_cast %add3A_118 : i32 to index
        %get3A_119 = arith.constant 0 : index
        %get3A_120 = tpu.vector_load %arg10[%get3A, %get3A_119] {strides = array<i32>} : memref<16x1024xf32, #tpu.memory_space<vmem>>, vector<1x16xf32>,
        %get3A_121 = vector.shape_cast %get3A_120 : vector<1x16xf32> to vector<16xf32>
        %get3A_122 = arith.index_cast %add3A_118 : i32 to index
        %get3A_123 = arith.constant 0 : index
        %get3A_124 = tpu.vector_load %arg12[%get3A_122, %get3A_123] {strides = array<i32>} : memref<16x1024xf32, #tpu.memory_space<vmem>>, vector<1x16xf32>,
        %get3A_125 = vector.shape_cast %get3A_124 : vector<1x16xf32> to vector<16xf32>
        %add3A_126 = arith.addf %get3A_121, %get3A_125 : vector<16xf32>
        %swap3A = arith.index_cast %add3A_118 : i32 to index
        %swap3A_127 = arith.constant 0 : index
        %swap3A_128 = tpu.vector_load %arg14[%swap3A, %swap3A_127] {strides = array<i32>} : memref<16x1024xf32, #tpu.memory_space<vmem>>, vector<1x16xf32>,
        %swap3A_129 = vector.shape_cast %swap3A_128 : vector<1x16xf32> to vector<16xf32>
        %swap3A_130 = vector.shape_cast %add3A_126 : vector<16xf32> to vector<1x16xf32>
        tpu.vector_store %arg14[%swap3A, %swap3A_127], %swap3A_130 {strides = array<i32>} : memref<16x1024xf32, #tpu.memory_space<vmem>>, vector<1x16xf32>,
        %get3A_131 = arith.index_cast %add3A_118 : i32 to index
        %get3A_132 = arith.constant 16 : index
        %get3A_133 = tpu.vector_load %arg10[%get3A_131, %get3A_132] {strides = array<i32>} : memref<16x1024xf32, #tpu.memory_space<vmem>>, vector<1x16xf32>,
        %get3A_134 = vector.shape_cast %get3A_133 : vector<1x16xf32> to vector<16xf32>
        %get3A_135 = arith.index_cast %add3A_118 : i32 to index
        %get3A_136 = arith.constant 16 : index
        %get3A_137 = tpu.vector_load %arg12[%get3A_135, %get3A_136] {strides = array<i32>} : memref<16x1024xf32, #tpu.memory_space<vmem>>, vector<1x16xf32>,
        %get3A_138 = vector.shape_cast %get3A_137 : vector<1x16xf32> to vector<16xf32>
        %add3A_139 = arith.addf %get3A_134, %get3A_138 : vector<16xf32>
        %swap3A_140 = arith.index_cast %add3A_118 : i32 to index
        %swap3A_141 = arith.constant 16 : index
        %swap3A_142 = tpu.vector_load %arg14[%swap3A_140, %swap3A_141] {strides = array<i32>} : memref<16x1024xf32, #tpu.memory_space<vmem>>, vector<1x16xf32>,
        %swap3A_143 = vector.shape_cast %swap3A_142 : vector<1x16xf32> to vector<16xf32>
        %swap3A_144 = vector.shape_cast %add3A_139 : vector<16xf32> to vector<1x16xf32>
        tpu.vector_store %arg14[%swap3A_140, %swap3A_141], %swap3A_144 {strides = array<i32>} : memref<16x1024xf32, #tpu.memory_space<vmem>>, vector<1x16xf32>,
        %get3A_145 = arith.index_cast %add3A_118 : i32 to index
        %get3A_146 = arith.constant 32 : index
        %get3A_147 = tpu.vector_load %arg10[%get3A_145, %get3A_146] {strides = array<i32>} : memref<16x1024xf32, #tpu.memory_space<vmem>>, vector<1x16xf32>,
        %get3A_148 = vector.shape_cast %get3A_147 : vector<1x16xf32> to vector<16xf32>
        %get3A_149 = arith.index_cast %add3A_118 : i32 to index
        %get3A_150 = arith.constant 32 : index
        %get3A_151 = tpu.vector_load %arg12[%get3A_149, %get3A_150] {strides = array<i32>} : memref<16x1024xf32, #tpu.memory_space<vmem>>, vector<1x16xf32>,
        %get3A_152 = vector.shape_cast %get3A_151 : vector<1x16xf32> to vector<16xf32>
        %add3A_153 = arith.addf %get3A_148, %get3A_152 : vector<16xf32>
        %swap3A_154 = arith.index_cast %add3A_118 : i32 to index
        %swap3A_155 = arith.constant 32 : index
        %swap3A_156 = tpu.vector_load %arg14[%swap3A_154, %swap3A_155] {strides = array<i32>} : memref<16x1024xf32, #tpu.memory_space<vmem>>, vector<1x16xf32>,
        %swap3A_157 = vector.shape_cast %swap3A_156 : vector<1x16xf32> to vector<16xf32>
        %swap3A_158 = vector.shape_cast %add3A_153 : vector<16xf32> to vector<1x16xf32>
        tpu.vector_store %arg14[%swap3A_154, %swap3A_155], %swap3A_158 {strides = array<i32>} : memref<16x1024xf32, #tpu.memory_space<vmem>>, vector<1x16xf32>,
        %get3A_159 = arith.index_cast %add3A_118 : i32 to index
        %get3A_160 = arith.constant 48 : index
        %get3A_161 = tpu.vector_load %arg10[%get3A_159, %get3A_160] {strides = array<i32>} : memref<16x1024xf32, #tpu.memory_space<vmem>>, vector<1x16xf32>,
        %get3A_162 = vector.shape_cast %get3A_161 : vector<1x16xf32> to vector<16xf32>
        %get3A_163 = arith.index_cast %add3A_118 : i32 to index
        %get3A_164 = arith.constant 48 : index
        %get3A_165 = tpu.vector_load %arg12[%get3A_163, %get3A_164] {strides = array<i32>} : memref<16x1024xf32, #tpu.memory_space<vmem>>, vector<1x16xf32>,
        %get3A_166 = vector.shape_cast %get3A_165 : vector<1x16xf32> to vector<16xf32>
        %add3A_167 = arith.addf %get3A_162, %get3A_166 : vector<16xf32>
        %swap3A_168 = arith.index_cast %add3A_118 : i32 to index
        %swap3A_169 = arith.constant 48 : index
        %swap3A_170 = tpu.vector_load %arg14[%swap3A_168, %swap3A_169] {strides = array<i32>} : memref<16x1024xf32, #tpu.memory_space<vmem>>, vector<1x16xf32>,
        %swap3A_171 = vector.shape_cast %swap3A_170 : vector<1x16xf32> to vector<16xf32>
        %swap3A_172 = vector.shape_cast %add3A_167 : vector<16xf32> to vector<1x16xf32>
        tpu.vector_store %arg14[%swap3A_168, %swap3A_169], %swap3A_172 {strides = array<i32>} : memref<16x1024xf32, #tpu.memory_space<vmem>>, vector<1x16xf32>,
        %get3A_173 = arith.index_cast %add3A_118 : i32 to index
        %get3A_174 = arith.constant 64 : index
        %get3A_175 = tpu.vector_load %arg10[%get3A_173, %get3A_174] {strides = array<i32>} : memref<16x1024xf32, #tpu.memory_space<vmem>>, vector<1x16xf32>,
        %get3A_176 = vector.shape_cast %get3A_175 : vector<1x16xf32> to vector<16xf32>
        %get3A_177 = arith.index_cast %add3A_118 : i32 to index
        %get3A_178 = arith.constant 64 : index
        %get3A_179 = tpu.vector_load %arg12[%get3A_177, %get3A_178] {strides = array<i32>} : memref<16x1024xf32, #tpu.memory_space<vmem>>, vector<1x16xf32>,
        %get3A_180 = vector.shape_cast %get3A_179 : vector<1x16xf32> to vector<16xf32>
        %add3A_181 = arith.addf %get3A_176, %get3A_180 : vector<16xf32>
        %swap3A_182 = arith.index_cast %add3A_118 : i32 to index
        %swap3A_183 = arith.constant 64 : index
        %swap3A_184 = tpu.vector_load %arg14[%swap3A_182, %swap3A_183] {strides = array<i32>} : memref<16x1024xf32, #tpu.memory_space<vmem>>, vector<1x16xf32>,
        %swap3A_185 = vector.shape_cast %swap3A_184 : vector<1x16xf32> to vector<16xf32>
        %swap3A_186 = vector.shape_cast %add3A_181 : vector<16xf32> to vector<1x16xf32>
        tpu.vector_store %arg14[%swap3A_182, %swap3A_183], %swap3A_186 {strides = array<i32>} : memref<16x1024xf32, #tpu.memory_space<vmem>>, vector<1x16xf32>,
        %get3A_187 = arith.index_cast %add3A_118 : i32 to index
        %get3A_188 = arith.constant 80 : index
        %get3A_189 = tpu.vector_load %arg10[%get3A_187, %get3A_188] {strides = array<i32>} : memref<16x1024xf32, #tpu.memory_space<vmem>>, vector<1x16xf32>,
        %get3A_190 = vector.shape_cast %get3A_189 : vector<1x16xf32> to vector<16xf32>
        %get3A_191 = arith.index_cast %add3A_118 : i32 to index
        %get3A_192 = arith.constant 80 : index
        %get3A_193 = tpu.vector_load %arg12[%get3A_191, %get3A_192] {strides = array<i32>} : memref<16x1024xf32, #tpu.memory_space<vmem>>, vector<1x16xf32>,
        %get3A_194 = vector.shape_cast %get3A_193 : vector<1x16xf32> to vector<16xf32>
        %add3A_195 = arith.addf %get3A_190, %get3A_194 : vector<16xf32>
        %swap3A_196 = arith.index_cast %add3A_118 : i32 to index
        %swap3A_197 = arith.constant 80 : index
        %swap3A_198 = tpu.vector_load %arg14[%swap3A_196, %swap3A_197] {strides = array<i32>} : memref<16x1024xf32, #tpu.memory_space<vmem>>, vector<1x16xf32>,
        %swap3A_199 = vector.shape_cast %swap3A_198 : vector<1x16xf32> to vector<16xf32>
        %swap3A_200 = vector.shape_cast %add3A_195 : vector<16xf32> to vector<1x16xf32>
        tpu.vector_store %arg14[%swap3A_196, %swap3A_197], %swap3A_200 {strides = array<i32>} : memref<16x1024xf32, #tpu.memory_space<vmem>>, vector<1x16xf32>,
        %get3A_201 = arith.index_cast %add3A_118 : i32 to index
        %get3A_202 = arith.constant 96 : index
        %get3A_203 = tpu.vector_load %arg10[%get3A_201, %get3A_202] {strides = array<i32>} : memref<16x1024xf32, #tpu.memory_space<vmem>>, vector<1x16xf32>,
        %get3A_204 = vector.shape_cast %get3A_203 : vector<1x16xf32> to vector<16xf32>
        %get3A_205 = arith.index_cast %add3A_118 : i32 to index
        %get3A_206 = arith.constant 96 : index
        %get3A_207 = tpu.vector_load %arg12[%get3A_205, %get3A_206] {strides = array<i32>} : memref<16x1024xf32, #tpu.memory_space<vmem>>, vector<1x16xf32>,
        %get3A_208 = vector.shape_cast %get3A_207 : vector<1x16xf32> to vector<16xf32>
        %add3A_209 = arith.addf %get3A_204, %get3A_208 : vector<16xf32>
        %swap3A_210 = arith.index_cast %add3A_118 : i32 to index
        %swap3A_211 = arith.constant 96 : index
        %swap3A_212 = tpu.vector_load %arg14[%swap3A_210, %swap3A_211] {strides = array<i32>} : memref<16x1024xf32, #tpu.memory_space<vmem>>, vector<1x16xf32>,
        %swap3A_213 = vector.shape_cast %swap3A_212 : vector<1x16xf32> to vector<16xf32>
        %swap3A_214 = vector.shape_cast %add3A_209 : vector<16xf32> to vector<1x16xf32>
        tpu.vector_store %arg14[%swap3A_210, %swap3A_211], %swap3A_214 {strides = array<i32>} : memref<16x1024xf32, #tpu.memory_space<vmem>>, vector<1x16xf32>,
        %get3A_215 = arith.index_cast %add3A_118 : i32 to index
        %get3A_216 = arith.constant 112 : index
        %get3A_217 = tpu.vector_load %arg10[%get3A_215, %get3A_216] {strides = array<i32>} : memref<16x1024xf32, #tpu.memory_space<vmem>>, vector<1x16xf32>,
        %get3A_218 = vector.shape_cast %get3A_217 : vector<1x16xf32> to vector<16xf32>
        %get3A_219 = arith.index_cast %add3A_118 : i32 to index
        %get3A_220 = arith.constant 112 : index
        %get3A_221 = tpu.vector_load %arg12[%get3A_219, %get3A_220] {strides = array<i32>} : memref<16x1024xf32, #tpu.memory_space<vmem>>, vector<1x16xf32>,
        %get3A_222 = vector.shape_cast %get3A_221 : vector<1x16xf32> to vector<16xf32>
        %add3A_223 = arith.addf %get3A_218, %get3A_222 : vector<16xf32>
        %swap3A_224 = arith.index_cast %add3A_118 : i32 to index
        %swap3A_225 = arith.constant 112 : index
        %swap3A_226 = tpu.vector_load %arg14[%swap3A_224, %swap3A_225] {strides = array<i32>} : memref<16x1024xf32, #tpu.memory_space<vmem>>, vector<1x16xf32>,
        %swap3A_227 = vector.shape_cast %swap3A_226 : vector<1x16xf32> to vector<16xf32>
        %swap3A_228 = vector.shape_cast %add3A_223 : vector<16xf32> to vector<1x16xf32>
        tpu.vector_store %arg14[%swap3A_224, %swap3A_225], %swap3A_228 {strides = array<i32>} : memref<16x1024xf32, #tpu.memory_space<vmem>>, vector<1x16xf32>,
        %get3A_229 = arith.index_cast %add3A_118 : i32 to index
        %get3A_230 = arith.constant 128 : index
        %get3A_231 = tpu.vector_load %arg10[%get3A_229, %get3A_230] {strides = array<i32>} : memref<16x1024xf32, #tpu.memory_space<vmem>>, vector<1x16xf32>,
        %get3A_232 = vector.shape_cast %get3A_231 : vector<1x16xf32> to vector<16xf32>
        %get3A_233 = arith.index_cast %add3A_118 : i32 to index
        %get3A_234 = arith.constant 128 : index
        %get3A_235 = tpu.vector_load %arg12[%get3A_233, %get3A_234] {strides = array<i32>} : memref<16x1024xf32, #tpu.memory_space<vmem>>, vector<1x16xf32>,
        %get3A_236 = vector.shape_cast %get3A_235 : vector<1x16xf32> to vector<16xf32>
        %add3A_237 = arith.addf %get3A_232, %get3A_236 : vector<16xf32>
        %swap3A_238 = arith.index_cast %add3A_118 : i32 to index
        %swap3A_239 = arith.constant 128 : index
        %swap3A_240 = tpu.vector_load %arg14[%swap3A_238, %swap3A_239] {strides = array<i32>} : memref<16x1024xf32, #tpu.memory_space<vmem>>, vector<1x16xf32>,
        %swap3A_241 = vector.shape_cast %swap3A_240 : vector<1x16xf32> to vector<16xf32>
        %swap3A_242 = vector.shape_cast %add3A_237 : vector<16xf32> to vector<1x16xf32>
        tpu.vector_store %arg14[%swap3A_238, %swap3A_239], %swap3A_242 {strides = array<i32>} : memref<16x1024xf32, #tpu.memory_space<vmem>>, vector<1x16xf32>,
        %get3A_243 = arith.index_cast %add3A_118 : i32 to index
        %get3A_244 = arith.constant 144 : index
        %get3A_245 = tpu.vector_load %arg10[%get3A_243, %get3A_244] {strides = array<i32>} : memref<16x1024xf32, #tpu.memory_space<vmem>>, vector<1x16xf32>,
        %get3A_246 = vector.shape_cast %get3A_245 : vector<1x16xf32> to vector<16xf32>
        %get3A_247 = arith.index_cast %add3A_118 : i32 to index
        %get3A_248 = arith.constant 144 : index
        %get3A_249 = tpu.vector_load %arg12[%get3A_247, %get3A_248] {strides = array<i32>} : memref<16x1024xf32, #tpu.memory_space<vmem>>, vector<1x16xf32>,
        %get3A_250 = vector.shape_cast %get3A_249 : vector<1x16xf32> to vector<16xf32>
        %add3A_251 = arith.addf %get3A_246, %get3A_250 : vector<16xf32>
        %swap3A_252 = arith.index_cast %add3A_118 : i32 to index
        %swap3A_253 = arith.constant 144 : index
        %swap3A_254 = tpu.vector_load %arg14[%swap3A_252, %swap3A_253] {strides = array<i32>} : memref<16x1024xf32, #tpu.memory_space<vmem>>, vector<1x16xf32>,
        %swap3A_255 = vector.shape_cast %swap3A_254 : vector<1x16xf32> to vector<16xf32>
        %swap3A_256 = vector.shape_cast %add3A_251 : vector<16xf32> to vector<1x16xf32>
        tpu.vector_store %arg14[%swap3A_252, %swap3A_253], %swap3A_256 {strides = array<i32>} : memref<16x1024xf32, #tpu.memory_space<vmem>>, vector<1x16xf32>,
        %get3A_257 = arith.index_cast %add3A_118 : i32 to index
        %get3A_258 = arith.constant 160 : index
        %get3A_259 = tpu.vector_load %arg10[%get3A_257, %get3A_258] {strides = array<i32>} : memref<16x1024xf32, #tpu.memory_space<vmem>>, vector<1x16xf32>,
        %get3A_260 = vector.shape_cast %get3A_259 : vector<1x16xf32> to vector<16xf32>
        %get3A_261 = arith.index_cast %add3A_118 : i32 to index
        %get3A_262 = arith.constant 160 : index
        %get3A_263 = tpu.vector_load %arg12[%get3A_261, %get3A_262] {strides = array<i32>} : memref<16x1024xf32, #tpu.memory_space<vmem>>, vector<1x16xf32>,
        %get3A_264 = vector.shape_cast %get3A_263 : vector<1x16xf32> to vector<16xf32>
        %add3A_265 = arith.addf %get3A_260, %get3A_264 : vector<16xf32>
        %swap3A_266 = arith.index_cast %add3A_118 : i32 to index
        %swap3A_267 = arith.constant 160 : index
        %swap3A_268 = tpu.vector_load %arg14[%swap3A_266, %swap3A_267] {strides = array<i32>} : memref<16x1024xf32, #tpu.memory_space<vmem>>, vector<1x16xf32>,
        %swap3A_269 = vector.shape_cast %swap3A_268 : vector<1x16xf32> to vector<16xf32>
        %swap3A_270 = vector.shape_cast %add3A_265 : vector<16xf32> to vector<1x16xf32>
        tpu.vector_store %arg14[%swap3A_266, %swap3A_267], %swap3A_270 {strides = array<i32>} : memref<16x1024xf32, #tpu.memory_space<vmem>>, vector<1x16xf32>,
        %get3A_271 = arith.index_cast %add3A_118 : i32 to index
        %get3A_272 = arith.constant 176 : index
        %get3A_273 = tpu.vector_load %arg10[%get3A_271, %get3A_272] {strides = array<i32>} : memref<16x1024xf32, #tpu.memory_space<vmem>>, vector<1x16xf32>,
        %get3A_274 = vector.shape_cast %get3A_273 : vector<1x16xf32> to vector<16xf32>
        %get3A_275 = arith.index_cast %add3A_118 : i32 to index
        %get3A_276 = arith.constant 176 : index
        %get3A_277 = tpu.vector_load %arg12[%get3A_275, %get3A_276] {strides = array<i32>} : memref<16x1024xf32, #tpu.memory_space<vmem>>, vector<1x16xf32>,
        %get3A_278 = vector.shape_cast %get3A_277 : vector<1x16xf32> to vector<16xf32>
        %add3A_279 = arith.addf %get3A_274, %get3A_278 : vector<16xf32>
        %swap3A_280 = arith.index_cast %add3A_118 : i32 to index
        %swap3A_281 = arith.constant 176 : index
        %swap3A_282 = tpu.vector_load %arg14[%swap3A_280, %swap3A_281] {strides = array<i32>} : memref<16x1024xf32, #tpu.memory_space<vmem>>, vector<1x16xf32>,
        %swap3A_283 = vector.shape_cast %swap3A_282 : vector<1x16xf32> to vector<16xf32>
        %swap3A_284 = vector.shape_cast %add3A_279 : vector<16xf32> to vector<1x16xf32>
        tpu.vector_store %arg14[%swap3A_280, %swap3A_281], %swap3A_284 {strides = array<i32>} : memref<16x1024xf32, #tpu.memory_space<vmem>>, vector<1x16xf32>,
        %get3A_285 = arith.index_cast %add3A_118 : i32 to index
        %get3A_286 = arith.constant 192 : index
        %get3A_287 = tpu.vector_load %arg10[%get3A_285, %get3A_286] {strides = array<i32>} : memref<16x1024xf32, #tpu.memory_space<vmem>>, vector<1x16xf32>,
        %get3A_288 = vector.shape_cast %get3A_287 : vector<1x16xf32> to vector<16xf32>
        %get3A_289 = arith.index_cast %add3A_118 : i32 to index
        %get3A_290 = arith.constant 192 : index
        %get3A_291 = tpu.vector_load %arg12[%get3A_289, %get3A_290] {strides = array<i32>} : memref<16x1024xf32, #tpu.memory_space<vmem>>, vector<1x16xf32>,
        %get3A_292 = vector.shape_cast %get3A_291 : vector<1x16xf32> to vector<16xf32>
        %add3A_293 = arith.addf %get3A_288, %get3A_292 : vector<16xf32>
        %swap3A_294 = arith.index_cast %add3A_118 : i32 to index
        %swap3A_295 = arith.constant 192 : index
        %swap3A_296 = tpu.vector_load %arg14[%swap3A_294, %swap3A_295] {strides = array<i32>} : memref<16x1024xf32, #tpu.memory_space<vmem>>, vector<1x16xf32>,
        %swap3A_297 = vector.shape_cast %swap3A_296 : vector<1x16xf32> to vector<16xf32>
        %swap3A_298 = vector.shape_cast %add3A_293 : vector<16xf32> to vector<1x16xf32>
        tpu.vector_store %arg14[%swap3A_294, %swap3A_295], %swap3A_298 {strides = array<i32>} : memref<16x1024xf32, #tpu.memory_space<vmem>>, vector<1x16xf32>,
        %get3A_299 = arith.index_cast %add3A_118 : i32 to index
        %get3A_300 = arith.constant 208 : index
        %get3A_301 = tpu.vector_load %arg10[%get3A_299, %get3A_300] {strides = array<i32>} : memref<16x1024xf32, #tpu.memory_space<vmem>>, vector<1x16xf32>,
        %get3A_302 = vector.shape_cast %get3A_301 : vector<1x16xf32> to vector<16xf32>
        %get3A_303 = arith.index_cast %add3A_118 : i32 to index
        %get3A_304 = arith.constant 208 : index
        %get3A_305 = tpu.vector_load %arg12[%get3A_303, %get3A_304] {strides = array<i32>} : memref<16x1024xf32, #tpu.memory_space<vmem>>, vector<1x16xf32>,
        %get3A_306 = vector.shape_cast %get3A_305 : vector<1x16xf32> to vector<16xf32>
        %add3A_307 = arith.addf %get3A_302, %get3A_306 : vector<16xf32>
        %swap3A_308 = arith.index_cast %add3A_118 : i32 to index
        %swap3A_309 = arith.constant 208 : index
        %swap3A_310 = tpu.vector_load %arg14[%swap3A_308, %swap3A_309] {strides = array<i32>} : memref<16x1024xf32, #tpu.memory_space<vmem>>, vector<1x16xf32>,
        %swap3A_311 = vector.shape_cast %swap3A_310 : vector<1x16xf32> to vector<16xf32>
        %swap3A_312 = vector.shape_cast %add3A_307 : vector<16xf32> to vector<1x16xf32>
        tpu.vector_store %arg14[%swap3A_308, %swap3A_309], %swap3A_312 {strides = array<i32>} : memref<16x1024xf32, #tpu.memory_space<vmem>>, vector<1x16xf32>,
        %get3A_313 = arith.index_cast %add3A_118 : i32 to index
        %get3A_314 = arith.constant 224 : index
        %get3A_315 = tpu.vector_load %arg10[%get3A_313, %get3A_314] {strides = array<i32>} : memref<16x1024xf32, #tpu.memory_space<vmem>>, vector<1x16xf32>,
        %get3A_316 = vector.shape_cast %get3A_315 : vector<1x16xf32> to vector<16xf32>
        %get3A_317 = arith.index_cast %add3A_118 : i32 to index
        %get3A_318 = arith.constant 224 : index
        %get3A_319 = tpu.vector_load %arg12[%get3A_317, %get3A_318] {strides = array<i32>} : memref<16x1024xf32, #tpu.memory_space<vmem>>, vector<1x16xf32>,
        %get3A_320 = vector.shape_cast %get3A_319 : vector<1x16xf32> to vector<16xf32>
        %add3A_321 = arith.addf %get3A_316, %get3A_320 : vector<16xf32>
        %swap3A_322 = arith.index_cast %add3A_118 : i32 to index
        %swap3A_323 = arith.constant 224 : index
        %swap3A_324 = tpu.vector_load %arg14[%swap3A_322, %swap3A_323] {strides = array<i32>} : memref<16x1024xf32, #tpu.memory_space<vmem>>, vector<1x16xf32>,
        %swap3A_325 = vector.shape_cast %swap3A_324 : vector<1x16xf32> to vector<16xf32>
        %swap3A_326 = vector.shape_cast %add3A_321 : vector<16xf32> to vector<1x16xf32>
        tpu.vector_store %arg14[%swap3A_322, %swap3A_323], %swap3A_326 {strides = array<i32>} : memref<16x1024xf32, #tpu.memory_space<vmem>>, vector<1x16xf32>,
        %get3A_327 = arith.index_cast %add3A_118 : i32 to index
        %get3A_328 = arith.constant 240 : index
        %get3A_329 = tpu.vector_load %arg10[%get3A_327, %get3A_328] {strides = array<i32>} : memref<16x1024xf32, #tpu.memory_space<vmem>>, vector<1x16xf32>,
        %get3A_330 = vector.shape_cast %get3A_329 : vector<1x16xf32> to vector<16xf32>
        %get3A_331 = arith.index_cast %add3A_118 : i32 to index
        %get3A_332 = arith.constant 240 : index
        %get3A_333 = tpu.vector_load %arg12[%get3A_331, %get3A_332] {strides = array<i32>} : memref<16x1024xf32, #tpu.memory_space<vmem>>, vector<1x16xf32>,
        %get3A_334 = vector.shape_cast %get3A_333 : vector<1x16xf32> to vector<16xf32>
        %add3A_335 = arith.addf %get3A_330, %get3A_334 : vector<16xf32>
        %swap3A_336 = arith.index_cast %add3A_118 : i32 to index
        %swap3A_337 = arith.constant 240 : index
        %swap3A_338 = tpu.vector_load %arg14[%swap3A_336, %swap3A_337] {strides = array<i32>} : memref<16x1024xf32, #tpu.memory_space<vmem>>, vector<1x16xf32>,
        %swap3A_339 = vector.shape_cast %swap3A_338 : vector<1x16xf32> to vector<16xf32>
        %swap3A_340 = vector.shape_cast %add3A_335 : vector<16xf32> to vector<1x16xf32>
        tpu.vector_store %arg14[%swap3A_336, %swap3A_337], %swap3A_340 {strides = array<i32>} : memref<16x1024xf32, #tpu.memory_space<vmem>>, vector<1x16xf32>,
        %get3A_341 = arith.index_cast %add3A_118 : i32 to index
        %get3A_342 = arith.constant 256 : index
        %get3A_343 = tpu.vector_load %arg10[%get3A_341, %get3A_342] {strides = array<i32>} : memref<16x1024xf32, #tpu.memory_space<vmem>>, vector<1x16xf32>,
        %get3A_344 = vector.shape_cast %get3A_343 : vector<1x16xf32> to vector<16xf32>
        %get3A_345 = arith.index_cast %add3A_118 : i32 to index
        %get3A_346 = arith.constant 256 : index
        %get3A_347 = tpu.vector_load %arg12[%get3A_345, %get3A_346] {strides = array<i32>} : memref<16x1024xf32, #tpu.memory_space<vmem>>, vector<1x16xf32>,
        %get3A_348 = vector.shape_cast %get3A_347 : vector<1x16xf32> to vector<16xf32>
        %add3A_349 = arith.addf %get3A_344, %get3A_348 : vector<16xf32>
        %swap3A_350 = arith.index_cast %add3A_118 : i32 to index
        %swap3A_351 = arith.constant 256 : index
        %swap3A_352 = tpu.vector_load %arg14[%swap3A_350, %swap3A_351] {strides = array<i32>} : memref<16x1024xf32, #tpu.memory_space<vmem>>, vector<1x16xf32>,
        %swap3A_353 = vector.shape_cast %swap3A_352 : vector<1x16xf32> to vector<16xf32>
        %swap3A_354 = vector.shape_cast %add3A_349 : vector<16xf32> to vector<1x16xf32>
        tpu.vector_store %arg14[%swap3A_350, %swap3A_351], %swap3A_354 {strides = array<i32>} : memref<16x1024xf32, #tpu.memory_space<vmem>>, vector<1x16xf32>,
        %get3A_355 = arith.index_cast %add3A_118 : i32 to index
        %get3A_356 = arith.constant 272 : index
        %get3A_357 = tpu.vector_load %arg10[%get3A_355, %get3A_356] {strides = array<i32>} : memref<16x1024xf32, #tpu.memory_space<vmem>>, vector<1x16xf32>,
        %get3A_358 = vector.shape_cast %get3A_357 : vector<1x16xf32> to vector<16xf32>
        %get3A_359 = arith.index_cast %add3A_118 : i32 to index
        %get3A_360 = arith.constant 272 : index
        %get3A_361 = tpu.vector_load %arg12[%get3A_359, %get3A_360] {strides = array<i32>} : memref<16x1024xf32, #tpu.memory_space<vmem>>, vector<1x16xf32>,
        %get3A_362 = vector.shape_cast %get3A_361 : vector<1x16xf32> to vector<16xf32>
        %add3A_363 = arith.addf %get3A_358, %get3A_362 : vector<16xf32>
        %swap3A_364 = arith.index_cast %add3A_118 : i32 to index
        %swap3A_365 = arith.constant 272 : index
        %swap3A_366 = tpu.vector_load %arg14[%swap3A_364, %swap3A_365] {strides = array<i32>} : memref<16x1024xf32, #tpu.memory_space<vmem>>, vector<1x16xf32>,
        %swap3A_367 = vector.shape_cast %swap3A_366 : vector<1x16xf32> to vector<16xf32>
        %swap3A_368 = vector.shape_cast %add3A_363 : vector<16xf32> to vector<1x16xf32>
        tpu.vector_store %arg14[%swap3A_364, %swap3A_365], %swap3A_368 {strides = array<i32>} : memref<16x1024xf32, #tpu.memory_space<vmem>>, vector<1x16xf32>,
        %get3A_369 = arith.index_cast %add3A_118 : i32 to index
        %get3A_370 = arith.constant 288 : index
        %get3A_371 = tpu.vector_load %arg10[%get3A_369, %get3A_370] {strides = array<i32>} : memref<16x1024xf32, #tpu.memory_space<vmem>>, vector<1x16xf32>,
        %get3A_372 = vector.shape_cast %get3A_371 : vector<1x16xf32> to vector<16xf32>
        %get3A_373 = arith.index_cast %add3A_118 : i32 to index
        %get3A_374 = arith.constant 288 : index
        %get3A_375 = tpu.vector_load %arg12[%get3A_373, %get3A_374] {strides = array<i32>} : memref<16x1024xf32, #tpu.memory_space<vmem>>, vector<1x16xf32>,
        %get3A_376 = vector.shape_cast %get3A_375 : vector<1x16xf32> to vector<16xf32>
        %add3A_377 = arith.addf %get3A_372, %get3A_376 : vector<16xf32>
        %swap3A_378 = arith.index_cast %add3A_118 : i32 to index
        %swap3A_379 = arith.constant 288 : index
        %swap3A_380 = tpu.vector_load %arg14[%swap3A_378, %swap3A_379] {strides = array<i32>} : memref<16x1024xf32, #tpu.memory_space<vmem>>, vector<1x16xf32>,
        %swap3A_381 = vector.shape_cast %swap3A_380 : vector<1x16xf32> to vector<16xf32>
        %swap3A_382 = vector.shape_cast %add3A_377 : vector<16xf32> to vector<1x16xf32>
        tpu.vector_store %arg14[%swap3A_378, %swap3A_379], %swap3A_382 {strides = array<i32>} : memref<16x1024xf32, #tpu.memory_space<vmem>>, vector<1x16xf32>,
        %get3A_383 = arith.index_cast %add3A_118 : i32 to index
        %get3A_384 = arith.constant 304 : index
        %get3A_385 = tpu.vector_load %arg10[%get3A_383, %get3A_384] {strides = array<i32>} : memref<16x1024xf32, #tpu.memory_space<vmem>>, vector<1x16xf32>,
        %get3A_386 = vector.shape_cast %get3A_385 : vector<1x16xf32> to vector<16xf32>
        %get3A_387 = arith.index_cast %add3A_118 : i32 to index
        %get3A_388 = arith.constant 304 : index
        %get3A_389 = tpu.vector_load %arg12[%get3A_387, %get3A_388] {strides = array<i32>} : memref<16x1024xf32, #tpu.memory_space<vmem>>, vector<1x16xf32>,
        %get3A_390 = vector.shape_cast %get3A_389 : vector<1x16xf32> to vector<16xf32>
        %add3A_391 = arith.addf %get3A_386, %get3A_390 : vector<16xf32>
        %swap3A_392 = arith.index_cast %add3A_118 : i32 to index
        %swap3A_393 = arith.constant 304 : index
        %swap3A_394 = tpu.vector_load %arg14[%swap3A_392, %swap3A_393] {strides = array<i32>} : memref<16x1024xf32, #tpu.memory_space<vmem>>, vector<1x16xf32>,
        %swap3A_395 = vector.shape_cast %swap3A_394 : vector<1x16xf32> to vector<16xf32>
        %swap3A_396 = vector.shape_cast %add3A_391 : vector<16xf32> to vector<1x16xf32>
        tpu.vector_store %arg14[%swap3A_392, %swap3A_393], %swap3A_396 {strides = array<i32>} : memref<16x1024xf32, #tpu.memory_space<vmem>>, vector<1x16xf32>,
        %get3A_397 = arith.index_cast %add3A_118 : i32 to index
        %get3A_398 = arith.constant 320 : index
        %get3A_399 = tpu.vector_load %arg10[%get3A_397, %get3A_398] {strides = array<i32>} : memref<16x1024xf32, #tpu.memory_space<vmem>>, vector<1x16xf32>,
        %get3A_400 = vector.shape_cast %get3A_399 : vector<1x16xf32> to vector<16xf32>
        %get3A_401 = arith.index_cast %add3A_118 : i32 to index
        %get3A_402 = arith.constant 320 : index
        %get3A_403 = tpu.vector_load %arg12[%get3A_401, %get3A_402] {strides = array<i32>} : memref<16x1024xf32, #tpu.memory_space<vmem>>, vector<1x16xf32>,
        %get3A_404 = vector.shape_cast %get3A_403 : vector<1x16xf32> to vector<16xf32>
        %add3A_405 = arith.addf %get3A_400, %get3A_404 : vector<16xf32>
        %swap3A_406 = arith.index_cast %add3A_118 : i32 to index
        %swap3A_407 = arith.constant 320 : index
        %swap3A_408 = tpu.vector_load %arg14[%swap3A_406, %swap3A_407] {strides = array<i32>} : memref<16x1024xf32, #tpu.memory_space<vmem>>, vector<1x16xf32>,
        %swap3A_409 = vector.shape_cast %swap3A_408 : vector<1x16xf32> to vector<16xf32>
        %swap3A_410 = vector.shape_cast %add3A_405 : vector<16xf32> to vector<1x16xf32>
        tpu.vector_store %arg14[%swap3A_406, %swap3A_407], %swap3A_410 {strides = array<i32>} : memref<16x1024xf32, #tpu.memory_space<vmem>>, vector<1x16xf32>,
        %get3A_411 = arith.index_cast %add3A_118 : i32 to index
        %get3A_412 = arith.constant 336 : index
        %get3A_413 = tpu.vector_load %arg10[%get3A_411, %get3A_412] {strides = array<i32>} : memref<16x1024xf32, #tpu.memory_space<vmem>>, vector<1x16xf32>,
        %get3A_414 = vector.shape_cast %get3A_413 : vector<1x16xf32> to vector<16xf32>
        %get3A_415 = arith.index_cast %add3A_118 : i32 to index
        %get3A_416 = arith.constant 336 : index
        %get3A_417 = tpu.vector_load %arg12[%get3A_415, %get3A_416] {strides = array<i32>} : memref<16x1024xf32, #tpu.memory_space<vmem>>, vector<1x16xf32>,
        %get3A_418 = vector.shape_cast %get3A_417 : vector<1x16xf32> to vector<16xf32>
        %add3A_419 = arith.addf %get3A_414, %get3A_418 : vector<16xf32>
        %swap3A_420 = arith.index_cast %add3A_118 : i32 to index
        %swap3A_421 = arith.constant 336 : index
        %swap3A_422 = tpu.vector_load %arg14[%swap3A_420, %swap3A_421] {strides = array<i32>} : memref<16x1024xf32, #tpu.memory_space<vmem>>, vector<1x16xf32>,
        %swap3A_423 = vector.shape_cast %swap3A_422 : vector<1x16xf32> to vector<16xf32>
        %swap3A_424 = vector.shape_cast %add3A_419 : vector<16xf32> to vector<1x16xf32>
        tpu.vector_store %arg14[%swap3A_420, %swap3A_421], %swap3A_424 {strides = array<i32>} : memref<16x1024xf32, #tpu.memory_space<vmem>>, vector<1x16xf32>,
        %get3A_425 = arith.index_cast %add3A_118 : i32 to index
        %get3A_426 = arith.constant 352 : index
        %get3A_427 = tpu.vector_load %arg10[%get3A_425, %get3A_426] {strides = array<i32>} : memref<16x1024xf32, #tpu.memory_space<vmem>>, vector<1x16xf32>,
        %get3A_428 = vector.shape_cast %get3A_427 : vector<1x16xf32> to vector<16xf32>
        %get3A_429 = arith.index_cast %add3A_118 : i32 to index
        %get3A_430 = arith.constant 352 : index
        %get3A_431 = tpu.vector_load %arg12[%get3A_429, %get3A_430] {strides = array<i32>} : memref<16x1024xf32, #tpu.memory_space<vmem>>, vector<1x16xf32>,
        %get3A_432 = vector.shape_cast %get3A_431 : vector<1x16xf32> to vector<16xf32>
        %add3A_433 = arith.addf %get3A_428, %get3A_432 : vector<16xf32>
        %swap3A_434 = arith.index_cast %add3A_118 : i32 to index
        %swap3A_435 = arith.constant 352 : index
        %swap3A_436 = tpu.vector_load %arg14[%swap3A_434, %swap3A_435] {strides = array<i32>} : memref<16x1024xf32, #tpu.memory_space<vmem>>, vector<1x16xf32>,
        %swap3A_437 = vector.shape_cast %swap3A_436 : vector<1x16xf32> to vector<16xf32>
        %swap3A_438 = vector.shape_cast %add3A_433 : vector<16xf32> to vector<1x16xf32>
        tpu.vector_store %arg14[%swap3A_434, %swap3A_435], %swap3A_438 {strides = array<i32>} : memref<16x1024xf32, #tpu.memory_space<vmem>>, vector<1x16xf32>,
        %get3A_439 = arith.index_cast %add3A_118 : i32 to index
        %get3A_440 = arith.constant 368 : index
        %get3A_441 = tpu.vector_load %arg10[%get3A_439, %get3A_440] {strides = array<i32>} : memref<16x1024xf32, #tpu.memory_space<vmem>>, vector<1x16xf32>,
        %get3A_442 = vector.shape_cast %get3A_441 : vector<1x16xf32> to vector<16xf32>
        %get3A_443 = arith.index_cast %add3A_118 : i32 to index
        %get3A_444 = arith.constant 368 : index
        %get3A_445 = tpu.vector_load %arg12[%get3A_443, %get3A_444] {strides = array<i32>} : memref<16x1024xf32, #tpu.memory_space<vmem>>, vector<1x16xf32>,
        %get3A_446 = vector.shape_cast %get3A_445 : vector<1x16xf32> to vector<16xf32>
        %add3A_447 = arith.addf %get3A_442, %get3A_446 : vector<16xf32>
        %swap3A_448 = arith.index_cast %add3A_118 : i32 to index
        %swap3A_449 = arith.constant 368 : index
        %swap3A_450 = tpu.vector_load %arg14[%swap3A_448, %swap3A_449] {strides = array<i32>} : memref<16x1024xf32, #tpu.memory_space<vmem>>, vector<1x16xf32>,
        %swap3A_451 = vector.shape_cast %swap3A_450 : vector<1x16xf32> to vector<16xf32>
        %swap3A_452 = vector.shape_cast %add3A_447 : vector<16xf32> to vector<1x16xf32>
        tpu.vector_store %arg14[%swap3A_448, %swap3A_449], %swap3A_452 {strides = array<i32>} : memref<16x1024xf32, #tpu.memory_space<vmem>>, vector<1x16xf32>,
        %get3A_453 = arith.index_cast %add3A_118 : i32 to index
        %get3A_454 = arith.constant 384 : index
        %get3A_455 = tpu.vector_load %arg10[%get3A_453, %get3A_454] {strides = array<i32>} : memref<16x1024xf32, #tpu.memory_space<vmem>>, vector<1x16xf32>,
        %get3A_456 = vector.shape_cast %get3A_455 : vector<1x16xf32> to vector<16xf32>
        %get3A_457 = arith.index_cast %add3A_118 : i32 to index
        %get3A_458 = arith.constant 384 : index
        %get3A_459 = tpu.vector_load %arg12[%get3A_457, %get3A_458] {strides = array<i32>} : memref<16x1024xf32, #tpu.memory_space<vmem>>, vector<1x16xf32>,
        %get3A_460 = vector.shape_cast %get3A_459 : vector<1x16xf32> to vector<16xf32>
        %add3A_461 = arith.addf %get3A_456, %get3A_460 : vector<16xf32>
        %swap3A_462 = arith.index_cast %add3A_118 : i32 to index
        %swap3A_463 = arith.constant 384 : index
        %swap3A_464 = tpu.vector_load %arg14[%swap3A_462, %swap3A_463] {strides = array<i32>} : memref<16x1024xf32, #tpu.memory_space<vmem>>, vector<1x16xf32>,
        %swap3A_465 = vector.shape_cast %swap3A_464 : vector<1x16xf32> to vector<16xf32>
        %swap3A_466 = vector.shape_cast %add3A_461 : vector<16xf32> to vector<1x16xf32>
        tpu.vector_store %arg14[%swap3A_462, %swap3A_463], %swap3A_466 {strides = array<i32>} : memref<16x1024xf32, #tpu.memory_space<vmem>>, vector<1x16xf32>,
        %get3A_467 = arith.index_cast %add3A_118 : i32 to index
        %get3A_468 = arith.constant 400 : index
        %get3A_469 = tpu.vector_load %arg10[%get3A_467, %get3A_468] {strides = array<i32>} : memref<16x1024xf32, #tpu.memory_space<vmem>>, vector<1x16xf32>,
        %get3A_470 = vector.shape_cast %get3A_469 : vector<1x16xf32> to vector<16xf32>
        %get3A_471 = arith.index_cast %add3A_118 : i32 to index
        %get3A_472 = arith.constant 400 : index
        %get3A_473 = tpu.vector_load %arg12[%get3A_471, %get3A_472] {strides = array<i32>} : memref<16x1024xf32, #tpu.memory_space<vmem>>, vector<1x16xf32>,
        %get3A_474 = vector.shape_cast %get3A_473 : vector<1x16xf32> to vector<16xf32>
        %add3A_475 = arith.addf %get3A_470, %get3A_474 : vector<16xf32>
        %swap3A_476 = arith.index_cast %add3A_118 : i32 to index
        %swap3A_477 = arith.constant 400 : index
        %swap3A_478 = tpu.vector_load %arg14[%swap3A_476, %swap3A_477] {strides = array<i32>} : memref<16x1024xf32, #tpu.memory_space<vmem>>, vector<1x16xf32>,
        %swap3A_479 = vector.shape_cast %swap3A_478 : vector<1x16xf32> to vector<16xf32>
        %swap3A_480 = vector.shape_cast %add3A_475 : vector<16xf32> to vector<1x16xf32>
        tpu.vector_store %arg14[%swap3A_476, %swap3A_477], %swap3A_480 {strides = array<i32>} : memref<16x1024xf32, #tpu.memory_space<vmem>>, vector<1x16xf32>,
        %get3A_481 = arith.index_cast %add3A_118 : i32 to index
        %get3A_482 = arith.constant 416 : index
        %get3A_483 = tpu.vector_load %arg10[%get3A_481, %get3A_482] {strides = array<i32>} : memref<16x1024xf32, #tpu.memory_space<vmem>>, vector<1x16xf32>,
        %get3A_484 = vector.shape_cast %get3A_483 : vector<1x16xf32> to vector<16xf32>
        %get3A_485 = arith.index_cast %add3A_118 : i32 to index
        %get3A_486 = arith.constant 416 : index
        %get3A_487 = tpu.vector_load %arg12[%get3A_485, %get3A_486] {strides = array<i32>} : memref<16x1024xf32, #tpu.memory_space<vmem>>, vector<1x16xf32>,
        %get3A_488 = vector.shape_cast %get3A_487 : vector<1x16xf32> to vector<16xf32>
        %add3A_489 = arith.addf %get3A_484, %get3A_488 : vector<16xf32>
        %swap3A_490 = arith.index_cast %add3A_118 : i32 to index
        %swap3A_491 = arith.constant 416 : index
        %swap3A_492 = tpu.vector_load %arg14[%swap3A_490, %swap3A_491] {strides = array<i32>} : memref<16x1024xf32, #tpu.memory_space<vmem>>, vector<1x16xf32>,
        %swap3A_493 = vector.shape_cast %swap3A_492 : vector<1x16xf32> to vector<16xf32>
        %swap3A_494 = vector.shape_cast %add3A_489 : vector<16xf32> to vector<1x16xf32>
        tpu.vector_store %arg14[%swap3A_490, %swap3A_491], %swap3A_494 {strides = array<i32>} : memref<16x1024xf32, #tpu.memory_space<vmem>>, vector<1x16xf32>,
        %get3A_495 = arith.index_cast %add3A_118 : i32 to index
        %get3A_496 = arith.constant 432 : index
        %get3A_497 = tpu.vector_load %arg10[%get3A_495, %get3A_496] {strides = array<i32>} : memref<16x1024xf32, #tpu.memory_space<vmem>>, vector<1x16xf32>,
        %get3A_498 = vector.shape_cast %get3A_497 : vector<1x16xf32> to vector<16xf32>
        %get3A_499 = arith.index_cast %add3A_118 : i32 to index
        %get3A_500 = arith.constant 432 : index
        %get3A_501 = tpu.vector_load %arg12[%get3A_499, %get3A_500] {strides = array<i32>} : memref<16x1024xf32, #tpu.memory_space<vmem>>, vector<1x16xf32>,
        %get3A_502 = vector.shape_cast %get3A_501 : vector<1x16xf32> to vector<16xf32>
        %add3A_503 = arith.addf %get3A_498, %get3A_502 : vector<16xf32>
        %swap3A_504 = arith.index_cast %add3A_118 : i32 to index
        %swap3A_505 = arith.constant 432 : index
        %swap3A_506 = tpu.vector_load %arg14[%swap3A_504, %swap3A_505] {strides = array<i32>} : memref<16x1024xf32, #tpu.memory_space<vmem>>, vector<1x16xf32>,
        %swap3A_507 = vector.shape_cast %swap3A_506 : vector<1x16xf32> to vector<16xf32>
        %swap3A_508 = vector.shape_cast %add3A_503 : vector<16xf32> to vector<1x16xf32>
        tpu.vector_store %arg14[%swap3A_504, %swap3A_505], %swap3A_508 {strides = array<i32>} : memref<16x1024xf32, #tpu.memory_space<vmem>>, vector<1x16xf32>,
        %get3A_509 = arith.index_cast %add3A_118 : i32 to index
        %get3A_510 = arith.constant 448 : index
        %get3A_511 = tpu.vector_load %arg10[%get3A_509, %get3A_510] {strides = array<i32>} : memref<16x1024xf32, #tpu.memory_space<vmem>>, vector<1x16xf32>,
        %get3A_512 = vector.shape_cast %get3A_511 : vector<1x16xf32> to vector<16xf32>
        %get3A_513 = arith.index_cast %add3A_118 : i32 to index
        %get3A_514 = arith.constant 448 : index
        %get3A_515 = tpu.vector_load %arg12[%get3A_513, %get3A_514] {strides = array<i32>} : memref<16x1024xf32, #tpu.memory_space<vmem>>, vector<1x16xf32>,
        %get3A_516 = vector.shape_cast %get3A_515 : vector<1x16xf32> to vector<16xf32>
        %add3A_517 = arith.addf %get3A_512, %get3A_516 : vector<16xf32>
        %swap3A_518 = arith.index_cast %add3A_118 : i32 to index
        %swap3A_519 = arith.constant 448 : index
        %swap3A_520 = tpu.vector_load %arg14[%swap3A_518, %swap3A_519] {strides = array<i32>} : memref<16x1024xf32, #tpu.memory_space<vmem>>, vector<1x16xf32>,
        %swap3A_521 = vector.shape_cast %swap3A_520 : vector<1x16xf32> to vector<16xf32>
        %swap3A_522 = vector.shape_cast %add3A_517 : vector<16xf32> to vector<1x16xf32>
        tpu.vector_store %arg14[%swap3A_518, %swap3A_519], %swap3A_522 {strides = array<i32>} : memref<16x1024xf32, #tpu.memory_space<vmem>>, vector<1x16xf32>,
        %get3A_523 = arith.index_cast %add3A_118 : i32 to index
        %get3A_524 = arith.constant 464 : index
        %get3A_525 = tpu.vector_load %arg10[%get3A_523, %get3A_524] {strides = array<i32>} : memref<16x1024xf32, #tpu.memory_space<vmem>>, vector<1x16xf32>,
        %get3A_526 = vector.shape_cast %get3A_525 : vector<1x16xf32> to vector<16xf32>
        %get3A_527 = arith.index_cast %add3A_118 : i32 to index
        %get3A_528 = arith.constant 464 : index
        %get3A_529 = tpu.vector_load %arg12[%get3A_527, %get3A_528] {strides = array<i32>} : memref<16x1024xf32, #tpu.memory_space<vmem>>, vector<1x16xf32>,
        %get3A_530 = vector.shape_cast %get3A_529 : vector<1x16xf32> to vector<16xf32>
        %add3A_531 = arith.addf %get3A_526, %get3A_530 : vector<16xf32>
        %swap3A_532 = arith.index_cast %add3A_118 : i32 to index
        %swap3A_533 = arith.constant 464 : index
        %swap3A_534 = tpu.vector_load %arg14[%swap3A_532, %swap3A_533] {strides = array<i32>} : memref<16x1024xf32, #tpu.memory_space<vmem>>, vector<1x16xf32>,
        %swap3A_535 = vector.shape_cast %swap3A_534 : vector<1x16xf32> to vector<16xf32>
        %swap3A_536 = vector.shape_cast %add3A_531 : vector<16xf32> to vector<1x16xf32>
        tpu.vector_store %arg14[%swap3A_532, %swap3A_533], %swap3A_536 {strides = array<i32>} : memref<16x1024xf32, #tpu.memory_space<vmem>>, vector<1x16xf32>,
        %get3A_537 = arith.index_cast %add3A_118 : i32 to index
        %get3A_538 = arith.constant 480 : index
        %get3A_539 = tpu.vector_load %arg10[%get3A_537, %get3A_538] {strides = array<i32>} : memref<16x1024xf32, #tpu.memory_space<vmem>>, vector<1x16xf32>,
        %get3A_540 = vector.shape_cast %get3A_539 : vector<1x16xf32> to vector<16xf32>
        %get3A_541 = arith.index_cast %add3A_118 : i32 to index
        %get3A_542 = arith.constant 480 : index
        %get3A_543 = tpu.vector_load %arg12[%get3A_541, %get3A_542] {strides = array<i32>} : memref<16x1024xf32, #tpu.memory_space<vmem>>, vector<1x16xf32>,
        %get3A_544 = vector.shape_cast %get3A_543 : vector<1x16xf32> to vector<16xf32>
        %add3A_545 = arith.addf %get3A_540, %get3A_544 : vector<16xf32>
        %swap3A_546 = arith.index_cast %add3A_118 : i32 to index
        %swap3A_547 = arith.constant 480 : index
        %swap3A_548 = tpu.vector_load %arg14[%swap3A_546, %swap3A_547] {strides = array<i32>} : memref<16x1024xf32, #tpu.memory_space<vmem>>, vector<1x16xf32>,
        %swap3A_549 = vector.shape_cast %swap3A_548 : vector<1x16xf32> to vector<16xf32>
        %swap3A_550 = vector.shape_cast %add3A_545 : vector<16xf32> to vector<1x16xf32>
        tpu.vector_store %arg14[%swap3A_546, %swap3A_547], %swap3A_550 {strides = array<i32>} : memref<16x1024xf32, #tpu.memory_space<vmem>>, vector<1x16xf32>,
        %get3A_551 = arith.index_cast %add3A_118 : i32 to index
        %get3A_552 = arith.constant 496 : index
        %get3A_553 = tpu.vector_load %arg10[%get3A_551, %get3A_552] {strides = array<i32>} : memref<16x1024xf32, #tpu.memory_space<vmem>>, vector<1x16xf32>,
        %get3A_554 = vector.shape_cast %get3A_553 : vector<1x16xf32> to vector<16xf32>
        %get3A_555 = arith.index_cast %add3A_118 : i32 to index
        %get3A_556 = arith.constant 496 : index
        %get3A_557 = tpu.vector_load %arg12[%get3A_555, %get3A_556] {strides = array<i32>} : memref<16x1024xf32, #tpu.memory_space<vmem>>, vector<1x16xf32>,
        %get3A_558 = vector.shape_cast %get3A_557 : vector<1x16xf32> to vector<16xf32>
        %add3A_559 = arith.addf %get3A_554, %get3A_558 : vector<16xf32>
        %swap3A_560 = arith.index_cast %add3A_118 : i32 to index
        %swap3A_561 = arith.constant 496 : index
        %swap3A_562 = tpu.vector_load %arg14[%swap3A_560, %swap3A_561] {strides = array<i32>} : memref<16x1024xf32, #tpu.memory_space<vmem>>, vector<1x16xf32>,
        %swap3A_563 = vector.shape_cast %swap3A_562 : vector<1x16xf32> to vector<16xf32>
        %swap3A_564 = vector.shape_cast %add3A_559 : vector<16xf32> to vector<1x16xf32>
        tpu.vector_store %arg14[%swap3A_560, %swap3A_561], %swap3A_564 {strides = array<i32>} : memref<16x1024xf32, #tpu.memory_space<vmem>>, vector<1x16xf32>,
        %get3A_565 = arith.index_cast %add3A_118 : i32 to index
        %get3A_566 = arith.constant 512 : index
        %get3A_567 = tpu.vector_load %arg10[%get3A_565, %get3A_566] {strides = array<i32>} : memref<16x1024xf32, #tpu.memory_space<vmem>>, vector<1x16xf32>,
        %get3A_568 = vector.shape_cast %get3A_567 : vector<1x16xf32> to vector<16xf32>
        %get3A_569 = arith.index_cast %add3A_118 : i32 to index
        %get3A_570 = arith.constant 512 : index
        %get3A_571 = tpu.vector_load %arg12[%get3A_569, %get3A_570] {strides = array<i32>} : memref<16x1024xf32, #tpu.memory_space<vmem>>, vector<1x16xf32>,
        %get3A_572 = vector.shape_cast %get3A_571 : vector<1x16xf32> to vector<16xf32>
        %add3A_573 = arith.addf %get3A_568, %get3A_572 : vector<16xf32>
        %swap3A_574 = arith.index_cast %add3A_118 : i32 to index
        %swap3A_575 = arith.constant 512 : index
        %swap3A_576 = tpu.vector_load %arg14[%swap3A_574, %swap3A_575] {strides = array<i32>} : memref<16x1024xf32, #tpu.memory_space<vmem>>, vector<1x16xf32>,
        %swap3A_577 = vector.shape_cast %swap3A_576 : vector<1x16xf32> to vector<16xf32>
        %swap3A_578 = vector.shape_cast %add3A_573 : vector<16xf32> to vector<1x16xf32>
        tpu.vector_store %arg14[%swap3A_574, %swap3A_575], %swap3A_578 {strides = array<i32>} : memref<16x1024xf32, #tpu.memory_space<vmem>>, vector<1x16xf32>,
        %get3A_579 = arith.index_cast %add3A_118 : i32 to index
        %get3A_580 = arith.constant 528 : index
        %get3A_581 = tpu.vector_load %arg10[%get3A_579, %get3A_580] {strides = array<i32>} : memref<16x1024xf32, #tpu.memory_space<vmem>>, vector<1x16xf32>,
        %get3A_582 = vector.shape_cast %get3A_581 : vector<1x16xf32> to vector<16xf32>
        %get3A_583 = arith.index_cast %add3A_118 : i32 to index
        %get3A_584 = arith.constant 528 : index
        %get3A_585 = tpu.vector_load %arg12[%get3A_583, %get3A_584] {strides = array<i32>} : memref<16x1024xf32, #tpu.memory_space<vmem>>, vector<1x16xf32>,
        %get3A_586 = vector.shape_cast %get3A_585 : vector<1x16xf32> to vector<16xf32>
        %add3A_587 = arith.addf %get3A_582, %get3A_586 : vector<16xf32>
        %swap3A_588 = arith.index_cast %add3A_118 : i32 to index
        %swap3A_589 = arith.constant 528 : index
        %swap3A_590 = tpu.vector_load %arg14[%swap3A_588, %swap3A_589] {strides = array<i32>} : memref<16x1024xf32, #tpu.memory_space<vmem>>, vector<1x16xf32>,
        %swap3A_591 = vector.shape_cast %swap3A_590 : vector<1x16xf32> to vector<16xf32>
        %swap3A_592 = vector.shape_cast %add3A_587 : vector<16xf32> to vector<1x16xf32>
        tpu.vector_store %arg14[%swap3A_588, %swap3A_589], %swap3A_592 {strides = array<i32>} : memref<16x1024xf32, #tpu.memory_space<vmem>>, vector<1x16xf32>,
        %get3A_593 = arith.index_cast %add3A_118 : i32 to index
        %get3A_594 = arith.constant 544 : index
        %get3A_595 = tpu.vector_load %arg10[%get3A_593, %get3A_594] {strides = array<i32>} : memref<16x1024xf32, #tpu.memory_space<vmem>>, vector<1x16xf32>,
        %get3A_596 = vector.shape_cast %get3A_595 : vector<1x16xf32> to vector<16xf32>
        %get3A_597 = arith.index_cast %add3A_118 : i32 to index
        %get3A_598 = arith.constant 544 : index
        %get3A_599 = tpu.vector_load %arg12[%get3A_597, %get3A_598] {strides = array<i32>} : memref<16x1024xf32, #tpu.memory_space<vmem>>, vector<1x16xf32>,
        %get3A_600 = vector.shape_cast %get3A_599 : vector<1x16xf32> to vector<16xf32>
        %add3A_601 = arith.addf %get3A_596, %get3A_600 : vector<16xf32>
        %swap3A_602 = arith.index_cast %add3A_118 : i32 to index
        %swap3A_603 = arith.constant 544 : index
        %swap3A_604 = tpu.vector_load %arg14[%swap3A_602, %swap3A_603] {strides = array<i32>} : memref<16x1024xf32, #tpu.memory_space<vmem>>, vector<1x16xf32>,
        %swap3A_605 = vector.shape_cast %swap3A_604 : vector<1x16xf32> to vector<16xf32>
        %swap3A_606 = vector.shape_cast %add3A_601 : vector<16xf32> to vector<1x16xf32>
        tpu.vector_store %arg14[%swap3A_602, %swap3A_603], %swap3A_606 {strides = array<i32>} : memref<16x1024xf32, #tpu.memory_space<vmem>>, vector<1x16xf32>,
        %get3A_607 = arith.index_cast %add3A_118 : i32 to index
        %get3A_608 = arith.constant 560 : index
        %get3A_609 = tpu.vector_load %arg10[%get3A_607, %get3A_608] {strides = array<i32>} : memref<16x1024xf32, #tpu.memory_space<vmem>>, vector<1x16xf32>,
        %get3A_610 = vector.shape_cast %get3A_609 : vector<1x16xf32> to vector<16xf32>
        %get3A_611 = arith.index_cast %add3A_118 : i32 to index
        %get3A_612 = arith.constant 560 : index
        %get3A_613 = tpu.vector_load %arg12[%get3A_611, %get3A_612] {strides = array<i32>} : memref<16x1024xf32, #tpu.memory_space<vmem>>, vector<1x16xf32>,
        %get3A_614 = vector.shape_cast %get3A_613 : vector<1x16xf32> to vector<16xf32>
        %add3A_615 = arith.addf %get3A_610, %get3A_614 : vector<16xf32>
        %swap3A_616 = arith.index_cast %add3A_118 : i32 to index
        %swap3A_617 = arith.constant 560 : index
        %swap3A_618 = tpu.vector_load %arg14[%swap3A_616, %swap3A_617] {strides = array<i32>} : memref<16x1024xf32, #tpu.memory_space<vmem>>, vector<1x16xf32>,
        %swap3A_619 = vector.shape_cast %swap3A_618 : vector<1x16xf32> to vector<16xf32>
        %swap3A_620 = vector.shape_cast %add3A_615 : vector<16xf32> to vector<1x16xf32>
        tpu.vector_store %arg14[%swap3A_616, %swap3A_617], %swap3A_620 {strides = array<i32>} : memref<16x1024xf32, #tpu.memory_space<vmem>>, vector<1x16xf32>,
        %get3A_621 = arith.index_cast %add3A_118 : i32 to index
        %get3A_622 = arith.constant 576 : index
        %get3A_623 = tpu.vector_load %arg10[%get3A_621, %get3A_622] {strides = array<i32>} : memref<16x1024xf32, #tpu.memory_space<vmem>>, vector<1x16xf32>,
        %get3A_624 = vector.shape_cast %get3A_623 : vector<1x16xf32> to vector<16xf32>
        %get3A_625 = arith.index_cast %add3A_118 : i32 to index
        %get3A_626 = arith.constant 576 : index
        %get3A_627 = tpu.vector_load %arg12[%get3A_625, %get3A_626] {strides = array<i32>} : memref<16x1024xf32, #tpu.memory_space<vmem>>, vector<1x16xf32>,
        %get3A_628 = vector.shape_cast %get3A_627 : vector<1x16xf32> to vector<16xf32>
        %add3A_629 = arith.addf %get3A_624, %get3A_628 : vector<16xf32>
        %swap3A_630 = arith.index_cast %add3A_118 : i32 to index
        %swap3A_631 = arith.constant 576 : index
        %swap3A_632 = tpu.vector_load %arg14[%swap3A_630, %swap3A_631] {strides = array<i32>} : memref<16x1024xf32, #tpu.memory_space<vmem>>, vector<1x16xf32>,
        %swap3A_633 = vector.shape_cast %swap3A_632 : vector<1x16xf32> to vector<16xf32>
        %swap3A_634 = vector.shape_cast %add3A_629 : vector<16xf32> to vector<1x16xf32>
        tpu.vector_store %arg14[%swap3A_630, %swap3A_631], %swap3A_634 {strides = array<i32>} : memref<16x1024xf32, #tpu.memory_space<vmem>>, vector<1x16xf32>,
        %get3A_635 = arith.index_cast %add3A_118 : i32 to index
        %get3A_636 = arith.constant 592 : index
        %get3A_637 = tpu.vector_load %arg10[%get3A_635, %get3A_636] {strides = array<i32>} : memref<16x1024xf32, #tpu.memory_space<vmem>>, vector<1x16xf32>,
        %get3A_638 = vector.shape_cast %get3A_637 : vector<1x16xf32> to vector<16xf32>
        %get3A_639 = arith.index_cast %add3A_118 : i32 to index
        %get3A_640 = arith.constant 592 : index
        %get3A_641 = tpu.vector_load %arg12[%get3A_639, %get3A_640] {strides = array<i32>} : memref<16x1024xf32, #tpu.memory_space<vmem>>, vector<1x16xf32>,
        %get3A_642 = vector.shape_cast %get3A_641 : vector<1x16xf32> to vector<16xf32>
        %add3A_643 = arith.addf %get3A_638, %get3A_642 : vector<16xf32>
        %swap3A_644 = arith.index_cast %add3A_118 : i32 to index
        %swap3A_645 = arith.constant 592 : index
        %swap3A_646 = tpu.vector_load %arg14[%swap3A_644, %swap3A_645] {strides = array<i32>} : memref<16x1024xf32, #tpu.memory_space<vmem>>, vector<1x16xf32>,
        %swap3A_647 = vector.shape_cast %swap3A_646 : vector<1x16xf32> to vector<16xf32>
        %swap3A_648 = vector.shape_cast %add3A_643 : vector<16xf32> to vector<1x16xf32>
        tpu.vector_store %arg14[%swap3A_644, %swap3A_645], %swap3A_648 {strides = array<i32>} : memref<16x1024xf32, #tpu.memory_space<vmem>>, vector<1x16xf32>,
        %get3A_649 = arith.index_cast %add3A_118 : i32 to index
        %get3A_650 = arith.constant 608 : index
        %get3A_651 = tpu.vector_load %arg10[%get3A_649, %get3A_650] {strides = array<i32>} : memref<16x1024xf32, #tpu.memory_space<vmem>>, vector<1x16xf32>,
        %get3A_652 = vector.shape_cast %get3A_651 : vector<1x16xf32> to vector<16xf32>
        %get3A_653 = arith.index_cast %add3A_118 : i32 to index
        %get3A_654 = arith.constant 608 : index
        %get3A_655 = tpu.vector_load %arg12[%get3A_653, %get3A_654] {strides = array<i32>} : memref<16x1024xf32, #tpu.memory_space<vmem>>, vector<1x16xf32>,
        %get3A_656 = vector.shape_cast %get3A_655 : vector<1x16xf32> to vector<16xf32>
        %add3A_657 = arith.addf %get3A_652, %get3A_656 : vector<16xf32>
        %swap3A_658 = arith.index_cast %add3A_118 : i32 to index
        %swap3A_659 = arith.constant 608 : index
        %swap3A_660 = tpu.vector_load %arg14[%swap3A_658, %swap3A_659] {strides = array<i32>} : memref<16x1024xf32, #tpu.memory_space<vmem>>, vector<1x16xf32>,
        %swap3A_661 = vector.shape_cast %swap3A_660 : vector<1x16xf32> to vector<16xf32>
        %swap3A_662 = vector.shape_cast %add3A_657 : vector<16xf32> to vector<1x16xf32>
        tpu.vector_store %arg14[%swap3A_658, %swap3A_659], %swap3A_662 {strides = array<i32>} : memref<16x1024xf32, #tpu.memory_space<vmem>>, vector<1x16xf32>,
        %get3A_663 = arith.index_cast %add3A_118 : i32 to index
        %get3A_664 = arith.constant 624 : index
        %get3A_665 = tpu.vector_load %arg10[%get3A_663, %get3A_664] {strides = array<i32>} : memref<16x1024xf32, #tpu.memory_space<vmem>>, vector<1x16xf32>,
        %get3A_666 = vector.shape_cast %get3A_665 : vector<1x16xf32> to vector<16xf32>
        %get3A_667 = arith.index_cast %add3A_118 : i32 to index
        %get3A_668 = arith.constant 624 : index
        %get3A_669 = tpu.vector_load %arg12[%get3A_667, %get3A_668] {strides = array<i32>} : memref<16x1024xf32, #tpu.memory_space<vmem>>, vector<1x16xf32>,
        %get3A_670 = vector.shape_cast %get3A_669 : vector<1x16xf32> to vector<16xf32>
        %add3A_671 = arith.addf %get3A_666, %get3A_670 : vector<16xf32>
        %swap3A_672 = arith.index_cast %add3A_118 : i32 to index
        %swap3A_673 = arith.constant 624 : index
        %swap3A_674 = tpu.vector_load %arg14[%swap3A_672, %swap3A_673] {strides = array<i32>} : memref<16x1024xf32, #tpu.memory_space<vmem>>, vector<1x16xf32>,
        %swap3A_675 = vector.shape_cast %swap3A_674 : vector<1x16xf32> to vector<16xf32>
        %swap3A_676 = vector.shape_cast %add3A_671 : vector<16xf32> to vector<1x16xf32>
        tpu.vector_store %arg14[%swap3A_672, %swap3A_673], %swap3A_676 {strides = array<i32>} : memref<16x1024xf32, #tpu.memory_space<vmem>>, vector<1x16xf32>,
        %get3A_677 = arith.index_cast %add3A_118 : i32 to index
        %get3A_678 = arith.constant 640 : index
        %get3A_679 = tpu.vector_load %arg10[%get3A_677, %get3A_678] {strides = array<i32>} : memref<16x1024xf32, #tpu.memory_space<vmem>>, vector<1x16xf32>,
        %get3A_680 = vector.shape_cast %get3A_679 : vector<1x16xf32> to vector<16xf32>
        %get3A_681 = arith.index_cast %add3A_118 : i32 to index
        %get3A_682 = arith.constant 640 : index
        %get3A_683 = tpu.vector_load %arg12[%get3A_681, %get3A_682] {strides = array<i32>} : memref<16x1024xf32, #tpu.memory_space<vmem>>, vector<1x16xf32>,
        %get3A_684 = vector.shape_cast %get3A_683 : vector<1x16xf32> to vector<16xf32>
        %add3A_685 = arith.addf %get3A_680, %get3A_684 : vector<16xf32>
        %swap3A_686 = arith.index_cast %add3A_118 : i32 to index
        %swap3A_687 = arith.constant 640 : index
        %swap3A_688 = tpu.vector_load %arg14[%swap3A_686, %swap3A_687] {strides = array<i32>} : memref<16x1024xf32, #tpu.memory_space<vmem>>, vector<1x16xf32>,
        %swap3A_689 = vector.shape_cast %swap3A_688 : vector<1x16xf32> to vector<16xf32>
        %swap3A_690 = vector.shape_cast %add3A_685 : vector<16xf32> to vector<1x16xf32>
        tpu.vector_store %arg14[%swap3A_686, %swap3A_687], %swap3A_690 {strides = array<i32>} : memref<16x1024xf32, #tpu.memory_space<vmem>>, vector<1x16xf32>,
        %get3A_691 = arith.index_cast %add3A_118 : i32 to index
        %get3A_692 = arith.constant 656 : index
        %get3A_693 = tpu.vector_load %arg10[%get3A_691, %get3A_692] {strides = array<i32>} : memref<16x1024xf32, #tpu.memory_space<vmem>>, vector<1x16xf32>,
        %get3A_694 = vector.shape_cast %get3A_693 : vector<1x16xf32> to vector<16xf32>
        %get3A_695 = arith.index_cast %add3A_118 : i32 to index
        %get3A_696 = arith.constant 656 : index
        %get3A_697 = tpu.vector_load %arg12[%get3A_695, %get3A_696] {strides = array<i32>} : memref<16x1024xf32, #tpu.memory_space<vmem>>, vector<1x16xf32>,
        %get3A_698 = vector.shape_cast %get3A_697 : vector<1x16xf32> to vector<16xf32>
        %add3A_699 = arith.addf %get3A_694, %get3A_698 : vector<16xf32>
        %swap3A_700 = arith.index_cast %add3A_118 : i32 to index
        %swap3A_701 = arith.constant 656 : index
        %swap3A_702 = tpu.vector_load %arg14[%swap3A_700, %swap3A_701] {strides = array<i32>} : memref<16x1024xf32, #tpu.memory_space<vmem>>, vector<1x16xf32>,
        %swap3A_703 = vector.shape_cast %swap3A_702 : vector<1x16xf32> to vector<16xf32>
        %swap3A_704 = vector.shape_cast %add3A_699 : vector<16xf32> to vector<1x16xf32>
        tpu.vector_store %arg14[%swap3A_700, %swap3A_701], %swap3A_704 {strides = array<i32>} : memref<16x1024xf32, #tpu.memory_space<vmem>>, vector<1x16xf32>,
        %get3A_705 = arith.index_cast %add3A_118 : i32 to index
        %get3A_706 = arith.constant 672 : index
        %get3A_707 = tpu.vector_load %arg10[%get3A_705, %get3A_706] {strides = array<i32>} : memref<16x1024xf32, #tpu.memory_space<vmem>>, vector<1x16xf32>,
        %get3A_708 = vector.shape_cast %get3A_707 : vector<1x16xf32> to vector<16xf32>
        %get3A_709 = arith.index_cast %add3A_118 : i32 to index
        %get3A_710 = arith.constant 672 : index
        %get3A_711 = tpu.vector_load %arg12[%get3A_709, %get3A_710] {strides = array<i32>} : memref<16x1024xf32, #tpu.memory_space<vmem>>, vector<1x16xf32>,
        %get3A_712 = vector.shape_cast %get3A_711 : vector<1x16xf32> to vector<16xf32>
        %add3A_713 = arith.addf %get3A_708, %get3A_712 : vector<16xf32>
        %swap3A_714 = arith.index_cast %add3A_118 : i32 to index
        %swap3A_715 = arith.constant 672 : index
        %swap3A_716 = tpu.vector_load %arg14[%swap3A_714, %swap3A_715] {strides = array<i32>} : memref<16x1024xf32, #tpu.memory_space<vmem>>, vector<1x16xf32>,
        %swap3A_717 = vector.shape_cast %swap3A_716 : vector<1x16xf32> to vector<16xf32>
        %swap3A_718 = vector.shape_cast %add3A_713 : vector<16xf32> to vector<1x16xf32>
        tpu.vector_store %arg14[%swap3A_714, %swap3A_715], %swap3A_718 {strides = array<i32>} : memref<16x1024xf32, #tpu.memory_space<vmem>>, vector<1x16xf32>,
        %get3A_719 = arith.index_cast %add3A_118 : i32 to index
        %get3A_720 = arith.constant 688 : index
        %get3A_721 = tpu.vector_load %arg10[%get3A_719, %get3A_720] {strides = array<i32>} : memref<16x1024xf32, #tpu.memory_space<vmem>>, vector<1x16xf32>,
        %get3A_722 = vector.shape_cast %get3A_721 : vector<1x16xf32> to vector<16xf32>
        %get3A_723 = arith.index_cast %add3A_118 : i32 to index
        %get3A_724 = arith.constant 688 : index
        %get3A_725 = tpu.vector_load %arg12[%get3A_723, %get3A_724] {strides = array<i32>} : memref<16x1024xf32, #tpu.memory_space<vmem>>, vector<1x16xf32>,
        %get3A_726 = vector.shape_cast %get3A_725 : vector<1x16xf32> to vector<16xf32>
        %add3A_727 = arith.addf %get3A_722, %get3A_726 : vector<16xf32>
        %swap3A_728 = arith.index_cast %add3A_118 : i32 to index
        %swap3A_729 = arith.constant 688 : index
        %swap3A_730 = tpu.vector_load %arg14[%swap3A_728, %swap3A_729] {strides = array<i32>} : memref<16x1024xf32, #tpu.memory_space<vmem>>, vector<1x16xf32>,
        %swap3A_731 = vector.shape_cast %swap3A_730 : vector<1x16xf32> to vector<16xf32>
        %swap3A_732 = vector.shape_cast %add3A_727 : vector<16xf32> to vector<1x16xf32>
        tpu.vector_store %arg14[%swap3A_728, %swap3A_729], %swap3A_732 {strides = array<i32>} : memref<16x1024xf32, #tpu.memory_space<vmem>>, vector<1x16xf32>,
        %get3A_733 = arith.index_cast %add3A_118 : i32 to index
        %get3A_734 = arith.constant 704 : index
        %get3A_735 = tpu.vector_load %arg10[%get3A_733, %get3A_734] {strides = array<i32>} : memref<16x1024xf32, #tpu.memory_space<vmem>>, vector<1x16xf32>,
        %get3A_736 = vector.shape_cast %get3A_735 : vector<1x16xf32> to vector<16xf32>
        %get3A_737 = arith.index_cast %add3A_118 : i32 to index
        %get3A_738 = arith.constant 704 : index
        %get3A_739 = tpu.vector_load %arg12[%get3A_737, %get3A_738] {strides = array<i32>} : memref<16x1024xf32, #tpu.memory_space<vmem>>, vector<1x16xf32>,
        %get3A_740 = vector.shape_cast %get3A_739 : vector<1x16xf32> to vector<16xf32>
        %add3A_741 = arith.addf %get3A_736, %get3A_740 : vector<16xf32>
        %swap3A_742 = arith.index_cast %add3A_118 : i32 to index
        %swap3A_743 = arith.constant 704 : index
        %swap3A_744 = tpu.vector_load %arg14[%swap3A_742, %swap3A_743] {strides = array<i32>} : memref<16x1024xf32, #tpu.memory_space<vmem>>, vector<1x16xf32>,
        %swap3A_745 = vector.shape_cast %swap3A_744 : vector<1x16xf32> to vector<16xf32>
        %swap3A_746 = vector.shape_cast %add3A_741 : vector<16xf32> to vector<1x16xf32>
        tpu.vector_store %arg14[%swap3A_742, %swap3A_743], %swap3A_746 {strides = array<i32>} : memref<16x1024xf32, #tpu.memory_space<vmem>>, vector<1x16xf32>,
        %get3A_747 = arith.index_cast %add3A_118 : i32 to index
        %get3A_748 = arith.constant 720 : index
        %get3A_749 = tpu.vector_load %arg10[%get3A_747, %get3A_748] {strides = array<i32>} : memref<16x1024xf32, #tpu.memory_space<vmem>>, vector<1x16xf32>,
        %get3A_750 = vector.shape_cast %get3A_749 : vector<1x16xf32> to vector<16xf32>
        %get3A_751 = arith.index_cast %add3A_118 : i32 to index
        %get3A_752 = arith.constant 720 : index
        %get3A_753 = tpu.vector_load %arg12[%get3A_751, %get3A_752] {strides = array<i32>} : memref<16x1024xf32, #tpu.memory_space<vmem>>, vector<1x16xf32>,
        %get3A_754 = vector.shape_cast %get3A_753 : vector<1x16xf32> to vector<16xf32>
        %add3A_755 = arith.addf %get3A_750, %get3A_754 : vector<16xf32>
        %swap3A_756 = arith.index_cast %add3A_118 : i32 to index
        %swap3A_757 = arith.constant 720 : index
        %swap3A_758 = tpu.vector_load %arg14[%swap3A_756, %swap3A_757] {strides = array<i32>} : memref<16x1024xf32, #tpu.memory_space<vmem>>, vector<1x16xf32>,
        %swap3A_759 = vector.shape_cast %swap3A_758 : vector<1x16xf32> to vector<16xf32>
        %swap3A_760 = vector.shape_cast %add3A_755 : vector<16xf32> to vector<1x16xf32>
        tpu.vector_store %arg14[%swap3A_756, %swap3A_757], %swap3A_760 {strides = array<i32>} : memref<16x1024xf32, #tpu.memory_space<vmem>>, vector<1x16xf32>,
        %get3A_761 = arith.index_cast %add3A_118 : i32 to index
        %get3A_762 = arith.constant 736 : index
        %get3A_763 = tpu.vector_load %arg10[%get3A_761, %get3A_762] {strides = array<i32>} : memref<16x1024xf32, #tpu.memory_space<vmem>>, vector<1x16xf32>,
        %get3A_764 = vector.shape_cast %get3A_763 : vector<1x16xf32> to vector<16xf32>
        %get3A_765 = arith.index_cast %add3A_118 : i32 to index
        %get3A_766 = arith.constant 736 : index
        %get3A_767 = tpu.vector_load %arg12[%get3A_765, %get3A_766] {strides = array<i32>} : memref<16x1024xf32, #tpu.memory_space<vmem>>, vector<1x16xf32>,
        %get3A_768 = vector.shape_cast %get3A_767 : vector<1x16xf32> to vector<16xf32>
        %add3A_769 = arith.addf %get3A_764, %get3A_768 : vector<16xf32>
        %swap3A_770 = arith.index_cast %add3A_118 : i32 to index
        %swap3A_771 = arith.constant 736 : index
        %swap3A_772 = tpu.vector_load %arg14[%swap3A_770, %swap3A_771] {strides = array<i32>} : memref<16x1024xf32, #tpu.memory_space<vmem>>, vector<1x16xf32>,
        %swap3A_773 = vector.shape_cast %swap3A_772 : vector<1x16xf32> to vector<16xf32>
        %swap3A_774 = vector.shape_cast %add3A_769 : vector<16xf32> to vector<1x16xf32>
        tpu.vector_store %arg14[%swap3A_770, %swap3A_771], %swap3A_774 {strides = array<i32>} : memref<16x1024xf32, #tpu.memory_space<vmem>>, vector<1x16xf32>,
        %get3A_775 = arith.index_cast %add3A_118 : i32 to index
        %get3A_776 = arith.constant 752 : index
        %get3A_777 = tpu.vector_load %arg10[%get3A_775, %get3A_776] {strides = array<i32>} : memref<16x1024xf32, #tpu.memory_space<vmem>>, vector<1x16xf32>,
        %get3A_778 = vector.shape_cast %get3A_777 : vector<1x16xf32> to vector<16xf32>
        %get3A_779 = arith.index_cast %add3A_118 : i32 to index
        %get3A_780 = arith.constant 752 : index
        %get3A_781 = tpu.vector_load %arg12[%get3A_779, %get3A_780] {strides = array<i32>} : memref<16x1024xf32, #tpu.memory_space<vmem>>, vector<1x16xf32>,
        %get3A_782 = vector.shape_cast %get3A_781 : vector<1x16xf32> to vector<16xf32>
        %add3A_783 = arith.addf %get3A_778, %get3A_782 : vector<16xf32>
        %swap3A_784 = arith.index_cast %add3A_118 : i32 to index
        %swap3A_785 = arith.constant 752 : index
        %swap3A_786 = tpu.vector_load %arg14[%swap3A_784, %swap3A_785] {strides = array<i32>} : memref<16x1024xf32, #tpu.memory_space<vmem>>, vector<1x16xf32>,
        %swap3A_787 = vector.shape_cast %swap3A_786 : vector<1x16xf32> to vector<16xf32>
        %swap3A_788 = vector.shape_cast %add3A_783 : vector<16xf32> to vector<1x16xf32>
        tpu.vector_store %arg14[%swap3A_784, %swap3A_785], %swap3A_788 {strides = array<i32>} : memref<16x1024xf32, #tpu.memory_space<vmem>>, vector<1x16xf32>,
        %get3A_789 = arith.index_cast %add3A_118 : i32 to index
        %get3A_790 = arith.constant 768 : index
        %get3A_791 = tpu.vector_load %arg10[%get3A_789, %get3A_790] {strides = array<i32>} : memref<16x1024xf32, #tpu.memory_space<vmem>>, vector<1x16xf32>,
        %get3A_792 = vector.shape_cast %get3A_791 : vector<1x16xf32> to vector<16xf32>
        %get3A_793 = arith.index_cast %add3A_118 : i32 to index
        %get3A_794 = arith.constant 768 : index
        %get3A_795 = tpu.vector_load %arg12[%get3A_793, %get3A_794] {strides = array<i32>} : memref<16x1024xf32, #tpu.memory_space<vmem>>, vector<1x16xf32>,
        %get3A_796 = vector.shape_cast %get3A_795 : vector<1x16xf32> to vector<16xf32>
        %add3A_797 = arith.addf %get3A_792, %get3A_796 : vector<16xf32>
        %swap3A_798 = arith.index_cast %add3A_118 : i32 to index
        %swap3A_799 = arith.constant 768 : index
        %swap3A_800 = tpu.vector_load %arg14[%swap3A_798, %swap3A_799] {strides = array<i32>} : memref<16x1024xf32, #tpu.memory_space<vmem>>, vector<1x16xf32>,
        %swap3A_801 = vector.shape_cast %swap3A_800 : vector<1x16xf32> to vector<16xf32>
        %swap3A_802 = vector.shape_cast %add3A_797 : vector<16xf32> to vector<1x16xf32>
        tpu.vector_store %arg14[%swap3A_798, %swap3A_799], %swap3A_802 {strides = array<i32>} : memref<16x1024xf32, #tpu.memory_space<vmem>>, vector<1x16xf32>,
        %get3A_803 = arith.index_cast %add3A_118 : i32 to index
        %get3A_804 = arith.constant 784 : index
        %get3A_805 = tpu.vector_load %arg10[%get3A_803, %get3A_804] {strides = array<i32>} : memref<16x1024xf32, #tpu.memory_space<vmem>>, vector<1x16xf32>,
        %get3A_806 = vector.shape_cast %get3A_805 : vector<1x16xf32> to vector<16xf32>
        %get3A_807 = arith.index_cast %add3A_118 : i32 to index
        %get3A_808 = arith.constant 784 : index
        %get3A_809 = tpu.vector_load %arg12[%get3A_807, %get3A_808] {strides = array<i32>} : memref<16x1024xf32, #tpu.memory_space<vmem>>, vector<1x16xf32>,
        %get3A_810 = vector.shape_cast %get3A_809 : vector<1x16xf32> to vector<16xf32>
        %add3A_811 = arith.addf %get3A_806, %get3A_810 : vector<16xf32>
        %swap3A_812 = arith.index_cast %add3A_118 : i32 to index
        %swap3A_813 = arith.constant 784 : index
        %swap3A_814 = tpu.vector_load %arg14[%swap3A_812, %swap3A_813] {strides = array<i32>} : memref<16x1024xf32, #tpu.memory_space<vmem>>, vector<1x16xf32>,
        %swap3A_815 = vector.shape_cast %swap3A_814 : vector<1x16xf32> to vector<16xf32>
        %swap3A_816 = vector.shape_cast %add3A_811 : vector<16xf32> to vector<1x16xf32>
        tpu.vector_store %arg14[%swap3A_812, %swap3A_813], %swap3A_816 {strides = array<i32>} : memref<16x1024xf32, #tpu.memory_space<vmem>>, vector<1x16xf32>,
        %get3A_817 = arith.index_cast %add3A_118 : i32 to index
        %get3A_818 = arith.constant 800 : index
        %get3A_819 = tpu.vector_load %arg10[%get3A_817, %get3A_818] {strides = array<i32>} : memref<16x1024xf32, #tpu.memory_space<vmem>>, vector<1x16xf32>,
        %get3A_820 = vector.shape_cast %get3A_819 : vector<1x16xf32> to vector<16xf32>
        %get3A_821 = arith.index_cast %add3A_118 : i32 to index
        %get3A_822 = arith.constant 800 : index
        %get3A_823 = tpu.vector_load %arg12[%get3A_821, %get3A_822] {strides = array<i32>} : memref<16x1024xf32, #tpu.memory_space<vmem>>, vector<1x16xf32>,
        %get3A_824 = vector.shape_cast %get3A_823 : vector<1x16xf32> to vector<16xf32>
        %add3A_825 = arith.addf %get3A_820, %get3A_824 : vector<16xf32>
        %swap3A_826 = arith.index_cast %add3A_118 : i32 to index
        %swap3A_827 = arith.constant 800 : index
        %swap3A_828 = tpu.vector_load %arg14[%swap3A_826, %swap3A_827] {strides = array<i32>} : memref<16x1024xf32, #tpu.memory_space<vmem>>, vector<1x16xf32>,
        %swap3A_829 = vector.shape_cast %swap3A_828 : vector<1x16xf32> to vector<16xf32>
        %swap3A_830 = vector.shape_cast %add3A_825 : vector<16xf32> to vector<1x16xf32>
        tpu.vector_store %arg14[%swap3A_826, %swap3A_827], %swap3A_830 {strides = array<i32>} : memref<16x1024xf32, #tpu.memory_space<vmem>>, vector<1x16xf32>,
        %get3A_831 = arith.index_cast %add3A_118 : i32 to index
        %get3A_832 = arith.constant 816 : index
        %get3A_833 = tpu.vector_load %arg10[%get3A_831, %get3A_832] {strides = array<i32>} : memref<16x1024xf32, #tpu.memory_space<vmem>>, vector<1x16xf32>,
        %get3A_834 = vector.shape_cast %get3A_833 : vector<1x16xf32> to vector<16xf32>
        %get3A_835 = arith.index_cast %add3A_118 : i32 to index
        %get3A_836 = arith.constant 816 : index
        %get3A_837 = tpu.vector_load %arg12[%get3A_835, %get3A_836] {strides = array<i32>} : memref<16x1024xf32, #tpu.memory_space<vmem>>, vector<1x16xf32>,
        %get3A_838 = vector.shape_cast %get3A_837 : vector<1x16xf32> to vector<16xf32>
        %add3A_839 = arith.addf %get3A_834, %get3A_838 : vector<16xf32>
        %swap3A_840 = arith.index_cast %add3A_118 : i32 to index
        %swap3A_841 = arith.constant 816 : index
        %swap3A_842 = tpu.vector_load %arg14[%swap3A_840, %swap3A_841] {strides = array<i32>} : memref<16x1024xf32, #tpu.memory_space<vmem>>, vector<1x16xf32>,
        %swap3A_843 = vector.shape_cast %swap3A_842 : vector<1x16xf32> to vector<16xf32>
        %swap3A_844 = vector.shape_cast %add3A_839 : vector<16xf32> to vector<1x16xf32>
        tpu.vector_store %arg14[%swap3A_840, %swap3A_841], %swap3A_844 {strides = array<i32>} : memref<16x1024xf32, #tpu.memory_space<vmem>>, vector<1x16xf32>,
        %get3A_845 = arith.index_cast %add3A_118 : i32 to index
        %get3A_846 = arith.constant 832 : index
        %get3A_847 = tpu.vector_load %arg10[%get3A_845, %get3A_846] {strides = array<i32>} : memref<16x1024xf32, #tpu.memory_space<vmem>>, vector<1x16xf32>,
        %get3A_848 = vector.shape_cast %get3A_847 : vector<1x16xf32> to vector<16xf32>
        %get3A_849 = arith.index_cast %add3A_118 : i32 to index
        %get3A_850 = arith.constant 832 : index
        %get3A_851 = tpu.vector_load %arg12[%get3A_849, %get3A_850] {strides = array<i32>} : memref<16x1024xf32, #tpu.memory_space<vmem>>, vector<1x16xf32>,
        %get3A_852 = vector.shape_cast %get3A_851 : vector<1x16xf32> to vector<16xf32>
        %add3A_853 = arith.addf %get3A_848, %get3A_852 : vector<16xf32>
        %swap3A_854 = arith.index_cast %add3A_118 : i32 to index
        %swap3A_855 = arith.constant 832 : index
        %swap3A_856 = tpu.vector_load %arg14[%swap3A_854, %swap3A_855] {strides = array<i32>} : memref<16x1024xf32, #tpu.memory_space<vmem>>, vector<1x16xf32>,
        %swap3A_857 = vector.shape_cast %swap3A_856 : vector<1x16xf32> to vector<16xf32>
        %swap3A_858 = vector.shape_cast %add3A_853 : vector<16xf32> to vector<1x16xf32>
        tpu.vector_store %arg14[%swap3A_854, %swap3A_855], %swap3A_858 {strides = array<i32>} : memref<16x1024xf32, #tpu.memory_space<vmem>>, vector<1x16xf32>,
        %get3A_859 = arith.index_cast %add3A_118 : i32 to index
        %get3A_860 = arith.constant 848 : index
        %get3A_861 = tpu.vector_load %arg10[%get3A_859, %get3A_860] {strides = array<i32>} : memref<16x1024xf32, #tpu.memory_space<vmem>>, vector<1x16xf32>,
        %get3A_862 = vector.shape_cast %get3A_861 : vector<1x16xf32> to vector<16xf32>
        %get3A_863 = arith.index_cast %add3A_118 : i32 to index
        %get3A_864 = arith.constant 848 : index
        %get3A_865 = tpu.vector_load %arg12[%get3A_863, %get3A_864] {strides = array<i32>} : memref<16x1024xf32, #tpu.memory_space<vmem>>, vector<1x16xf32>,
        %get3A_866 = vector.shape_cast %get3A_865 : vector<1x16xf32> to vector<16xf32>
        %add3A_867 = arith.addf %get3A_862, %get3A_866 : vector<16xf32>
        %swap3A_868 = arith.index_cast %add3A_118 : i32 to index
        %swap3A_869 = arith.constant 848 : index
        %swap3A_870 = tpu.vector_load %arg14[%swap3A_868, %swap3A_869] {strides = array<i32>} : memref<16x1024xf32, #tpu.memory_space<vmem>>, vector<1x16xf32>,
        %swap3A_871 = vector.shape_cast %swap3A_870 : vector<1x16xf32> to vector<16xf32>
        %swap3A_872 = vector.shape_cast %add3A_867 : vector<16xf32> to vector<1x16xf32>
        tpu.vector_store %arg14[%swap3A_868, %swap3A_869], %swap3A_872 {strides = array<i32>} : memref<16x1024xf32, #tpu.memory_space<vmem>>, vector<1x16xf32>,
        %get3A_873 = arith.index_cast %add3A_118 : i32 to index
        %get3A_874 = arith.constant 864 : index
        %get3A_875 = tpu.vector_load %arg10[%get3A_873, %get3A_874] {strides = array<i32>} : memref<16x1024xf32, #tpu.memory_space<vmem>>, vector<1x16xf32>,
        %get3A_876 = vector.shape_cast %get3A_875 : vector<1x16xf32> to vector<16xf32>
        %get3A_877 = arith.index_cast %add3A_118 : i32 to index
        %get3A_878 = arith.constant 864 : index
        %get3A_879 = tpu.vector_load %arg12[%get3A_877, %get3A_878] {strides = array<i32>} : memref<16x1024xf32, #tpu.memory_space<vmem>>, vector<1x16xf32>,
        %get3A_880 = vector.shape_cast %get3A_879 : vector<1x16xf32> to vector<16xf32>
        %add3A_881 = arith.addf %get3A_876, %get3A_880 : vector<16xf32>
        %swap3A_882 = arith.index_cast %add3A_118 : i32 to index
        %swap3A_883 = arith.constant 864 : index
        %swap3A_884 = tpu.vector_load %arg14[%swap3A_882, %swap3A_883] {strides = array<i32>} : memref<16x1024xf32, #tpu.memory_space<vmem>>, vector<1x16xf32>,
        %swap3A_885 = vector.shape_cast %swap3A_884 : vector<1x16xf32> to vector<16xf32>
        %swap3A_886 = vector.shape_cast %add3A_881 : vector<16xf32> to vector<1x16xf32>
        tpu.vector_store %arg14[%swap3A_882, %swap3A_883], %swap3A_886 {strides = array<i32>} : memref<16x1024xf32, #tpu.memory_space<vmem>>, vector<1x16xf32>,
        %get3A_887 = arith.index_cast %add3A_118 : i32 to index
        %get3A_888 = arith.constant 880 : index
        %get3A_889 = tpu.vector_load %arg10[%get3A_887, %get3A_888] {strides = array<i32>} : memref<16x1024xf32, #tpu.memory_space<vmem>>, vector<1x16xf32>,
        %get3A_890 = vector.shape_cast %get3A_889 : vector<1x16xf32> to vector<16xf32>
        %get3A_891 = arith.index_cast %add3A_118 : i32 to index
        %get3A_892 = arith.constant 880 : index
        %get3A_893 = tpu.vector_load %arg12[%get3A_891, %get3A_892] {strides = array<i32>} : memref<16x1024xf32, #tpu.memory_space<vmem>>, vector<1x16xf32>,
        %get3A_894 = vector.shape_cast %get3A_893 : vector<1x16xf32> to vector<16xf32>
        %add3A_895 = arith.addf %get3A_890, %get3A_894 : vector<16xf32>
        %swap3A_896 = arith.index_cast %add3A_118 : i32 to index
        %swap3A_897 = arith.constant 880 : index
        %swap3A_898 = tpu.vector_load %arg14[%swap3A_896, %swap3A_897] {strides = array<i32>} : memref<16x1024xf32, #tpu.memory_space<vmem>>, vector<1x16xf32>,
        %swap3A_899 = vector.shape_cast %swap3A_898 : vector<1x16xf32> to vector<16xf32>
        %swap3A_900 = vector.shape_cast %add3A_895 : vector<16xf32> to vector<1x16xf32>
        tpu.vector_store %arg14[%swap3A_896, %swap3A_897], %swap3A_900 {strides = array<i32>} : memref<16x1024xf32, #tpu.memory_space<vmem>>, vector<1x16xf32>,
        %get3A_901 = arith.index_cast %add3A_118 : i32 to index
        %get3A_902 = arith.constant 896 : index
        %get3A_903 = tpu.vector_load %arg10[%get3A_901, %get3A_902] {strides = array<i32>} : memref<16x1024xf32, #tpu.memory_space<vmem>>, vector<1x16xf32>,
        %get3A_904 = vector.shape_cast %get3A_903 : vector<1x16xf32> to vector<16xf32>
        %get3A_905 = arith.index_cast %add3A_118 : i32 to index
        %get3A_906 = arith.constant 896 : index
        %get3A_907 = tpu.vector_load %arg12[%get3A_905, %get3A_906] {strides = array<i32>} : memref<16x1024xf32, #tpu.memory_space<vmem>>, vector<1x16xf32>,
        %get3A_908 = vector.shape_cast %get3A_907 : vector<1x16xf32> to vector<16xf32>
        %add3A_909 = arith.addf %get3A_904, %get3A_908 : vector<16xf32>
        %swap3A_910 = arith.index_cast %add3A_118 : i32 to index
        %swap3A_911 = arith.constant 896 : index
        %swap3A_912 = tpu.vector_load %arg14[%swap3A_910, %swap3A_911] {strides = array<i32>} : memref<16x1024xf32, #tpu.memory_space<vmem>>, vector<1x16xf32>,
        %swap3A_913 = vector.shape_cast %swap3A_912 : vector<1x16xf32> to vector<16xf32>
        %swap3A_914 = vector.shape_cast %add3A_909 : vector<16xf32> to vector<1x16xf32>
        tpu.vector_store %arg14[%swap3A_910, %swap3A_911], %swap3A_914 {strides = array<i32>} : memref<16x1024xf32, #tpu.memory_space<vmem>>, vector<1x16xf32>,
        %get3A_915 = arith.index_cast %add3A_118 : i32 to index
        %get3A_916 = arith.constant 912 : index
        %get3A_917 = tpu.vector_load %arg10[%get3A_915, %get3A_916] {strides = array<i32>} : memref<16x1024xf32, #tpu.memory_space<vmem>>, vector<1x16xf32>,
        %get3A_918 = vector.shape_cast %get3A_917 : vector<1x16xf32> to vector<16xf32>
        %get3A_919 = arith.index_cast %add3A_118 : i32 to index
        %get3A_920 = arith.constant 912 : index
        %get3A_921 = tpu.vector_load %arg12[%get3A_919, %get3A_920] {strides = array<i32>} : memref<16x1024xf32, #tpu.memory_space<vmem>>, vector<1x16xf32>,
        %get3A_922 = vector.shape_cast %get3A_921 : vector<1x16xf32> to vector<16xf32>
        %add3A_923 = arith.addf %get3A_918, %get3A_922 : vector<16xf32>
        %swap3A_924 = arith.index_cast %add3A_118 : i32 to index
        %swap3A_925 = arith.constant 912 : index
        %swap3A_926 = tpu.vector_load %arg14[%swap3A_924, %swap3A_925] {strides = array<i32>} : memref<16x1024xf32, #tpu.memory_space<vmem>>, vector<1x16xf32>,
        %swap3A_927 = vector.shape_cast %swap3A_926 : vector<1x16xf32> to vector<16xf32>
        %swap3A_928 = vector.shape_cast %add3A_923 : vector<16xf32> to vector<1x16xf32>
        tpu.vector_store %arg14[%swap3A_924, %swap3A_925], %swap3A_928 {strides = array<i32>} : memref<16x1024xf32, #tpu.memory_space<vmem>>, vector<1x16xf32>,
        %get3A_929 = arith.index_cast %add3A_118 : i32 to index
        %get3A_930 = arith.constant 928 : index
        %get3A_931 = tpu.vector_load %arg10[%get3A_929, %get3A_930] {strides = array<i32>} : memref<16x1024xf32, #tpu.memory_space<vmem>>, vector<1x16xf32>,
        %get3A_932 = vector.shape_cast %get3A_931 : vector<1x16xf32> to vector<16xf32>
        %get3A_933 = arith.index_cast %add3A_118 : i32 to index
        %get3A_934 = arith.constant 928 : index
        %get3A_935 = tpu.vector_load %arg12[%get3A_933, %get3A_934] {strides = array<i32>} : memref<16x1024xf32, #tpu.memory_space<vmem>>, vector<1x16xf32>,
        %get3A_936 = vector.shape_cast %get3A_935 : vector<1x16xf32> to vector<16xf32>
        %add3A_937 = arith.addf %get3A_932, %get3A_936 : vector<16xf32>
        %swap3A_938 = arith.index_cast %add3A_118 : i32 to index
        %swap3A_939 = arith.constant 928 : index
        %swap3A_940 = tpu.vector_load %arg14[%swap3A_938, %swap3A_939] {strides = array<i32>} : memref<16x1024xf32, #tpu.memory_space<vmem>>, vector<1x16xf32>,
        %swap3A_941 = vector.shape_cast %swap3A_940 : vector<1x16xf32> to vector<16xf32>
        %swap3A_942 = vector.shape_cast %add3A_937 : vector<16xf32> to vector<1x16xf32>
        tpu.vector_store %arg14[%swap3A_938, %swap3A_939], %swap3A_942 {strides = array<i32>} : memref<16x1024xf32, #tpu.memory_space<vmem>>, vector<1x16xf32>,
        %get3A_943 = arith.index_cast %add3A_118 : i32 to index
        %get3A_944 = arith.constant 944 : index
        %get3A_945 = tpu.vector_load %arg10[%get3A_943, %get3A_944] {strides = array<i32>} : memref<16x1024xf32, #tpu.memory_space<vmem>>, vector<1x16xf32>,
        %get3A_946 = vector.shape_cast %get3A_945 : vector<1x16xf32> to vector<16xf32>
        %get3A_947 = arith.index_cast %add3A_118 : i32 to index
        %get3A_948 = arith.constant 944 : index
        %get3A_949 = tpu.vector_load %arg12[%get3A_947, %get3A_948] {strides = array<i32>} : memref<16x1024xf32, #tpu.memory_space<vmem>>, vector<1x16xf32>,
        %get3A_950 = vector.shape_cast %get3A_949 : vector<1x16xf32> to vector<16xf32>
        %add3A_951 = arith.addf %get3A_946, %get3A_950 : vector<16xf32>
        %swap3A_952 = arith.index_cast %add3A_118 : i32 to index
        %swap3A_953 = arith.constant 944 : index
        %swap3A_954 = tpu.vector_load %arg14[%swap3A_952, %swap3A_953] {strides = array<i32>} : memref<16x1024xf32, #tpu.memory_space<vmem>>, vector<1x16xf32>,
        %swap3A_955 = vector.shape_cast %swap3A_954 : vector<1x16xf32> to vector<16xf32>
        %swap3A_956 = vector.shape_cast %add3A_951 : vector<16xf32> to vector<1x16xf32>
        tpu.vector_store %arg14[%swap3A_952, %swap3A_953], %swap3A_956 {strides = array<i32>} : memref<16x1024xf32, #tpu.memory_space<vmem>>, vector<1x16xf32>,
        %get3A_957 = arith.index_cast %add3A_118 : i32 to index
        %get3A_958 = arith.constant 960 : index
        %get3A_959 = tpu.vector_load %arg10[%get3A_957, %get3A_958] {strides = array<i32>} : memref<16x1024xf32, #tpu.memory_space<vmem>>, vector<1x16xf32>,
        %get3A_960 = vector.shape_cast %get3A_959 : vector<1x16xf32> to vector<16xf32>
        %get3A_961 = arith.index_cast %add3A_118 : i32 to index
        %get3A_962 = arith.constant 960 : index
        %get3A_963 = tpu.vector_load %arg12[%get3A_961, %get3A_962] {strides = array<i32>} : memref<16x1024xf32, #tpu.memory_space<vmem>>, vector<1x16xf32>,
        %get3A_964 = vector.shape_cast %get3A_963 : vector<1x16xf32> to vector<16xf32>
        %add3A_965 = arith.addf %get3A_960, %get3A_964 : vector<16xf32>
        %swap3A_966 = arith.index_cast %add3A_118 : i32 to index
        %swap3A_967 = arith.constant 960 : index
        %swap3A_968 = tpu.vector_load %arg14[%swap3A_966, %swap3A_967] {strides = array<i32>} : memref<16x1024xf32, #tpu.memory_space<vmem>>, vector<1x16xf32>,
        %swap3A_969 = vector.shape_cast %swap3A_968 : vector<1x16xf32> to vector<16xf32>
        %swap3A_970 = vector.shape_cast %add3A_965 : vector<16xf32> to vector<1x16xf32>
        tpu.vector_store %arg14[%swap3A_966, %swap3A_967], %swap3A_970 {strides = array<i32>} : memref<16x1024xf32, #tpu.memory_space<vmem>>, vector<1x16xf32>,
        %get3A_971 = arith.index_cast %add3A_118 : i32 to index
        %get3A_972 = arith.constant 976 : index
        %get3A_973 = tpu.vector_load %arg10[%get3A_971, %get3A_972] {strides = array<i32>} : memref<16x1024xf32, #tpu.memory_space<vmem>>, vector<1x16xf32>,
        %get3A_974 = vector.shape_cast %get3A_973 : vector<1x16xf32> to vector<16xf32>
        %get3A_975 = arith.index_cast %add3A_118 : i32 to index
        %get3A_976 = arith.constant 976 : index
        %get3A_977 = tpu.vector_load %arg12[%get3A_975, %get3A_976] {strides = array<i32>} : memref<16x1024xf32, #tpu.memory_space<vmem>>, vector<1x16xf32>,
        %get3A_978 = vector.shape_cast %get3A_977 : vector<1x16xf32> to vector<16xf32>
        %add3A_979 = arith.addf %get3A_974, %get3A_978 : vector<16xf32>
        %swap3A_980 = arith.index_cast %add3A_118 : i32 to index
        %swap3A_981 = arith.constant 976 : index
        %swap3A_982 = tpu.vector_load %arg14[%swap3A_980, %swap3A_981] {strides = array<i32>} : memref<16x1024xf32, #tpu.memory_space<vmem>>, vector<1x16xf32>,
        %swap3A_983 = vector.shape_cast %swap3A_982 : vector<1x16xf32> to vector<16xf32>
        %swap3A_984 = vector.shape_cast %add3A_979 : vector<16xf32> to vector<1x16xf32>
        tpu.vector_store %arg14[%swap3A_980, %swap3A_981], %swap3A_984 {strides = array<i32>} : memref<16x1024xf32, #tpu.memory_space<vmem>>, vector<1x16xf32>,
        %get3A_985 = arith.index_cast %add3A_118 : i32 to index
        %get3A_986 = arith.constant 992 : index
        %get3A_987 = tpu.vector_load %arg10[%get3A_985, %get3A_986] {strides = array<i32>} : memref<16x1024xf32, #tpu.memory_space<vmem>>, vector<1x16xf32>,
        %get3A_988 = vector.shape_cast %get3A_987 : vector<1x16xf32> to vector<16xf32>
        %get3A_989 = arith.index_cast %add3A_118 : i32 to index
        %get3A_990 = arith.constant 992 : index
        %get3A_991 = tpu.vector_load %arg12[%get3A_989, %get3A_990] {strides = array<i32>} : memref<16x1024xf32, #tpu.memory_space<vmem>>, vector<1x16xf32>,
        %get3A_992 = vector.shape_cast %get3A_991 : vector<1x16xf32> to vector<16xf32>
        %add3A_993 = arith.addf %get3A_988, %get3A_992 : vector<16xf32>
        %swap3A_994 = arith.index_cast %add3A_118 : i32 to index
        %swap3A_995 = arith.constant 992 : index
        %swap3A_996 = tpu.vector_load %arg14[%swap3A_994, %swap3A_995] {strides = array<i32>} : memref<16x1024xf32, #tpu.memory_space<vmem>>, vector<1x16xf32>,
        %swap3A_997 = vector.shape_cast %swap3A_996 : vector<1x16xf32> to vector<16xf32>
        %swap3A_998 = vector.shape_cast %add3A_993 : vector<16xf32> to vector<1x16xf32>
        tpu.vector_store %arg14[%swap3A_994, %swap3A_995], %swap3A_998 {strides = array<i32>} : memref<16x1024xf32, #tpu.memory_space<vmem>>, vector<1x16xf32>,
        %get3A_999 = arith.index_cast %add3A_118 : i32 to index
        %get3A_1000 = arith.constant 1008 : index
        %get3A_1001 = tpu.vector_load %arg10[%get3A_999, %get3A_1000] {strides = array<i32>} : memref<16x1024xf32, #tpu.memory_space<vmem>>, vector<1x16xf32>,
        %get3A_1002 = vector.shape_cast %get3A_1001 : vector<1x16xf32> to vector<16xf32>
        %get3A_1003 = arith.index_cast %add3A_118 : i32 to index
        %get3A_1004 = arith.constant 1008 : index
        %get3A_1005 = tpu.vector_load %arg12[%get3A_1003, %get3A_1004] {strides = array<i32>} : memref<16x1024xf32, #tpu.memory_space<vmem>>, vector<1x16xf32>,
        %get3A_1006 = vector.shape_cast %get3A_1005 : vector<1x16xf32> to vector<16xf32>
        %add3A_1007 = arith.addf %get3A_1002, %get3A_1006 : vector<16xf32>
        %swap3A_1008 = arith.index_cast %add3A_118 : i32 to index
        %swap3A_1009 = arith.constant 1008 : index
        %swap3A_1010 = tpu.vector_load %arg14[%swap3A_1008, %swap3A_1009] {strides = array<i32>} : memref<16x1024xf32, #tpu.memory_space<vmem>>, vector<1x16xf32>,
        %swap3A_1011 = vector.shape_cast %swap3A_1010 : vector<1x16xf32> to vector<16xf32>
        %swap3A_1012 = vector.shape_cast %add3A_1007 : vector<16xf32> to vector<1x16xf32>
        tpu.vector_store %arg14[%swap3A_1008, %swap3A_1009], %swap3A_1012 {strides = array<i32>} : memref<16x1024xf32, #tpu.memory_space<vmem>>, vector<1x16xf32>,
      }
      %scan3A_99 = arith.constant 16 : i32
      %add3A_100 = arith.constant 2 : i32
      %add3A_101 = arith.addi %add3A_77, %add3A_100 : i32
      %lt3A_102 = arith.constant 32 : i32
      %lt3A_103 = arith.cmpi slt, %add3A_101, %lt3A_102 : i32
      %convert_element_type3A_104 = arith.extui %lt3A_103 : i1 to i32
      %cond3A_105 = arith.constant 0 : i32
      %cond3A_106 = arith.cmpi ne, %convert_element_type3A_104, %cond3A_105 : i32
      scf.if %cond3A_106 {
        %add3A_114 = arith.constant 2 : i32
        %add3A_115 = arith.addi %add3A_77, %add3A_114 : i32
        %mul3A_116 = arith.constant 16 : i32
        %mul3A_117 = arith.muli %add3A_115, %mul3A_116 : i32
        %mul3A_118 = arith.constant 16 : i32
        %mul3A_119 = arith.muli %add3A_115, %mul3A_118 : i32
        %dma_start3A_120 = tpu.memref_slice %arg7[%mul3A_117] : memref<512xi32, #tpu.memory_space<vmem>> -> memref<16xi32, #tpu.memory_space<vmem>>
        %dma_start3A_121 = arith.constant 0 : i32
        %dma_start3A_122 = arith.constant 0 : i32
        %dma_start3A_123 = tpu.memref_slice %arg2[%dma_start3A_121, %dma_start3A_122] : memref<50304x1024xf32, #tpu.memory_space<hbm>> -> memref<50304x1024xf32, #tpu.memory_space<hbm>>
        tpu.enqueue_indirect_dma source(%dma_start3A_123 : memref<50304x1024xf32, #tpu.memory_space<hbm>>) target(%arg10 : memref<16x1024xf32, #tpu.memory_space<vmem>>) offsets(%dma_start3A_120 : memref<16xi32, #tpu.memory_space<vmem>>) semaphore(%arg16 : memref<!tpu.dma_semaphore, #tpu.memory_space<semaphore_mem>>)
        %dma_start3A_124 = tpu.memref_slice %arg8[%mul3A_119] : memref<512xi32, #tpu.memory_space<vmem>> -> memref<16xi32, #tpu.memory_space<vmem>>
        %dma_start3A_125 = arith.constant 0 : i32
        %dma_start3A_126 = arith.constant 0 : i32
        %dma_start3A_127 = tpu.memref_slice %arg3[%dma_start3A_125, %dma_start3A_126] : memref<4096x1024xf32, #tpu.memory_space<hbm>> -> memref<4096x1024xf32, #tpu.memory_space<hbm>>
        tpu.enqueue_indirect_dma source(%dma_start3A_127 : memref<4096x1024xf32, #tpu.memory_space<hbm>>) target(%arg12 : memref<16x1024xf32, #tpu.memory_space<vmem>>) offsets(%dma_start3A_124 : memref<16xi32, #tpu.memory_space<vmem>>) semaphore(%arg18 : memref<!tpu.dma_semaphore, #tpu.memory_space<semaphore_mem>>)
      } else {
      }
      %mul3A_107 = arith.constant 16 : i32
      %mul3A_108 = arith.muli %add3A_77, %mul3A_107 : i32
      %add3A_109 = arith.addi %mul3A_2, %mul3A_108 : i32
      %dma_start3A_110 = arith.constant 0 : i32
      %dma_start3A_111 = tpu.memref_slice %arg6[%add3A_109, %dma_start3A_110] : memref<16384x1024xf32, #tpu.memory_space<hbm>> -> memref<16x1024xf32, #tpu.memory_space<hbm>>
      %dma_start3A_112 = arith.constant 0 : i32
      %dma_start3A_113 = tpu.memref_slice %arg6[%add3A_109, %dma_start3A_112] : memref<16384x1024xf32, #tpu.memory_space<hbm>> -> memref<16x1024xf32, #tpu.memory_space<hbm>>
      tpu.enqueue_dma source(%arg14 : memref<16x1024xf32, #tpu.memory_space<vmem>>) target(%dma_start3A_113 : memref<16x1024xf32, #tpu.memory_space<hbm>>) target_semaphore(%arg20 : memref<!tpu.dma_semaphore, #tpu.memory_space<semaphore_mem>>)
    }
    %scan3A_25 = arith.constant 16 : i32
    %add3A_26 = arith.constant 480 : i32
    %add3A_27 = arith.addi %mul3A_2, %add3A_26 : i32
    %dma_wait3A = arith.constant 0 : i32
    %dma_wait3A_28 = tpu.memref_slice %arg6[%add3A_27, %dma_wait3A] : memref<16384x1024xf32, #tpu.memory_space<hbm>> -> memref<16x1024xf32, #tpu.memory_space<hbm>>
    %dma_wait3A_29 = arith.constant 0 : i32
    %dma_wait3A_30 = tpu.memref_slice %arg6[%add3A_27, %dma_wait3A_29] : memref<16384x1024xf32, #tpu.memory_space<hbm>> -> memref<16x1024xf32, #tpu.memory_space<hbm>>
    tpu.wait_dma2 semaphore(%arg19 : memref<!tpu.dma_semaphore, #tpu.memory_space<semaphore_mem>>) src(%arg13 : memref<16x1024xf32, #tpu.memory_space<vmem>>) dst(%dma_wait3A_30 : memref<16x1024xf32, #tpu.memory_space<hbm>>)
    %add3A_31 = arith.constant 496 : i32
    %add3A_32 = arith.addi %mul3A_2, %add3A_31 : i32
    %dma_wait3A_33 = arith.constant 0 : i32
    %dma_wait3A_34 = tpu.memref_slice %arg6[%add3A_32, %dma_wait3A_33] : memref<16384x1024xf32, #tpu.memory_space<hbm>> -> memref<16x1024xf32, #tpu.memory_space<hbm>>
    %dma_wait3A_35 = arith.constant 0 : i32
    %dma_wait3A_36 = tpu.memref_slice %arg6[%add3A_32, %dma_wait3A_35] : memref<16384x1024xf32, #tpu.memory_space<hbm>> -> memref<16x1024xf32, #tpu.memory_space<hbm>>
    tpu.wait_dma2 semaphore(%arg20 : memref<!tpu.dma_semaphore, #tpu.memory_space<semaphore_mem>>) src(%arg14 : memref<16x1024xf32, #tpu.memory_space<vmem>>) dst(%dma_wait3A_36 : memref<16x1024xf32, #tpu.memory_space<hbm>>)
    return
  }
}

</mosaic_0001>

<sc_bundles>
// kernel: kernel.3.cloned.1.call-start
scs
__scs_entry_jumppad:
0x0: {  	(pc) =	sbr.rel $0x88, $3  }
0x1: {  	(tag) =	ssettag $0x0;
	lr =	simm.s32 $0x1  }
0x2: {  	[smem:$0x3F9D] =	sst lr;
	_ =	strace $0xD0000000  }
0x3: {  	_ = 	snop  }
0x4: {  	_ = 	snop  }
0x5: {  	_ = 	snop  }
0x6: {  	_ = 	snop  }
0x7: {  	_ = 	snop  }
__scs_overlays_trampoline_lowered:
0x8: {  	[smem:$0x3FAC] =	sst s0  }
0x9: {  	[smem:$0x3FAD] =	sst s1  }
0xa: {  	[smem:$0x3FAE] =	sst s2  }
0xb: {  	[smem:$0x3FAF] =	sst s3  }
0xc: {  	[smem:$0x3FB0] =	sst s4  }
0xd: {  	[smem:$0x3FB1] =	sst s5  }
0xe: {  	[smem:$0x3FB2] =	sst s6  }
0xf: {  	[smem:$0x3FB3] =	sst s7  }
0x10: {  	[smem:$0x3FB4] =	sst s8  }
0x11: {  	[smem:$0x3FB5] =	sst s9;
	s0 =	simm.s32 @!p0 $0x0  }
0x12: {  	s1 =	sld [smem:$0x3F9B];
	s0 =	simm.s32 @p0 $0x1  }
0x13: {  	[smem:$0x3FB6] =	sst s0;
	s0 =	simm.s32 @!p1 $0x0  }
0x14: {  	s2 =	sld [smem:$0x3F9A];
	s0 =	simm.s32 @p1 $0x1  }
0x15: {  	[smem:$0x3FB7] =	sst s0;
	s0 =	simm.s32 @!p2 $0x0  }
0x16: {  	s3 =	sld [smem:$0x3FDB];
	s0 =	simm.s32 @p2 $0x1  }
0x17: {  	s4 =	simm.s32 $0x1BF5;
	[smem:$0x3FB9] =	sst s0  }
0x18: {  	s0 =	sld [smem:$0x3F9C];
	_ =	swait.ge [sflag:s4], $0x0  }
0x19: {  	s7 =	sld [smem:$0x3F9D]  }
0x1a: {  	s8 =	sadd.s32 $0xFFFFE003, lr  }
0x1b: {  	s9 =	sadd.s32 $0xFFFFFEF7, lr;
	s5 =	simm.s32 $0xFFFFFFFF;
	p2 =	slt.u32 s8, $0xFFFFF086  }
0x1c: {  	p1 =	slt.u32 s9, $0xF7A;
	s5 =	simm.s32 @!p2 $0x0  }
0x1d: {  	s5 =	simm.s32 @p1 $0x1;
	p0 =	seq.s32 s7, s2  }
0x1e: {  	s7 =	smul.u32 @!p0 $0xF7A, s2;
	p2 =	seq.s32 @!p0 s5, $0x0  }
0x1f: {  	s9 =	smul.u32 $0xF7A, s1;
	s8 =	simm.s32 @!p0 $0x1BF5;
	p2 =	por !p2, p0  }
0x20: {  	[sflag:s8] =	ssyncset.s32 @!p0 $0xFFFFF086;
	s6 =	sadd.s32 @!p0 s3, s7;
	s7 =	simm.s32 @!p0 $0x108  }
0x21: {  	s3 =	sadd.s32 s3, s9;
	s6 =	sadd.s32 @!p0 $0x88, s6;
	s7 =	simm.s32 @p2 $0x1082  }
0x22: {  	[simem:s7], [sflag:s8] =	dma.local @!p0 [hbm:s6], $0xF7A  }
0x23: {  	s9 =	sor.u32 $0xD0000000, s2;
	s6 =	simm.s32 $0x108;
	_ =	swait.ge @!p0 [sflag:s8], $0x0  }
0x24: {  	s3 =	sadd.s32 $0x88, s3;
	s6 =	simm.s32 @!p1 $0x1082;
	[sflag:s4] =	ssyncset.s32 $0xFFFFF086  }
0x25: {  	[simem:s6], [sflag:s4] =	dma.local [hbm:s3], $0xF7A  }
0x26: {  	[smem:$0x3F9D] =	sst s1;
	(tag) =	ssettag s2;
	_ =	strace s9  }
0x27: {  	s1 =	sld [smem:$0x3FAD]  }
0x28: {  	s2 =	sld [smem:$0x3FAE]  }
0x29: {  	s4 =	sld [smem:$0x3FB0]  }
0x2a: {  	p0 =	seq.s32 s5, $0x0;
	s5 =	sld [smem:$0x3FB1]  }
0x2b: {  	s6 =	sld [smem:$0x3FB2]  }
0x2c: {  	s7 =	sld [smem:$0x3FB3]  }
0x2d: {  	s3 =	simm.s32 $0x108;
	s8 =	sld [smem:$0x3FB4]  }
0x2e: {  	s3 =	simm.s32 @!p0 $0x1082;
	s9 =	sld [smem:$0x3FB5]  }
0x2f: {  	lr =	sadd.s32 s0, s3;
	s0 =	sld [smem:$0x3FAC]  }
0x30: {  	s3 =	sld [smem:$0x3FAF]  }
0x31: {  	[smem:$0x3FB8] =	sst s10  }
0x32: {  	s10 =	sld [smem:$0x3FB6];
	_ =	sdelay $0x3  }
0x33: {  	p0 =	seq.s32 s10, $0x1;
	s10 =	sld [smem:$0x3FB8];
	_ =	sdelay $0x3  }
0x34: {  	[smem:$0x3FB8] =	sst s10  }
0x35: {  	s10 =	sld [smem:$0x3FB7];
	_ =	sdelay $0x3  }
0x36: {  	p1 =	seq.s32 s10, $0x1;
	s10 =	sld [smem:$0x3FB8];
	_ =	sdelay $0x3  }
0x37: {  	[smem:$0x3FB8] =	sst s10  }
0x38: {  	s10 =	sld [smem:$0x3FB9]  }
0x39: {  	_ = 	snop;
	(pc) =	sbr.ind lr, $3  }
0x3a: {  	_ = 	snop  }
0x3b: {  	_ = 	snop  }
0x3c: {  	p2 =	seq.s32 s10, $0x1;
	s10 =	sld [smem:$0x3FB8]  }
0x3d: {  	_ =	shalt  }
0x3e: {  	_ =	shalt  }
0x3f: {  	_ =	shalt  }
0x40: {  	_ =	shalt  }
0x41: {  	_ =	shalt  }
0x42: {  	_ =	shalt  }
0x43: {  	_ =	shalt  }
0x44: {  	_ =	shalt  }
0x45: {  	_ =	shalt  }
0x46: {  	_ =	shalt  }
0x47: {  	_ =	shalt  }
0x48: {  	_ =	shalt  }
0x49: {  	_ =	shalt  }
0x4a: {  	_ =	shalt  }
0x4b: {  	_ =	shalt  }
0x4c: {  	_ =	shalt  }
0x4d: {  	_ =	shalt  }
0x4e: {  	_ =	shalt  }
0x4f: {  	_ =	shalt  }
0x50: {  	_ =	shalt  }
0x51: {  	_ =	shalt  }
0x52: {  	_ =	shalt  }
0x53: {  	_ =	shalt  }
0x54: {  	_ =	shalt  }
0x55: {  	_ =	shalt  }
0x56: {  	_ =	shalt  }
0x57: {  	_ =	shalt  }
0x58: {  	_ =	shalt  }
0x59: {  	_ =	shalt  }
0x5a: {  	_ =	shalt  }
0x5b: {  	_ =	shalt  }
0x5c: {  	_ =	shalt  }
0x5d: {  	_ =	shalt  }
0x5e: {  	_ =	shalt  }
0x5f: {  	_ =	shalt  }
0x60: {  	_ =	shalt  }
0x61: {  	_ =	shalt  }
0x62: {  	_ =	shalt  }
0x63: {  	_ =	shalt  }
0x64: {  	_ =	shalt  }
0x65: {  	_ =	shalt  }
0x66: {  	_ =	shalt  }
0x67: {  	_ =	shalt  }
0x68: {  	_ =	shalt  }
0x69: {  	_ =	shalt  }
0x6a: {  	_ =	shalt  }
0x6b: {  	_ =	shalt  }
0x6c: {  	_ =	shalt  }
0x6d: {  	_ =	shalt  }
0x6e: {  	_ =	shalt  }
0x6f: {  	_ =	shalt  }
0x70: {  	_ =	shalt  }
0x71: {  	_ =	shalt  }
0x72: {  	_ =	shalt  }
0x73: {  	_ =	shalt  }
0x74: {  	_ =	shalt  }
0x75: {  	_ =	shalt  }
0x76: {  	_ =	shalt  }
0x77: {  	_ =	shalt  }
0x78: {  	_ =	shalt  }
0x79: {  	_ =	shalt  }
0x7a: {  	_ =	shalt  }
0x7b: {  	_ =	shalt  }
0x7c: {  	_ =	shalt  }
0x7d: {  	_ =	shalt  }
0x7e: {  	_ =	shalt  }
0x7f: {  	_ =	shalt  }
0x80: {  	_ =	shalt  }
0x81: {  	_ =	shalt  }
0x82: {  	_ =	shalt  }
0x83: {  	_ =	shalt  }
0x84: {  	_ =	shalt  }
0x85: {  	_ =	shalt  }
0x86: {  	_ =	shalt  }
0x87: {  	_ =	shalt  }
.Lfunc_end0:
.L_simem_size_0:
called_computation_lowered:
.L_overlay_start_0:
0x88: {  	s2 =	sld [smem:$0x3FD9]  }
0x89: {  	s3 =	sld [smem:$0x3FFE];
	_ =	sdelay $0x1  }
0x8a: {  	s1 =	srdreg.scid  }
0x8b: {  	s0 =	sand.u32 $0x1, s1  }
0x8c: {  	s17 =	sshll.u32 s0, $0xA;
	s2 =	sadd.s32 s3, s2  }
0x8d: {  	s2 =	sadd.s32 s2, s17  }
0x8e: {  	[smem:$0x3FC4] =	sst s2  }
0x8f: {  	_ = 	snop  }
0x90: {  	s2 =	sld [smem:$0x3FC7]  }
0x91: {  	s18 =	sld [smem:$0x3FC6]  }
0x92: {  	s4 =	sld [smem:$0x3FD0];
	(tm) =	ssettm $0x1  }
0x93: {  	s5 =	sld [smem:$0x3FFB];
	_ =	sdelay $0x3  }
0x94: {  	_ =	strace s5  }
0x95: {  	s5 =	sld [smem:$0x3FFC];
	_ =	sdelay $0x3  }
0x96: {  	_ =	strace s5  }
0x97: {  	s5 =	sld [smem:$0x3FFD];
	_ =	sdelay $0x3  }
0x98: {  	_ =	strace s5  }
0x99: {  	_ =	strace $0x8FFFFFFF  }
0x9a: {  	s19 =	sld [smem:$0x3FDB];
	_ =	sdelay $0x1  }
0x9b: {  	s6 =	simm.s32 $_scs_section_size  }
0x9c: {  	s7 =	simm.s32 $_size__tile_overlayer_lowered;
	s8 =	simm.s32 $_tile_overlayer_lowered  }
0x9d: {  	s22 =	simm.s32 $0x1BFF;
	s21 =	sshll.u32 s8, $0x1;
	s5 =	sadd.s32 s6, s19  }
0x9e: {  	s9 =	simm.s32 $0x0;
	s20 =	sshll.u32 s7, $0x1;
	s7 =	sadd.s32 s21, s5  }
0x9f: {  	[timem:s9], [sflag:s22] =	dma.local [hbm:s7], s20  }
0xa0: {  	_ =	swait.ge [sflag:s22], s20  }
0xa1: {  	s6 =	ssub.s32 $0x0, s20;
	[sflag:s22] =	ssyncset.done $0x0  }
0xa2: {  	[sflag:s22] =	ssyncadd.s32 s6;
	_ =	sdelay $0x1  }
0xa3: {  	s23 =	simm.s32 $0x1B8B  }
0xa4: {  	_ =	swait.ge [sflag:s23], $0x1  }
0xa5: {  	[sflag:s23] =	ssyncset.done $0x0  }
0xa6: {  	s25 =	simm.s32 $0x1B8E;
	s24 =	sld [smem:$0x3FFE];
	[sflag:s23] =	ssyncadd.s32 $0xFFFFFFFF  }
0xa7: {  	s26 =	simm.s32 $execute0_lowered;
	[smem:$0x3FD2] =	sst s25  }
0xa8: {  	s7 =	sshll.u32 s26, $0x1;
	_ =	strace $0x80000046;
	[dreg:$0x1] =	wrdreg $0xFFFFFFFF  }
0xa9: {  	s28 =	simm.s32 $_size_execute0_lowered;
	s5 =	sadd.s32 s5, s7;
	[dreg:$0x0] =	wrdreg $0x0  }
0xaa: {  	s7 =	sshll.u32 s28, $0x1;
	[dreg:$0x2] =	wrdreg s5  }
0xab: {  	[dreg:$0x3] =	wrdreg s7  }
0xac: {  	[dreg:$0x4] =	wrdreg $0xC0  }
0xad: {  	_ =	task [dreg:s9], $0x5FFFF  }
0xae: {  	[dreg:$0x1] =	wrdreg $0xFFFFFFFF  }
0xaf: {  	[dreg:$0x0] =	wrdreg $0x60  }
0xb0: {  	[dreg:$0x2] =	wrdreg s2  }
0xb1: {  	[dreg:$0x3] =	wrdreg s18  }
0xb2: {  	[dreg:$0x4] =	wrdreg s24  }
0xb3: {  	[dreg:$0x5] =	wrdreg s4  }
0xb4: {  	[dreg:$0x6] =	wrdreg $0x9  }
0xb5: {  	_ =	task.clear_ibuf [dreg:s9], $0x7FFFF;
	_ =	strace $0x90000046  }
0xb6: {  	s29 =	simm.s32 $0x9;
	_ =	strace $0x80000048  }
0xb7: {  	_ =	swait.ge [sflag:s29], $0x1  }
0xb8: {  	[sflag:s29] =	ssyncadd.s32 $0xFFFFFFFF  }
0xb9: {  	_ =	strace $0x90000048  }
0xba: {  	_ =	sfence  }
0xbb: {  	s30 =	sld [smem:$0x0];
	_ =	sdelay $0x2  }
0xbc: {  	s31 =	sshll.u32 s1, $0xD;
	s1 =	sshrl.u32 s1, $0x2  }
0xbd: {  	s3 =	sand.u32 $0x4000, s31;
	s1 =	sadd.s32 s1, s30  }
0xbe: {  	s0 =	sor.u32 s3, s0;
	s1 =	sshll.u32 s1, $0x11  }
0xbf: {  	s0 =	sor.u32 s1, s0  }
0xc0: {  	s0 =	sadd.s32 $0x8F2B, s0  }
0xc1: {  	[sflag:s0] =	ssyncadd.remote.s32 $0x1  }
0xc2: {  	_ =	sfence.sel $0xFFFF  }
0xc3: {  	[dreg:$0x0] =	wrdreg $0xFFFFFFFF;
	(pc) =	sbr.abs _section_cstart, $3  }
0xc4: {  	[dreg:$0x1] =	wrdreg $0xFFFFFFFF  }
0xc5: {  	_ =	task.clear_ibuf [dreg:s9], $0x2FFFF;
	_ =	strace $0x9FFFFFFF  }
0xc6: {  	(tm) =	ssettm $0x7FFFFFFF  }
0xc7: {  	_ =	shalt  }
tec
execute0_lowered:
.L_overlay_start_1:
0x0: {  	(tag) =	ssettag $0x1  }
0x1: {  	s0 =	rddreg [dreg:$0x0]  }
0x2: {  	s3 =	rddreg [dreg:$0x1]  }
0x3: {  	s1 =	rddreg [dreg:$0x2]  }
0x4: {  	s2 =	srdreg.scid;
	s4 =	rddreg [dreg:$0x3]  }
0x5: {  	s5 =	stileid.u32;
	s17 =	simm.s32 $0x7;
	s21 =	simm.s32 $0x1  }
0x6: {  	s22 =	simm.s32 $0x3;
	s23 =	simm.s32 $0x10400;
	s24 =	simm.s32 $0x2  }
0x7: {  	s25 =	simm.s32 $0x4;
	s26 =	simm.s32 $0x14400;
	s28 =	simm.s32 $0x5  }
0x8: {  	s29 =	simm.s32 $0x6;
	s30 =	simm.s32 $0x0;
	s2 =	sand.u32 $0x1, s2  }
0x9: {  	s6 =	sshll.u32 s5, $0xA;
	s5 =	simm.s32 $0x0;
	s9 =	sadd.s32 $0x100, s0  }
0xa: {  	s10 =	sadd.s32 $0x200, s0;
	s11 =	sadd.s32 $0x300, s0;
	s7 =	sshll.u32 s2, $0x9  }
0xb: {  	s12 =	sadd.s32 $0x100, s3;
	s13 =	sadd.s32 $0x200, s3;
	s6 =	sor.u32 s7, s6  }
0xc: {  	s14 =	sadd.s32 $0x300, s3;
	s2 =	ssub.s32 $0x2, s2;
	s7 =	sshrl.u32 s6, $0x3  }
0xd: {  	[smem:$0x7FF] =	sst s5;
	s8 =	sshrl.u32 s2, $0x1;
	s1 =	sadd.s32 s7, s1  }
0xe: {  	v2 =	vlaneseq.u32;
	_ =	strace $0x80000047;
	s2 =	ssub.s32 s2, s8;
	s7 =	sadd.s32 $0x400, s1  }
0xf: {  	vm0 =	vmmov $0xffff;
	v1 =	vshrl.u32 v2, $0x3;
	s31 =	sshll.u32 s6, $0x7;
	s1 =	sadd.s32 $0xC00, s1;
	[dreg:$0x5] =	wrdreg s7  }
0x10: {  	v0 =	vand.u32 $0x7, v2;
	v2 =	vor.u32 $0x8, v2;
	v1 =	vmul.u32 $0x8, v1;
	s15 =	sadd.s32 s4, s31;
	s16 =	smax.u32 s2, $0x1;
	[dreg:$0x6] =	wrdreg s1  }
.LBB2_1:
0x11: {  	s1 =	rddreg [dreg:$0x5]  }
0x12: {  	[tilespmem:s5], [sflag:$0x7] =	stream.linear.gather [hbm4b:s1+s5], $0x200, $0x38;
	[tilespmem:$0x18400] =	vst v63  }
0x13: {  	_ =	swait.ge [sflag:s17], $0x200  }
0x14: {  	[sflag:s17] =	ssyncset.done $0x0  }
0x15: {  	s2 =	simm.s32 $0x200;
	s18 =	rddreg [dreg:$0x6];
	[sflag:s17] =	ssyncadd.s32 $0xFFFFFE00  }
0x16: {  	[tilespmem:s2], [sflag:$0x7] =	stream.linear.gather [hbm4b:s18+s5], $0x200, $0x38;
	[tilespmem:$0x18400] =	vst v63  }
0x17: {  	_ =	swait.ge [sflag:s17], $0x200  }
0x18: {  	[sflag:s17] =	ssyncset.done $0x0  }
0x19: {  	[sflag:s17] =	ssyncadd.s32 $0xFFFFFE00  }
0x1a: {  	v3 =	vld [tilespmem:$0x0];
	_ =	sdelay $0x4  }
0x1b: {  	v4 =	vshll.u32 v3, $0x3  }
0x1c: {  	v3 =	vand.u32 $0x7, v3;
	v4 =	vand.u32 $0xFFFFFFC0, v4  }
0x1d: {  	v3 =	vor.u32 v3, v4  }
0x1e: {  	v4 =	vperm.xlane v3, v0;
	_ =	sdelay $0x1  }
0x1f: {  	v4 =	vadd.s32 v1, v4;
	_ =	sdelay $0x3  }
0x20: {  	s19 =	simm.s32 $0x400  }
0x21: {  	[tilespmem:s19], [sflag:$0x1] =	stream.indirect_vreg.gather [hbm4b:s0+s5], $0x80, v4, vm0, $0xb8;
	[tilespmem:$0x18400] =	vst v63  }
0x22: {  	s20 =	simm.s32 $0xC00;
	v3 =	vperm.xlane v3, v2  }
0x23: {  	[tilespmem:s20], [sflag:$0x1] =	stream.indirect_vreg.gather [hbm4b:s9+s5], $0x80, v4, vm0, $0xb8;
	[tilespmem:$0x18400] =	vst v63  }
0x24: {  	s2 =	simm.s32 $0x1400;
	v3 =	vadd.s32 v1, v3  }
0x25: {  	[tilespmem:s2], [sflag:$0x1] =	stream.indirect_vreg.gather [hbm4b:s10+s5], $0x80, v4, vm0, $0xb8;
	[tilespmem:$0x18400] =	vst v63  }
0x26: {  	s7 =	simm.s32 $0x1C00  }
0x27: {  	[tilespmem:s7], [sflag:$0x1] =	stream.indirect_vreg.gather [hbm4b:s11+s5], $0x80, v4, vm0, $0xb8;
	[tilespmem:$0x18400] =	vst v63  }
0x28: {  	s8 =	simm.s32 $0x2400  }
0x29: {  	[tilespmem:s8], [sflag:$0x1] =	stream.indirect_vreg.gather [hbm4b:s0+s5], $0x80, v3, vm0, $0xb8;
	[tilespmem:$0x18400] =	vst v63  }
0x2a: {  	s18 =	simm.s32 $0x2C00  }
0x2b: {  	[tilespmem:s18], [sflag:$0x1] =	stream.indirect_vreg.gather [hbm4b:s9+s5], $0x80, v3, vm0, $0xb8;
	[tilespmem:$0x18400] =	vst v63  }
0x2c: {  	s19 =	simm.s32 $0x3400  }
0x2d: {  	[tilespmem:s19], [sflag:$0x1] =	stream.indirect_vreg.gather [hbm4b:s10+s5], $0x80, v3, vm0, $0xb8;
	[tilespmem:$0x18400] =	vst v63  }
0x2e: {  	s20 =	simm.s32 $0x3C00  }
0x2f: {  	[tilespmem:s20], [sflag:$0x1] =	stream.indirect_vreg.gather [hbm4b:s11+s5], $0x80, v3, vm0, $0xb8;
	[tilespmem:$0x18400] =	vst v63  }
0x30: {  	v3 =	vld [tilespmem:$0x200];
	_ =	sdelay $0x4  }
0x31: {  	v61 =	vshll.u32 v3, $0x3  }
0x32: {  	v3 =	vand.u32 $0x7, v3;
	v4 =	vand.u32 $0xFFFFFFC0, v61  }
0x33: {  	v3 =	vor.u32 v3, v4  }
0x34: {  	v4 =	vperm.xlane v3, v0;
	_ =	sdelay $0x1  }
0x35: {  	v4 =	vadd.s32 v1, v4;
	_ =	sdelay $0x3  }
0x36: {  	s2 =	simm.s32 $0x8400  }
0x37: {  	[tilespmem:s2], [sflag:$0x3] =	stream.indirect_vreg.gather [hbm4b:s3+s5], $0x80, v4, vm0, $0xb8;
	[tilespmem:$0x18400] =	vst v63  }
0x38: {  	s7 =	simm.s32 $0x8C00;
	v3 =	vperm.xlane v3, v2  }
0x39: {  	[tilespmem:s7], [sflag:$0x3] =	stream.indirect_vreg.gather [hbm4b:s12+s5], $0x80, v4, vm0, $0xb8;
	[tilespmem:$0x18400] =	vst v63  }
0x3a: {  	s8 =	simm.s32 $0x9400;
	v3 =	vadd.s32 v1, v3  }
0x3b: {  	[tilespmem:s8], [sflag:$0x3] =	stream.indirect_vreg.gather [hbm4b:s13+s5], $0x80, v4, vm0, $0xb8;
	[tilespmem:$0x18400] =	vst v63  }
0x3c: {  	s18 =	simm.s32 $0x9C00  }
0x3d: {  	[tilespmem:s18], [sflag:$0x3] =	stream.indirect_vreg.gather [hbm4b:s14+s5], $0x80, v4, vm0, $0xb8;
	[tilespmem:$0x18400] =	vst v63  }
0x3e: {  	s19 =	simm.s32 $0xA400  }
0x3f: {  	[tilespmem:s19], [sflag:$0x3] =	stream.indirect_vreg.gather [hbm4b:s3+s5], $0x80, v3, vm0, $0xb8;
	[tilespmem:$0x18400] =	vst v63  }
0x40: {  	s20 =	simm.s32 $0xAC00  }
0x41: {  	[tilespmem:s20], [sflag:$0x3] =	stream.indirect_vreg.gather [hbm4b:s12+s5], $0x80, v3, vm0, $0xb8;
	[tilespmem:$0x18400] =	vst v63  }
0x42: {  	s2 =	simm.s32 $0xB400  }
0x43: {  	[tilespmem:s2], [sflag:$0x3] =	stream.indirect_vreg.gather [hbm4b:s13+s5], $0x80, v3, vm0, $0xb8;
	[tilespmem:$0x18400] =	vst v63  }
0x44: {  	s7 =	simm.s32 $0xBC00  }
0x45: {  	[tilespmem:s7], [sflag:$0x3] =	stream.indirect_vreg.gather [hbm4b:s14+s5], $0x80, v3, vm0, $0xb8;
	[tilespmem:$0x18400] =	vst v63  }
0x46: {  	v3 =	vld [tilespmem:$0x10];
	_ =	sdelay $0x4  }
0x47: {  	v62 =	vshll.u32 v3, $0x3  }
0x48: {  	v3 =	vand.u32 $0x7, v3;
	v4 =	vand.u32 $0xFFFFFFC0, v62  }
0x49: {  	v3 =	vor.u32 v3, v4  }
0x4a: {  	v4 =	vperm.xlane v3, v0;
	_ =	sdelay $0x1  }
0x4b: {  	v4 =	vadd.s32 v1, v4;
	_ =	sdelay $0x3  }
0x4c: {  	s8 =	simm.s32 $0x4400  }
0x4d: {  	[tilespmem:s8], [sflag:$0x2] =	stream.indirect_vreg.gather [hbm4b:s0+s5], $0x80, v4, vm0, $0xb8;
	[tilespmem:$0x18400] =	vst v63  }
0x4e: {  	s18 =	simm.s32 $0x4C00;
	v3 =	vperm.xlane v3, v2  }
0x4f: {  	[tilespmem:s18], [sflag:$0x2] =	stream.indirect_vreg.gather [hbm4b:s9+s5], $0x80, v4, vm0, $0xb8;
	[tilespmem:$0x18400] =	vst v63  }
0x50: {  	s19 =	simm.s32 $0x5400;
	v3 =	vadd.s32 v1, v3  }
0x51: {  	[tilespmem:s19], [sflag:$0x2] =	stream.indirect_vreg.gather [hbm4b:s10+s5], $0x80, v4, vm0, $0xb8;
	[tilespmem:$0x18400] =	vst v63  }
0x52: {  	s20 =	simm.s32 $0x5C00  }
0x53: {  	[tilespmem:s20], [sflag:$0x2] =	stream.indirect_vreg.gather [hbm4b:s11+s5], $0x80, v4, vm0, $0xb8;
	[tilespmem:$0x18400] =	vst v63  }
0x54: {  	s2 =	simm.s32 $0x6400  }
0x55: {  	[tilespmem:s2], [sflag:$0x2] =	stream.indirect_vreg.gather [hbm4b:s0+s5], $0x80, v3, vm0, $0xb8;
	[tilespmem:$0x18400] =	vst v63  }
0x56: {  	s7 =	simm.s32 $0x6C00  }
0x57: {  	[tilespmem:s7], [sflag:$0x2] =	stream.indirect_vreg.gather [hbm4b:s9+s5], $0x80, v3, vm0, $0xb8;
	[tilespmem:$0x18400] =	vst v63  }
0x58: {  	s8 =	simm.s32 $0x7400  }
0x59: {  	[tilespmem:s8], [sflag:$0x2] =	stream.indirect_vreg.gather [hbm4b:s10+s5], $0x80, v3, vm0, $0xb8;
	[tilespmem:$0x18400] =	vst v63  }
0x5a: {  	s18 =	simm.s32 $0x7C00  }
0x5b: {  	[tilespmem:s18], [sflag:$0x2] =	stream.indirect_vreg.gather [hbm4b:s11+s5], $0x80, v3, vm0, $0xb8;
	[tilespmem:$0x18400] =	vst v63  }
0x5c: {  	v3 =	vld [tilespmem:$0x210];
	_ =	sdelay $0x4  }
0x5d: {  	v63 =	vshll.u32 v3, $0x3  }
0x5e: {  	v3 =	vand.u32 $0x7, v3;
	v4 =	vand.u32 $0xFFFFFFC0, v63  }
0x5f: {  	v3 =	vor.u32 v3, v4  }
0x60: {  	v4 =	vperm.xlane v3, v0;
	_ =	sdelay $0x1  }
0x61: {  	v4 =	vadd.s32 v1, v4;
	_ =	sdelay $0x3  }
0x62: {  	s19 =	simm.s32 $0xC400  }
0x63: {  	[tilespmem:s19], [sflag:$0x4] =	stream.indirect_vreg.gather [hbm4b:s3+s5], $0x80, v4, vm0, $0xb8;
	[tilespmem:$0x18400] =	vst v63  }
0x64: {  	s20 =	simm.s32 $0xCC00;
	v3 =	vperm.xlane v3, v2  }
0x65: {  	[tilespmem:s20], [sflag:$0x4] =	stream.indirect_vreg.gather [hbm4b:s12+s5], $0x80, v4, vm0, $0xb8;
	[tilespmem:$0x18400] =	vst v63  }
0x66: {  	s2 =	simm.s32 $0xD400;
	v3 =	vadd.s32 v1, v3  }
0x67: {  	[tilespmem:s2], [sflag:$0x4] =	stream.indirect_vreg.gather [hbm4b:s13+s5], $0x80, v4, vm0, $0xb8;
	[tilespmem:$0x18400] =	vst v63  }
0x68: {  	s7 =	simm.s32 $0xDC00  }
0x69: {  	[tilespmem:s7], [sflag:$0x4] =	stream.indirect_vreg.gather [hbm4b:s14+s5], $0x80, v4, vm0, $0xb8;
	[tilespmem:$0x18400] =	vst v63  }
0x6a: {  	s8 =	simm.s32 $0xE400  }
0x6b: {  	[tilespmem:s8], [sflag:$0x4] =	stream.indirect_vreg.gather [hbm4b:s3+s5], $0x80, v3, vm0, $0xb8;
	[tilespmem:$0x18400] =	vst v63  }
0x6c: {  	s18 =	simm.s32 $0xEC00  }
0x6d: {  	[tilespmem:s18], [sflag:$0x4] =	stream.indirect_vreg.gather [hbm4b:s12+s5], $0x80, v3, vm0, $0xb8;
	[tilespmem:$0x18400] =	vst v63  }
0x6e: {  	s19 =	simm.s32 $0xF400  }
0x6f: {  	[tilespmem:s19], [sflag:$0x4] =	stream.indirect_vreg.gather [hbm4b:s13+s5], $0x80, v3, vm0, $0xb8;
	[tilespmem:$0x18400] =	vst v63  }
0x70: {  	s31 =	simm.s32 $0x0;
	s20 =	simm.s32 $0xFC00  }
0x71: {  	[tilespmem:s20], [sflag:$0x4] =	stream.indirect_vreg.gather [hbm4b:s14+s5], $0x80, v3, vm0, $0xb8;
	[tilespmem:$0x18400] =	vst v63  }
.LBB2_2:
0x72: {  	_ =	swait.ge [sflag:s21], $0x4000  }
0x73: {  	[sflag:s21] =	ssyncset.done $0x0  }
0x74: {  	[sflag:s21] =	ssyncadd.s32 $0xFFFFC000  }
0x75: {  	_ =	swait.ge [sflag:s22], $0x4000  }
0x76: {  	p1 =	seq.s32 s31, $0x0;
	[sflag:s22] =	ssyncset.done $0x0  }
0x77: {  	s2 =	simm.s32 @!p1 $0x5;
	[sflag:s22] =	ssyncadd.s32 $0xFFFFC000  }
0x78: {  	s1 =	sshll.u32 s31, $0x5;
	_ =	swait.ge @!p1 [sflag:s2], $0x4000  }
0x79: {  	s18 =	simm.s32 $0xFFFFC000;
	s19 =	simm.s32 $0x0;
	[sflag:s2] =	ssyncset.done @!p1 $0x0  }
0x7a: {  	s20 =	simm.s32 $0x0;
	[sflag:s2] =	ssyncadd.s32 @!p1 $0xFFFFC000;
	s2 =	simm.s32 $0x0  }
.LBB2_3:
0x7b: {  	s7 =	sadd.s32 $0x4000, s18  }
0x7c: {  	s8 =	sand.u32 $0x380, s20;
	s7 =	sand.u32 $0x2000, s7  }
0x7d: {  	s7 =	sor.u32 s8, s7  }
0x7e: {  	v3 =	vld [tilespmem:s7+$0x400]  }
0x7f: {  	v4 =	vld [tilespmem:s7+$0x8400]  }
0x80: {  	v5 =	vld [tilespmem:s7+$0x410]  }
0x81: {  	v6 =	vld [tilespmem:s7+$0x8410]  }
0x82: {  	v7 =	vld [tilespmem:s7+$0x420]  }
0x83: {  	v8 =	vld [tilespmem:s7+$0x8420]  }
0x84: {  	v9 =	vld [tilespmem:s7+$0x430]  }
0x85: {  	v10 =	vld [tilespmem:s7+$0x8430]  }
0x86: {  	v11 =	vld [tilespmem:s7+$0x440]  }
0x87: {  	v12 =	vld [tilespmem:s7+$0x8440]  }
0x88: {  	v13 =	vld [tilespmem:s7+$0x450]  }
0x89: {  	v14 =	vld [tilespmem:s7+$0x8450]  }
0x8a: {  	v15 =	vld [tilespmem:s7+$0x460]  }
0x8b: {  	v16 =	vld [tilespmem:s7+$0x8460]  }
0x8c: {  	v17 =	vld [tilespmem:s7+$0x470]  }
0x8d: {  	v18 =	vld [tilespmem:s7+$0x8470]  }
0x8e: {  	v19 =	vld [tilespmem:s7+$0x800]  }
0x8f: {  	v20 =	vld [tilespmem:s7+$0x8800]  }
0x90: {  	v21 =	vld [tilespmem:s7+$0x810]  }
0x91: {  	v22 =	vld [tilespmem:s7+$0x8810]  }
0x92: {  	v23 =	vld [tilespmem:s7+$0x820]  }
0x93: {  	v24 =	vld [tilespmem:s7+$0x8820]  }
0x94: {  	v25 =	vld [tilespmem:s7+$0x830]  }
0x95: {  	v26 =	vld [tilespmem:s7+$0x8830]  }
0x96: {  	v27 =	vld [tilespmem:s7+$0x840]  }
0x97: {  	v28 =	vld [tilespmem:s7+$0x8840]  }
0x98: {  	v29 =	vld [tilespmem:s7+$0x850]  }
0x99: {  	v30 =	vld [tilespmem:s7+$0x8850]  }
0x9a: {  	v31 =	vld [tilespmem:s7+$0x860]  }
0x9b: {  	v32 =	vld [tilespmem:s7+$0x8860]  }
0x9c: {  	v33 =	vld [tilespmem:s7+$0x870]  }
0x9d: {  	v34 =	vld [tilespmem:s7+$0x8870]  }
0x9e: {  	v35 =	vld [tilespmem:s7+$0xC00]  }
0x9f: {  	v36 =	vld [tilespmem:s7+$0x8C00]  }
0xa0: {  	v37 =	vld [tilespmem:s7+$0xC10]  }
0xa1: {  	v38 =	vld [tilespmem:s7+$0x8C10]  }
0xa2: {  	v39 =	vld [tilespmem:s7+$0xC20]  }
0xa3: {  	v40 =	vld [tilespmem:s7+$0x8C20]  }
0xa4: {  	v41 =	vld [tilespmem:s7+$0xC30]  }
0xa5: {  	v42 =	vld [tilespmem:s7+$0x8C30]  }
0xa6: {  	v43 =	vld [tilespmem:s7+$0xC40]  }
0xa7: {  	v44 =	vld [tilespmem:s7+$0x8C40]  }
0xa8: {  	v45 =	vld [tilespmem:s7+$0xC50]  }
0xa9: {  	v46 =	vld [tilespmem:s7+$0x8C50]  }
0xaa: {  	v47 =	vld [tilespmem:s7+$0xC60]  }
0xab: {  	v48 =	vld [tilespmem:s7+$0x8C60]  }
0xac: {  	v49 =	vld [tilespmem:s7+$0xC70]  }
0xad: {  	v50 =	vld [tilespmem:s7+$0x8C70]  }
0xae: {  	v51 =	vld [tilespmem:s7+$0x1000]  }
0xaf: {  	v52 =	vld [tilespmem:s7+$0x9000]  }
0xb0: {  	v53 =	vld [tilespmem:s7+$0x1010]  }
0xb1: {  	v54 =	vld [tilespmem:s7+$0x9010]  }
0xb2: {  	v55 =	vld [tilespmem:s7+$0x1020]  }
0xb3: {  	v56 =	vld [tilespmem:s7+$0x9020]  }
0xb4: {  	v57 =	vld [tilespmem:s7+$0x1030]  }
0xb5: {  	v58 =	vld [tilespmem:s7+$0x9030]  }
0xb6: {  	v59 =	vld [tilespmem:s7+$0x1040]  }
0xb7: {  	v60 =	vld [tilespmem:s7+$0x9040]  }
0xb8: {  	v61 =	vld [tilespmem:s7+$0x1050]  }
0xb9: {  	v62 =	vld [tilespmem:s7+$0x9050]  }
0xba: {  	v63 =	vld [tilespmem:s7+$0x1060]  }
0xbb: {  	v3 =	vadd.f32 v4, v3;
	v4 =	vld [tilespmem:s7+$0x9060]  }
0xbc: {  	v5 =	vadd.f32 v6, v5;
	v6 =	vld [tilespmem:s7+$0x1070]  }
0xbd: {  	v14 =	vadd.f32 v14, v13;
	v13 =	vld [tilespmem:s7+$0x9420];
	[tilespmem:s7+$0x10400] =	vst v3  }
0xbe: {  	v18 =	vadd.f32 v18, v17;
	v17 =	vld [tilespmem:s7+$0x9440];
	v3 =	vadd.f32 v8, v7;
	[tilespmem:s7+$0x10410] =	vst v5  }
0xbf: {  	v22 =	vadd.f32 v22, v21;
	v21 =	vld [tilespmem:s7+$0x9460];
	[tilespmem:s7+$0x10450] =	vst v14  }
0xc0: {  	v7 =	vld [tilespmem:s7+$0x9070];
	[tilespmem:s7+$0x10420] =	vst v3;
	v3 =	vadd.f32 v12, v11  }
0xc1: {  	v8 =	vld [tilespmem:s7+$0x1400];
	[tilespmem:s7+$0x10470] =	vst v18  }
0xc2: {  	v5 =	vadd.f32 v10, v9;
	v9 =	vld [tilespmem:s7+$0x9400];
	[tilespmem:s7+$0x10440] =	vst v3;
	v3 =	vadd.f32 v16, v15  }
0xc3: {  	v26 =	vadd.f32 v26, v25;
	v10 =	vld [tilespmem:s7+$0x1410];
	[tilespmem:s7+$0x10810] =	vst v22  }
0xc4: {  	v14 =	vld [tilespmem:s7+$0x1430];
	[tilespmem:s7+$0x10460] =	vst v3;
	v3 =	vadd.f32 v20, v19  }
0xc5: {  	v30 =	vadd.f32 v30, v29;
	[tilespmem:s7+$0x10830] =	vst v26;
	v18 =	vld [tilespmem:s7+$0x1450]  }
0xc6: {  	v19 =	vld [tilespmem:s7+$0x9450];
	[tilespmem:s7+$0x10800] =	vst v3;
	v3 =	vadd.f32 v24, v23  }
0xc7: {  	v34 =	vadd.f32 v34, v33;
	[tilespmem:s7+$0x10850] =	vst v30;
	v22 =	vld [tilespmem:s7+$0x1470]  }
0xc8: {  	v11 =	vld [tilespmem:s7+$0x9410];
	[tilespmem:s7+$0x10820] =	vst v3;
	v3 =	vadd.f32 v28, v27  }
0xc9: {  	[tilespmem:s7+$0x10870] =	vst v34;
	v12 =	vld [tilespmem:s7+$0x1420]  }
0xca: {  	v15 =	vld [tilespmem:s7+$0x9430];
	[tilespmem:s7+$0x10840] =	vst v3;
	v3 =	vadd.f32 v32, v31  }
0xcb: {  	[tilespmem:s7+$0x10430] =	vst v5;
	v16 =	vld [tilespmem:s7+$0x1440];
	v19 =	vadd.f32 v19, v18  }
0xcc: {  	v20 =	vld [tilespmem:s7+$0x1460];
	[tilespmem:s7+$0x10860] =	vst v3;
	v3 =	vadd.f32 v36, v35  }
0xcd: {  	v24 =	vld [tilespmem:s7+$0x1800];
	[tilespmem:s7+$0x11450] =	vst v19;
	v36 =	vadd.f32 v38, v37  }
0xce: {  	v37 =	vld [tilespmem:s7+$0x9470];
	[tilespmem:s7+$0x10C00] =	vst v3;
	v3 =	vadd.f32 v40, v39  }
0xcf: {  	v38 =	vadd.f32 v42, v41;
	v41 =	vld [tilespmem:s7+$0x1810];
	[tilespmem:s7+$0x10C10] =	vst v36  }
0xd0: {  	v42 =	vld [tilespmem:s7+$0x9810];
	[tilespmem:s7+$0x10C20] =	vst v3;
	v3 =	vadd.f32 v44, v43  }
0xd1: {  	v35 =	vld [tilespmem:s7+$0x1C10];
	[tilespmem:s7+$0x10C30] =	vst v38;
	v40 =	vadd.f32 v46, v45  }
0xd2: {  	v39 =	vld [tilespmem:s7+$0x9800];
	[tilespmem:s7+$0x10C40] =	vst v3;
	v3 =	vadd.f32 v48, v47  }
0xd3: {  	v45 =	vld [tilespmem:s7+$0x9820];
	v46 =	vadd.f32 v54, v53;
	[tilespmem:s7+$0x10C50] =	vst v40  }
0xd4: {  	v53 =	vld [tilespmem:s7+$0x1850];
	[tilespmem:s7+$0x10C60] =	vst v3;
	v3 =	vadd.f32 v52, v51  }
0xd5: {  	v54 =	vld [tilespmem:s7+$0x9850];
	v43 =	vadd.f32 v50, v49;
	[tilespmem:s7+$0x11010] =	vst v46  }
0xd6: {  	v36 =	vld [tilespmem:s7+$0x9C10];
	[tilespmem:s7+$0x11000] =	vst v3;
	v3 =	vadd.f32 v56, v55  }
0xd7: {  	v38 =	vld [tilespmem:s7+$0x1C20];
	v49 =	vadd.f32 v58, v57;
	[tilespmem:s7+$0x10C70] =	vst v43  }
0xd8: {  	v44 =	vld [tilespmem:s7+$0x1820];
	[tilespmem:s7+$0x11020] =	vst v3;
	v3 =	vadd.f32 v60, v59  }
0xd9: {  	v50 =	vld [tilespmem:s7+$0x1840];
	v58 =	vadd.f32 v11, v10;
	[tilespmem:s7+$0x11030] =	vst v49  }
0xda: {  	v57 =	vld [tilespmem:s7+$0x9860];
	[tilespmem:s7+$0x11040] =	vst v3;
	v3 =	vadd.f32 v4, v63  }
0xdb: {  	v46 =	vld [tilespmem:s7+$0x1C50];
	v37 =	vadd.f32 v37, v22;
	[tilespmem:s7+$0x11410] =	vst v58  }
0xdc: {  	v40 =	vadd.f32 v42, v41;
	v41 =	vld [tilespmem:s7+$0x1C30];
	[tilespmem:s7+$0x11060] =	vst v3;
	v3 =	vadd.f32 v9, v8  }
0xdd: {  	v42 =	vld [tilespmem:s7+$0x9C30];
	[tilespmem:s7+$0x11470] =	vst v37  }
0xde: {  	v47 =	vld [tilespmem:s7+$0x1830];
	[tilespmem:s7+$0x11400] =	vst v3;
	v3 =	vadd.f32 v13, v12  }
0xdf: {  	v48 =	vld [tilespmem:s7+$0x9830];
	[tilespmem:s7+$0x11810] =	vst v40;
	v52 =	vadd.f32 v62, v61  }
0xe0: {  	v49 =	vld [tilespmem:s7+$0x1C60];
	[tilespmem:s7+$0x11420] =	vst v3;
	v3 =	vadd.f32 v17, v16  }
0xe1: {  	v51 =	vld [tilespmem:s7+$0x9840];
	v61 =	vadd.f32 v15, v14;
	[tilespmem:s7+$0x11050] =	vst v52  }
0xe2: {  	v62 =	vld [tilespmem:s7+$0x1C00];
	[tilespmem:s7+$0x11440] =	vst v3;
	v3 =	vadd.f32 v21, v20  }
0xe3: {  	v55 =	vadd.f32 v7, v6;
	v56 =	vld [tilespmem:s7+$0x1860];
	[tilespmem:s7+$0x11430] =	vst v61  }
0xe4: {  	v52 =	vld [tilespmem:s7+$0x1C70];
	[tilespmem:s7+$0x11460] =	vst v3;
	v3 =	vadd.f32 v39, v24  }
0xe5: {  	v43 =	vadd.f32 v48, v47;
	v47 =	vld [tilespmem:s7+$0x9C50];
	[tilespmem:s7+$0x11070] =	vst v55  }
0xe6: {  	v59 =	vld [tilespmem:s7+$0x1870];
	[tilespmem:s7+$0x11800] =	vst v3;
	v3 =	vadd.f32 v45, v44  }
0xe7: {  	[tilespmem:s7+$0x11830] =	vst v43;
	v63 =	vld [tilespmem:s7+$0x9C00];
	v4 =	vadd.f32 v54, v53  }
0xe8: {  	v60 =	vld [tilespmem:s7+$0x9870];
	[tilespmem:s7+$0x11820] =	vst v3;
	v3 =	vadd.f32 v51, v50  }
0xe9: {  	v54 =	vadd.f32 v42, v41;
	[tilespmem:s7+$0x11850] =	vst v4;
	v39 =	vld [tilespmem:s7+$0x9C20]  }
0xea: {  	v44 =	vld [tilespmem:s7+$0x1C40];
	[tilespmem:s7+$0x11840] =	vst v3;
	v3 =	vadd.f32 v57, v56  }
0xeb: {  	[tilespmem:s7+$0x11C30] =	vst v54;
	v55 =	vadd.f32 v47, v46;
	v45 =	vld [tilespmem:s7+$0x9C40]  }
0xec: {  	v53 =	vld [tilespmem:s7+$0x9C70];
	[tilespmem:s7+$0x11860] =	vst v3;
	v3 =	vadd.f32 v63, v62  }
0xed: {  	v48 =	vadd.f32 v60, v59;
	[tilespmem:s7+$0x11C50] =	vst v55;
	v50 =	vld [tilespmem:s7+$0x9C60]  }
0xee: {  	[tilespmem:s7+$0x11C00] =	vst v3;
	v3 =	vadd.f32 v39, v38  }
0xef: {  	[tilespmem:s7+$0x11870] =	vst v48;
	v51 =	vadd.f32 v36, v35  }
0xf0: {  	[tilespmem:s7+$0x11C20] =	vst v3;
	v3 =	vadd.f32 v45, v44  }
0xf1: {  	s8 =	sand.u32 $0x7, s2;
	[tilespmem:s7+$0x11C10] =	vst v51;
	v56 =	vadd.f32 v53, v52  }
0xf2: {  	s8 =	sshll.u32 s8, $0x7;
	[tilespmem:s7+$0x11C40] =	vst v3;
	v3 =	vadd.f32 v50, v49  }
0xf3: {  	s8 =	sadd.s32 s8, s19;
	[tilespmem:s7+$0x11C70] =	vst v56  }
0xf4: {  	[tilespmem:s7+$0x11C60] =	vst v3;
	s7 =	sor.u32 $0x1C00, s8  }
0xf5: {  	v3 =	vld [tilespmem:s7+$0x400]  }
0xf6: {  	v4 =	vld [tilespmem:s7+$0x8400];
	_ =	sdelay $0x4  }
0xf7: {  	v3 =	vadd.f32 v4, v3;
	_ =	sdelay $0x1  }
0xf8: {  	[tilespmem:s7+$0x10400] =	vst v3;
	s7 =	sor.u32 $0x1C10, s8  }
0xf9: {  	v3 =	vld [tilespmem:s7+$0x400]  }
0xfa: {  	v57 =	vld [tilespmem:s7+$0x8400];
	_ =	sdelay $0x4  }
0xfb: {  	v3 =	vadd.f32 v57, v3;
	_ =	sdelay $0x1  }
0xfc: {  	[tilespmem:s7+$0x10400] =	vst v3;
	s7 =	sor.u32 $0x1C20, s8  }
0xfd: {  	v3 =	vld [tilespmem:s7+$0x400]  }
0xfe: {  	v58 =	vld [tilespmem:s7+$0x8400];
	_ =	sdelay $0x4  }
0xff: {  	v3 =	vadd.f32 v58, v3;
	_ =	sdelay $0x1  }
0x100: {  	[tilespmem:s7+$0x10400] =	vst v3;
	s7 =	sor.u32 $0x1C30, s8  }
0x101: {  	v3 =	vld [tilespmem:s7+$0x400]  }
0x102: {  	v59 =	vld [tilespmem:s7+$0x8400];
	_ =	sdelay $0x4  }
0x103: {  	v3 =	vadd.f32 v59, v3;
	_ =	sdelay $0x1  }
0x104: {  	[tilespmem:s7+$0x10400] =	vst v3;
	s7 =	sor.u32 $0x1C40, s8  }
0x105: {  	v3 =	vld [tilespmem:s7+$0x400]  }
0x106: {  	v60 =	vld [tilespmem:s7+$0x8400];
	_ =	sdelay $0x4  }
0x107: {  	v3 =	vadd.f32 v60, v3;
	_ =	sdelay $0x1  }
0x108: {  	[tilespmem:s7+$0x10400] =	vst v3;
	s7 =	sor.u32 $0x1C50, s8  }
0x109: {  	v3 =	vld [tilespmem:s7+$0x400]  }
0x10a: {  	v61 =	vld [tilespmem:s7+$0x8400];
	_ =	sdelay $0x4  }
0x10b: {  	v3 =	vadd.f32 v61, v3;
	_ =	sdelay $0x1  }
0x10c: {  	[tilespmem:s7+$0x10400] =	vst v3;
	s7 =	sor.u32 $0x1C60, s8  }
0x10d: {  	v3 =	vld [tilespmem:s7+$0x400]  }
0x10e: {  	v62 =	vld [tilespmem:s7+$0x8400];
	_ =	sdelay $0x4  }
0x10f: {  	v3 =	vadd.f32 v62, v3;
	_ =	sdelay $0x1  }
0x110: {  	s8 =	sor.u32 $0x1C70, s8;
	[tilespmem:s7+$0x10400] =	vst v3  }
0x111: {  	v3 =	vld [tilespmem:s8+$0x400]  }
0x112: {  	v63 =	vld [tilespmem:s8+$0x8400];
	_ =	sdelay $0x1  }
0x113: {  	p0 =	sne.s32 s20, $0x780  }
.Ltmp0:
0x114: {  	_ = 	snop;
	(pc) =	sbr.rel @p0 .LBB2_3-.Ltmp0, $4  }
0x115: {  	_ = 	snop  }
0x116: {  	v3 =	vadd.f32 v63, v3  }
0x117: {  	s18 =	sadd.s32 $0x400, s18  }
0x118: {  	s20 =	sadd.s32 $0x80, s20;
	s2 =	sadd.s32 $0x1, s2;
	s19 =	sadd.s32 $0x400, s19;
	[tilespmem:s8+$0x10400] =	vst v3  }
0x119: {  	p0 =	seq.s32 s31, $0xF  }
0x11a: {  	v3 =	vld @!p0 [tilespmem:s1+$0x20];
	_ =	sdelay $0x4  }
0x11b: {  	v4 =	vshll.u32 @!p0 v3, $0x3  }
0x11c: {  	v5 =	vlaneseq.u32 @!p0;
	v3 =	vand.u32 @!p0 $0x7, v3;
	v4 =	vand.u32 @!p0 $0xFFFFFFC0, v4  }
0x11d: {  	v6 =	vshrl.u32 @!p0 v5, $0x3;
	v3 =	vor.u32 @!p0 v3, v4;
	v4 =	vand.u32 @!p0 $0x7, v5  }
0x11e: {  	v6 =	vmul.u32 @!p0 $0x8, v6;
	v7 =	vperm.xlane @!p0 v3, v4;
	_ =	sdelay $0x1  }
0x11f: {  	v7 =	vadd.s32 @!p0 v6, v7;
	_ =	sdelay $0x3  }
0x120: {  	vm1 =	vmmov @!p0 $0xffff;
	s2 =	simm.s32 @!p0 $0x0;
	s7 =	simm.s32 @!p0 $0x400  }
0x121: {  	v5 =	vor.u32 @!p0 $0x8, v5;
	[tilespmem:s7], [sflag:$0x1] =	stream.indirect_vreg.gather @!p0 [hbm4b:s0+s2], $0x80, v7, vm1, $0xb8;
	[tilespmem:$0x18400] =	vst v63  }
0x122: {  	v3 =	vperm.xlane @!p0 v3, v5;
	s7 =	simm.s32 @!p0 $0xC00  }
0x123: {  	[tilespmem:s7], [sflag:$0x1] =	stream.indirect_vreg.gather @!p0 [hbm4b:s9+s2], $0x80, v7, vm1, $0xb8;
	[tilespmem:$0x18400] =	vst v63  }
0x124: {  	v3 =	vadd.s32 @!p0 v6, v3;
	s7 =	simm.s32 @!p0 $0x1400  }
0x125: {  	[tilespmem:s7], [sflag:$0x1] =	stream.indirect_vreg.gather @!p0 [hbm4b:s10+s2], $0x80, v7, vm1, $0xb8;
	[tilespmem:$0x18400] =	vst v63  }
0x126: {  	s7 =	simm.s32 @!p0 $0x1C00  }
0x127: {  	[tilespmem:s7], [sflag:$0x1] =	stream.indirect_vreg.gather @!p0 [hbm4b:s11+s2], $0x80, v7, vm1, $0xb8;
	[tilespmem:$0x18400] =	vst v63  }
0x128: {  	s7 =	simm.s32 @!p0 $0x2400  }
0x129: {  	[tilespmem:s7], [sflag:$0x1] =	stream.indirect_vreg.gather @!p0 [hbm4b:s0+s2], $0x80, v3, vm1, $0xb8;
	[tilespmem:$0x18400] =	vst v63  }
0x12a: {  	s7 =	simm.s32 @!p0 $0x2C00  }
0x12b: {  	[tilespmem:s7], [sflag:$0x1] =	stream.indirect_vreg.gather @!p0 [hbm4b:s9+s2], $0x80, v3, vm1, $0xb8;
	[tilespmem:$0x18400] =	vst v63  }
0x12c: {  	s7 =	simm.s32 @!p0 $0x3400  }
0x12d: {  	[tilespmem:s7], [sflag:$0x1] =	stream.indirect_vreg.gather @!p0 [hbm4b:s10+s2], $0x80, v3, vm1, $0xb8;
	[tilespmem:$0x18400] =	vst v63  }
0x12e: {  	s7 =	simm.s32 @!p0 $0x3C00  }
0x12f: {  	[tilespmem:s7], [sflag:$0x1] =	stream.indirect_vreg.gather @!p0 [hbm4b:s11+s2], $0x80, v3, vm1, $0xb8;
	[tilespmem:$0x18400] =	vst v63  }
0x130: {  	v3 =	vld @!p0 [tilespmem:s1+$0x220];
	_ =	sdelay $0x4  }
0x131: {  	v7 =	vshll.u32 @!p0 v3, $0x3  }
0x132: {  	v3 =	vand.u32 @!p0 $0x7, v3;
	v7 =	vand.u32 @!p0 $0xFFFFFFC0, v7  }
0x133: {  	v3 =	vor.u32 @!p0 v3, v7  }
0x134: {  	v4 =	vperm.xlane @!p0 v3, v4;
	_ =	sdelay $0x1  }
0x135: {  	v4 =	vadd.s32 @!p0 v6, v4;
	_ =	sdelay $0x3  }
0x136: {  	s7 =	simm.s32 @!p0 $0x8400  }
0x137: {  	[tilespmem:s7], [sflag:$0x3] =	stream.indirect_vreg.gather @!p0 [hbm4b:s3+s2], $0x80, v4, vm1, $0xb8;
	[tilespmem:$0x18400] =	vst v63  }
0x138: {  	v3 =	vperm.xlane @!p0 v3, v5;
	s7 =	simm.s32 @!p0 $0x8C00  }
0x139: {  	[tilespmem:s7], [sflag:$0x3] =	stream.indirect_vreg.gather @!p0 [hbm4b:s12+s2], $0x80, v4, vm1, $0xb8;
	[tilespmem:$0x18400] =	vst v63  }
0x13a: {  	v3 =	vadd.s32 @!p0 v6, v3;
	s7 =	simm.s32 @!p0 $0x9400  }
0x13b: {  	[tilespmem:s7], [sflag:$0x3] =	stream.indirect_vreg.gather @!p0 [hbm4b:s13+s2], $0x80, v4, vm1, $0xb8;
	[tilespmem:$0x18400] =	vst v63  }
0x13c: {  	s7 =	simm.s32 @!p0 $0x9C00  }
0x13d: {  	[tilespmem:s7], [sflag:$0x3] =	stream.indirect_vreg.gather @!p0 [hbm4b:s14+s2], $0x80, v4, vm1, $0xb8;
	[tilespmem:$0x18400] =	vst v63  }
0x13e: {  	s7 =	simm.s32 @!p0 $0xA400  }
0x13f: {  	[tilespmem:s7], [sflag:$0x3] =	stream.indirect_vreg.gather @!p0 [hbm4b:s3+s2], $0x80, v3, vm1, $0xb8;
	[tilespmem:$0x18400] =	vst v63  }
0x140: {  	s7 =	simm.s32 @!p0 $0xAC00  }
0x141: {  	[tilespmem:s7], [sflag:$0x3] =	stream.indirect_vreg.gather @!p0 [hbm4b:s12+s2], $0x80, v3, vm1, $0xb8;
	[tilespmem:$0x18400] =	vst v63  }
0x142: {  	s7 =	simm.s32 @!p0 $0xB400  }
0x143: {  	[tilespmem:s7], [sflag:$0x3] =	stream.indirect_vreg.gather @!p0 [hbm4b:s13+s2], $0x80, v3, vm1, $0xb8;
	[tilespmem:$0x18400] =	vst v63  }
0x144: {  	s20 =	sshll.u32 s31, $0xC;
	s7 =	simm.s32 @!p0 $0xBC00  }
0x145: {  	[tilespmem:s7], [sflag:$0x3] =	stream.indirect_vreg.gather @!p0 [hbm4b:s14+s2], $0x80, v3, vm1, $0xb8;
	[tilespmem:$0x18400] =	vst v63  }
0x146: {  	s2 =	sadd.s32 s20, s15  }
0x147: {  	[hbm4b:s2+s5] =	stream.linear.scatter [tilespmem:s23], [sflag:$0x5], $0x4000, $0x38;
	[tilespmem:$0x18400] =	vst v63  }
0x148: {  	_ =	swait.ge [sflag:s24], $0x4000  }
0x149: {  	[sflag:s24] =	ssyncset.done $0x0  }
0x14a: {  	[sflag:s24] =	ssyncadd.s32 $0xFFFFC000  }
0x14b: {  	_ =	swait.ge [sflag:s25], $0x4000  }
0x14c: {  	[sflag:s25] =	ssyncset.done $0x0  }
0x14d: {  	s2 =	simm.s32 @!p1 $0x6;
	[sflag:s25] =	ssyncadd.s32 $0xFFFFC000  }
0x14e: {  	_ =	swait.ge @!p1 [sflag:s2], $0x4000  }
0x14f: {  	s18 =	simm.s32 $0xFFFFC000;
	s19 =	simm.s32 $0x0;
	[sflag:s2] =	ssyncset.done @!p1 $0x0  }
0x150: {  	s20 =	simm.s32 $0x0;
	[sflag:s2] =	ssyncadd.s32 @!p1 $0xFFFFC000;
	s2 =	simm.s32 $0x0  }
.LBB2_5:
0x151: {  	s7 =	sadd.s32 $0x4000, s18  }
0x152: {  	s8 =	sand.u32 $0x380, s20;
	s7 =	sand.u32 $0x2000, s7  }
0x153: {  	s7 =	sor.u32 s8, s7  }
0x154: {  	v3 =	vld [tilespmem:s7+$0x4400]  }
0x155: {  	v4 =	vld [tilespmem:s7+$0xC400]  }
0x156: {  	v5 =	vld [tilespmem:s7+$0x4410]  }
0x157: {  	v6 =	vld [tilespmem:s7+$0xC410]  }
0x158: {  	v7 =	vld [tilespmem:s7+$0x4420]  }
0x159: {  	v8 =	vld [tilespmem:s7+$0xC420]  }
0x15a: {  	v9 =	vld [tilespmem:s7+$0x4430]  }
0x15b: {  	v10 =	vld [tilespmem:s7+$0xC430]  }
0x15c: {  	v11 =	vld [tilespmem:s7+$0x4440]  }
0x15d: {  	v12 =	vld [tilespmem:s7+$0xC440]  }
0x15e: {  	v13 =	vld [tilespmem:s7+$0x4450]  }
0x15f: {  	v14 =	vld [tilespmem:s7+$0xC450]  }
0x160: {  	v15 =	vld [tilespmem:s7+$0x4460]  }
0x161: {  	v16 =	vld [tilespmem:s7+$0xC460]  }
0x162: {  	v17 =	vld [tilespmem:s7+$0x4470]  }
0x163: {  	v18 =	vld [tilespmem:s7+$0xC470]  }
0x164: {  	v19 =	vld [tilespmem:s7+$0x4800]  }
0x165: {  	v20 =	vld [tilespmem:s7+$0xC800]  }
0x166: {  	v21 =	vld [tilespmem:s7+$0x4810]  }
0x167: {  	v22 =	vld [tilespmem:s7+$0xC810]  }
0x168: {  	v23 =	vld [tilespmem:s7+$0x4820]  }
0x169: {  	v24 =	vld [tilespmem:s7+$0xC820]  }
0x16a: {  	v25 =	vld [tilespmem:s7+$0x4830]  }
0x16b: {  	v26 =	vld [tilespmem:s7+$0xC830]  }
0x16c: {  	v27 =	vld [tilespmem:s7+$0x4840]  }
0x16d: {  	v28 =	vld [tilespmem:s7+$0xC840]  }
0x16e: {  	v29 =	vld [tilespmem:s7+$0x4850]  }
0x16f: {  	v30 =	vld [tilespmem:s7+$0xC850]  }
0x170: {  	v31 =	vld [tilespmem:s7+$0x4860]  }
0x171: {  	v32 =	vld [tilespmem:s7+$0xC860]  }
0x172: {  	v33 =	vld [tilespmem:s7+$0x4870]  }
0x173: {  	v34 =	vld [tilespmem:s7+$0xC870]  }
0x174: {  	v35 =	vld [tilespmem:s7+$0x4C00]  }
0x175: {  	v36 =	vld [tilespmem:s7+$0xCC00]  }
0x176: {  	v37 =	vld [tilespmem:s7+$0x4C10]  }
0x177: {  	v38 =	vld [tilespmem:s7+$0xCC10]  }
0x178: {  	v39 =	vld [tilespmem:s7+$0x4C20]  }
0x179: {  	v40 =	vld [tilespmem:s7+$0xCC20]  }
0x17a: {  	v41 =	vld [tilespmem:s7+$0x4C30]  }
0x17b: {  	v42 =	vld [tilespmem:s7+$0xCC30]  }
0x17c: {  	v43 =	vld [tilespmem:s7+$0x4C40]  }
0x17d: {  	v44 =	vld [tilespmem:s7+$0xCC40]  }
0x17e: {  	v45 =	vld [tilespmem:s7+$0x4C50]  }
0x17f: {  	v46 =	vld [tilespmem:s7+$0xCC50]  }
0x180: {  	v47 =	vld [tilespmem:s7+$0x4C60]  }
0x181: {  	v48 =	vld [tilespmem:s7+$0xCC60]  }
0x182: {  	v49 =	vld [tilespmem:s7+$0x4C70]  }
0x183: {  	v50 =	vld [tilespmem:s7+$0xCC70]  }
0x184: {  	v51 =	vld [tilespmem:s7+$0x5000]  }
0x185: {  	v52 =	vld [tilespmem:s7+$0xD000]  }
0x186: {  	v53 =	vld [tilespmem:s7+$0x5010]  }
0x187: {  	v54 =	vld [tilespmem:s7+$0xD010]  }
0x188: {  	v55 =	vld [tilespmem:s7+$0x5020]  }
0x189: {  	v56 =	vld [tilespmem:s7+$0xD020]  }
0x18a: {  	v57 =	vld [tilespmem:s7+$0x5030]  }
0x18b: {  	v58 =	vld [tilespmem:s7+$0xD030]  }
0x18c: {  	v59 =	vld [tilespmem:s7+$0x5040]  }
0x18d: {  	v60 =	vld [tilespmem:s7+$0xD040]  }
0x18e: {  	v61 =	vld [tilespmem:s7+$0x5050]  }
0x18f: {  	v62 =	vld [tilespmem:s7+$0xD050]  }
0x190: {  	v63 =	vld [tilespmem:s7+$0x5060]  }
0x191: {  	v3 =	vadd.f32 v4, v3;
	v4 =	vld [tilespmem:s7+$0xD060]  }
0x192: {  	v5 =	vadd.f32 v6, v5;
	v6 =	vld [tilespmem:s7+$0x5070]  }
0x193: {  	v14 =	vadd.f32 v14, v13;
	v13 =	vld [tilespmem:s7+$0xD420];
	[tilespmem:s7+$0x14400] =	vst v3  }
0x194: {  	v18 =	vadd.f32 v18, v17;
	v17 =	vld [tilespmem:s7+$0xD440];
	v3 =	vadd.f32 v8, v7;
	[tilespmem:s7+$0x14410] =	vst v5  }
0x195: {  	v22 =	vadd.f32 v22, v21;
	v21 =	vld [tilespmem:s7+$0xD460];
	[tilespmem:s7+$0x14450] =	vst v14  }
0x196: {  	v7 =	vld [tilespmem:s7+$0xD070];
	[tilespmem:s7+$0x14420] =	vst v3;
	v3 =	vadd.f32 v12, v11  }
0x197: {  	v8 =	vld [tilespmem:s7+$0x5400];
	[tilespmem:s7+$0x14470] =	vst v18  }
0x198: {  	v5 =	vadd.f32 v10, v9;
	v9 =	vld [tilespmem:s7+$0xD400];
	[tilespmem:s7+$0x14440] =	vst v3;
	v3 =	vadd.f32 v16, v15  }
0x199: {  	v26 =	vadd.f32 v26, v25;
	v10 =	vld [tilespmem:s7+$0x5410];
	[tilespmem:s7+$0x14810] =	vst v22  }
0x19a: {  	v14 =	vld [tilespmem:s7+$0x5430];
	[tilespmem:s7+$0x14460] =	vst v3;
	v3 =	vadd.f32 v20, v19  }
0x19b: {  	v30 =	vadd.f32 v30, v29;
	[tilespmem:s7+$0x14830] =	vst v26;
	v18 =	vld [tilespmem:s7+$0x5450]  }
0x19c: {  	v19 =	vld [tilespmem:s7+$0xD450];
	[tilespmem:s7+$0x14800] =	vst v3;
	v3 =	vadd.f32 v24, v23  }
0x19d: {  	v34 =	vadd.f32 v34, v33;
	[tilespmem:s7+$0x14850] =	vst v30;
	v22 =	vld [tilespmem:s7+$0x5470]  }
0x19e: {  	v11 =	vld [tilespmem:s7+$0xD410];
	[tilespmem:s7+$0x14820] =	vst v3;
	v3 =	vadd.f32 v28, v27  }
0x19f: {  	[tilespmem:s7+$0x14870] =	vst v34;
	v12 =	vld [tilespmem:s7+$0x5420]  }
0x1a0: {  	v15 =	vld [tilespmem:s7+$0xD430];
	[tilespmem:s7+$0x14840] =	vst v3;
	v3 =	vadd.f32 v32, v31  }
0x1a1: {  	[tilespmem:s7+$0x14430] =	vst v5;
	v16 =	vld [tilespmem:s7+$0x5440];
	v19 =	vadd.f32 v19, v18  }
0x1a2: {  	v20 =	vld [tilespmem:s7+$0x5460];
	[tilespmem:s7+$0x14860] =	vst v3;
	v3 =	vadd.f32 v36, v35  }
0x1a3: {  	v24 =	vld [tilespmem:s7+$0x5800];
	[tilespmem:s7+$0x15450] =	vst v19;
	v36 =	vadd.f32 v38, v37  }
0x1a4: {  	v37 =	vld [tilespmem:s7+$0xD470];
	[tilespmem:s7+$0x14C00] =	vst v3;
	v3 =	vadd.f32 v40, v39  }
0x1a5: {  	v38 =	vadd.f32 v42, v41;
	v41 =	vld [tilespmem:s7+$0x5810];
	[tilespmem:s7+$0x14C10] =	vst v36  }
0x1a6: {  	v42 =	vld [tilespmem:s7+$0xD810];
	[tilespmem:s7+$0x14C20] =	vst v3;
	v3 =	vadd.f32 v44, v43  }
0x1a7: {  	v35 =	vld [tilespmem:s7+$0x5C10];
	[tilespmem:s7+$0x14C30] =	vst v38;
	v40 =	vadd.f32 v46, v45  }
0x1a8: {  	v39 =	vld [tilespmem:s7+$0xD800];
	[tilespmem:s7+$0x14C40] =	vst v3;
	v3 =	vadd.f32 v48, v47  }
0x1a9: {  	v45 =	vld [tilespmem:s7+$0xD820];
	v46 =	vadd.f32 v54, v53;
	[tilespmem:s7+$0x14C50] =	vst v40  }
0x1aa: {  	v53 =	vld [tilespmem:s7+$0x5850];
	[tilespmem:s7+$0x14C60] =	vst v3;
	v3 =	vadd.f32 v52, v51  }
0x1ab: {  	v54 =	vld [tilespmem:s7+$0xD850];
	v43 =	vadd.f32 v50, v49;
	[tilespmem:s7+$0x15010] =	vst v46  }
0x1ac: {  	v36 =	vld [tilespmem:s7+$0xDC10];
	[tilespmem:s7+$0x15000] =	vst v3;
	v3 =	vadd.f32 v56, v55  }
0x1ad: {  	v38 =	vld [tilespmem:s7+$0x5C20];
	v49 =	vadd.f32 v58, v57;
	[tilespmem:s7+$0x14C70] =	vst v43  }
0x1ae: {  	v44 =	vld [tilespmem:s7+$0x5820];
	[tilespmem:s7+$0x15020] =	vst v3;
	v3 =	vadd.f32 v60, v59  }
0x1af: {  	v50 =	vld [tilespmem:s7+$0x5840];
	v58 =	vadd.f32 v11, v10;
	[tilespmem:s7+$0x15030] =	vst v49  }
0x1b0: {  	v57 =	vld [tilespmem:s7+$0xD860];
	[tilespmem:s7+$0x15040] =	vst v3;
	v3 =	vadd.f32 v4, v63  }
0x1b1: {  	v46 =	vld [tilespmem:s7+$0x5C50];
	v37 =	vadd.f32 v37, v22;
	[tilespmem:s7+$0x15410] =	vst v58  }
0x1b2: {  	v40 =	vadd.f32 v42, v41;
	v41 =	vld [tilespmem:s7+$0x5C30];
	[tilespmem:s7+$0x15060] =	vst v3;
	v3 =	vadd.f32 v9, v8  }
0x1b3: {  	v42 =	vld [tilespmem:s7+$0xDC30];
	[tilespmem:s7+$0x15470] =	vst v37  }
0x1b4: {  	v47 =	vld [tilespmem:s7+$0x5830];
	[tilespmem:s7+$0x15400] =	vst v3;
	v3 =	vadd.f32 v13, v12  }
0x1b5: {  	v48 =	vld [tilespmem:s7+$0xD830];
	[tilespmem:s7+$0x15810] =	vst v40;
	v52 =	vadd.f32 v62, v61  }
0x1b6: {  	v49 =	vld [tilespmem:s7+$0x5C60];
	[tilespmem:s7+$0x15420] =	vst v3;
	v3 =	vadd.f32 v17, v16  }
0x1b7: {  	v51 =	vld [tilespmem:s7+$0xD840];
	v61 =	vadd.f32 v15, v14;
	[tilespmem:s7+$0x15050] =	vst v52  }
0x1b8: {  	v62 =	vld [tilespmem:s7+$0x5C00];
	[tilespmem:s7+$0x15440] =	vst v3;
	v3 =	vadd.f32 v21, v20  }
0x1b9: {  	v55 =	vadd.f32 v7, v6;
	v56 =	vld [tilespmem:s7+$0x5860];
	[tilespmem:s7+$0x15430] =	vst v61  }
0x1ba: {  	v52 =	vld [tilespmem:s7+$0x5C70];
	[tilespmem:s7+$0x15460] =	vst v3;
	v3 =	vadd.f32 v39, v24  }
0x1bb: {  	v43 =	vadd.f32 v48, v47;
	v47 =	vld [tilespmem:s7+$0xDC50];
	[tilespmem:s7+$0x15070] =	vst v55  }
0x1bc: {  	v59 =	vld [tilespmem:s7+$0x5870];
	[tilespmem:s7+$0x15800] =	vst v3;
	v3 =	vadd.f32 v45, v44  }
0x1bd: {  	[tilespmem:s7+$0x15830] =	vst v43;
	v63 =	vld [tilespmem:s7+$0xDC00];
	v4 =	vadd.f32 v54, v53  }
0x1be: {  	v60 =	vld [tilespmem:s7+$0xD870];
	[tilespmem:s7+$0x15820] =	vst v3;
	v3 =	vadd.f32 v51, v50  }
0x1bf: {  	v54 =	vadd.f32 v42, v41;
	[tilespmem:s7+$0x15850] =	vst v4;
	v39 =	vld [tilespmem:s7+$0xDC20]  }
0x1c0: {  	v44 =	vld [tilespmem:s7+$0x5C40];
	[tilespmem:s7+$0x15840] =	vst v3;
	v3 =	vadd.f32 v57, v56  }
0x1c1: {  	[tilespmem:s7+$0x15C30] =	vst v54;
	v55 =	vadd.f32 v47, v46;
	v45 =	vld [tilespmem:s7+$0xDC40]  }
0x1c2: {  	v53 =	vld [tilespmem:s7+$0xDC70];
	[tilespmem:s7+$0x15860] =	vst v3;
	v3 =	vadd.f32 v63, v62  }
0x1c3: {  	v48 =	vadd.f32 v60, v59;
	[tilespmem:s7+$0x15C50] =	vst v55;
	v50 =	vld [tilespmem:s7+$0xDC60]  }
0x1c4: {  	[tilespmem:s7+$0x15C00] =	vst v3;
	v3 =	vadd.f32 v39, v38  }
0x1c5: {  	[tilespmem:s7+$0x15870] =	vst v48;
	v51 =	vadd.f32 v36, v35  }
0x1c6: {  	[tilespmem:s7+$0x15C20] =	vst v3;
	v3 =	vadd.f32 v45, v44  }
0x1c7: {  	s8 =	sand.u32 $0x7, s2;
	[tilespmem:s7+$0x15C10] =	vst v51;
	v56 =	vadd.f32 v53, v52  }
0x1c8: {  	s8 =	sshll.u32 s8, $0x7;
	[tilespmem:s7+$0x15C40] =	vst v3;
	v3 =	vadd.f32 v50, v49  }
0x1c9: {  	s8 =	sadd.s32 s8, s19;
	[tilespmem:s7+$0x15C70] =	vst v56  }
0x1ca: {  	[tilespmem:s7+$0x15C60] =	vst v3;
	s7 =	sor.u32 $0x1C00, s8  }
0x1cb: {  	v3 =	vld [tilespmem:s7+$0x4400]  }
0x1cc: {  	v4 =	vld [tilespmem:s7+$0xC400];
	_ =	sdelay $0x4  }
0x1cd: {  	v3 =	vadd.f32 v4, v3;
	_ =	sdelay $0x1  }
0x1ce: {  	[tilespmem:s7+$0x14400] =	vst v3;
	s7 =	sor.u32 $0x1C10, s8  }
0x1cf: {  	v3 =	vld [tilespmem:s7+$0x4400]  }
0x1d0: {  	v57 =	vld [tilespmem:s7+$0xC400];
	_ =	sdelay $0x4  }
0x1d1: {  	v3 =	vadd.f32 v57, v3;
	_ =	sdelay $0x1  }
0x1d2: {  	[tilespmem:s7+$0x14400] =	vst v3;
	s7 =	sor.u32 $0x1C20, s8  }
0x1d3: {  	v3 =	vld [tilespmem:s7+$0x4400]  }
0x1d4: {  	v58 =	vld [tilespmem:s7+$0xC400];
	_ =	sdelay $0x4  }
0x1d5: {  	v3 =	vadd.f32 v58, v3;
	_ =	sdelay $0x1  }
0x1d6: {  	[tilespmem:s7+$0x14400] =	vst v3;
	s7 =	sor.u32 $0x1C30, s8  }
0x1d7: {  	v3 =	vld [tilespmem:s7+$0x4400]  }
0x1d8: {  	v59 =	vld [tilespmem:s7+$0xC400];
	_ =	sdelay $0x4  }
0x1d9: {  	v3 =	vadd.f32 v59, v3;
	_ =	sdelay $0x1  }
0x1da: {  	[tilespmem:s7+$0x14400] =	vst v3;
	s7 =	sor.u32 $0x1C40, s8  }
0x1db: {  	v3 =	vld [tilespmem:s7+$0x4400]  }
0x1dc: {  	v60 =	vld [tilespmem:s7+$0xC400];
	_ =	sdelay $0x4  }
0x1dd: {  	v3 =	vadd.f32 v60, v3;
	_ =	sdelay $0x1  }
0x1de: {  	[tilespmem:s7+$0x14400] =	vst v3;
	s7 =	sor.u32 $0x1C50, s8  }
0x1df: {  	v3 =	vld [tilespmem:s7+$0x4400]  }
0x1e0: {  	v61 =	vld [tilespmem:s7+$0xC400];
	_ =	sdelay $0x4  }
0x1e1: {  	v3 =	vadd.f32 v61, v3;
	_ =	sdelay $0x1  }
0x1e2: {  	[tilespmem:s7+$0x14400] =	vst v3;
	s7 =	sor.u32 $0x1C60, s8  }
0x1e3: {  	v3 =	vld [tilespmem:s7+$0x4400]  }
0x1e4: {  	v62 =	vld [tilespmem:s7+$0xC400];
	_ =	sdelay $0x4  }
0x1e5: {  	v3 =	vadd.f32 v62, v3;
	_ =	sdelay $0x1  }
0x1e6: {  	s8 =	sor.u32 $0x1C70, s8;
	[tilespmem:s7+$0x14400] =	vst v3  }
0x1e7: {  	v3 =	vld [tilespmem:s8+$0x4400]  }
0x1e8: {  	v63 =	vld [tilespmem:s8+$0xC400];
	_ =	sdelay $0x1  }
0x1e9: {  	p1 =	sne.s32 s20, $0x780  }
.Ltmp1:
0x1ea: {  	_ = 	snop;
	(pc) =	sbr.rel @p1 .LBB2_5-.Ltmp1, $4  }
0x1eb: {  	_ = 	snop  }
0x1ec: {  	v3 =	vadd.f32 v63, v3  }
0x1ed: {  	s18 =	sadd.s32 $0x400, s18  }
0x1ee: {  	s20 =	sadd.s32 $0x80, s20;
	s2 =	sadd.s32 $0x1, s2;
	s19 =	sadd.s32 $0x400, s19;
	[tilespmem:s8+$0x14400] =	vst v3  }
0x1ef: {  	v3 =	vld @!p0 [tilespmem:s1+$0x30];
	_ =	sdelay $0x4  }
0x1f0: {  	v4 =	vshll.u32 @!p0 v3, $0x3  }
0x1f1: {  	v5 =	vlaneseq.u32 @!p0;
	v3 =	vand.u32 @!p0 $0x7, v3;
	v4 =	vand.u32 @!p0 $0xFFFFFFC0, v4  }
0x1f2: {  	v6 =	vshrl.u32 @!p0 v5, $0x3;
	v3 =	vor.u32 @!p0 v3, v4;
	v4 =	vand.u32 @!p0 $0x7, v5  }
0x1f3: {  	v6 =	vmul.u32 @!p0 $0x8, v6;
	v7 =	vperm.xlane @!p0 v3, v4;
	_ =	sdelay $0x1  }
0x1f4: {  	v7 =	vadd.s32 @!p0 v6, v7;
	_ =	sdelay $0x3  }
0x1f5: {  	s2 =	simm.s32 @!p0 $0x0;
	s7 =	simm.s32 @!p0 $0x4400  }
0x1f6: {  	v5 =	vor.u32 @!p0 $0x8, v5;
	[tilespmem:s7], [sflag:$0x2] =	stream.indirect_vreg.gather @!p0 [hbm4b:s0+s2], $0x80, v7, vm1, $0xb8;
	[tilespmem:$0x18400] =	vst v63  }
0x1f7: {  	v3 =	vperm.xlane @!p0 v3, v5;
	s7 =	simm.s32 @!p0 $0x4C00  }
0x1f8: {  	[tilespmem:s7], [sflag:$0x2] =	stream.indirect_vreg.gather @!p0 [hbm4b:s9+s2], $0x80, v7, vm1, $0xb8;
	[tilespmem:$0x18400] =	vst v63  }
0x1f9: {  	v3 =	vadd.s32 @!p0 v6, v3;
	s7 =	simm.s32 @!p0 $0x5400  }
0x1fa: {  	[tilespmem:s7], [sflag:$0x2] =	stream.indirect_vreg.gather @!p0 [hbm4b:s10+s2], $0x80, v7, vm1, $0xb8;
	[tilespmem:$0x18400] =	vst v63  }
0x1fb: {  	s7 =	simm.s32 @!p0 $0x5C00  }
0x1fc: {  	[tilespmem:s7], [sflag:$0x2] =	stream.indirect_vreg.gather @!p0 [hbm4b:s11+s2], $0x80, v7, vm1, $0xb8;
	[tilespmem:$0x18400] =	vst v63  }
0x1fd: {  	s7 =	simm.s32 @!p0 $0x6400  }
0x1fe: {  	[tilespmem:s7], [sflag:$0x2] =	stream.indirect_vreg.gather @!p0 [hbm4b:s0+s2], $0x80, v3, vm1, $0xb8;
	[tilespmem:$0x18400] =	vst v63  }
0x1ff: {  	s7 =	simm.s32 @!p0 $0x6C00  }
0x200: {  	[tilespmem:s7], [sflag:$0x2] =	stream.indirect_vreg.gather @!p0 [hbm4b:s9+s2], $0x80, v3, vm1, $0xb8;
	[tilespmem:$0x18400] =	vst v63  }
0x201: {  	s7 =	simm.s32 @!p0 $0x7400  }
0x202: {  	[tilespmem:s7], [sflag:$0x2] =	stream.indirect_vreg.gather @!p0 [hbm4b:s10+s2], $0x80, v3, vm1, $0xb8;
	[tilespmem:$0x18400] =	vst v63  }
0x203: {  	s7 =	simm.s32 @!p0 $0x7C00  }
0x204: {  	[tilespmem:s7], [sflag:$0x2] =	stream.indirect_vreg.gather @!p0 [hbm4b:s11+s2], $0x80, v3, vm1, $0xb8;
	[tilespmem:$0x18400] =	vst v63  }
0x205: {  	v3 =	vld @!p0 [tilespmem:s1+$0x230];
	_ =	sdelay $0x4  }
0x206: {  	v7 =	vshll.u32 @!p0 v3, $0x3  }
0x207: {  	v3 =	vand.u32 @!p0 $0x7, v3;
	v7 =	vand.u32 @!p0 $0xFFFFFFC0, v7  }
0x208: {  	v3 =	vor.u32 @!p0 v3, v7  }
0x209: {  	v4 =	vperm.xlane @!p0 v3, v4;
	_ =	sdelay $0x1  }
0x20a: {  	v4 =	vadd.s32 @!p0 v6, v4;
	_ =	sdelay $0x3  }
0x20b: {  	s7 =	simm.s32 @!p0 $0xC400  }
0x20c: {  	[tilespmem:s7], [sflag:$0x4] =	stream.indirect_vreg.gather @!p0 [hbm4b:s3+s2], $0x80, v4, vm1, $0xb8;
	[tilespmem:$0x18400] =	vst v63  }
0x20d: {  	v3 =	vperm.xlane @!p0 v3, v5;
	s7 =	simm.s32 @!p0 $0xCC00  }
0x20e: {  	[tilespmem:s7], [sflag:$0x4] =	stream.indirect_vreg.gather @!p0 [hbm4b:s12+s2], $0x80, v4, vm1, $0xb8;
	[tilespmem:$0x18400] =	vst v63  }
0x20f: {  	v3 =	vadd.s32 @!p0 v6, v3;
	s7 =	simm.s32 @!p0 $0xD400  }
0x210: {  	[tilespmem:s7], [sflag:$0x4] =	stream.indirect_vreg.gather @!p0 [hbm4b:s13+s2], $0x80, v4, vm1, $0xb8;
	[tilespmem:$0x18400] =	vst v63  }
0x211: {  	s7 =	simm.s32 @!p0 $0xDC00  }
0x212: {  	[tilespmem:s7], [sflag:$0x4] =	stream.indirect_vreg.gather @!p0 [hbm4b:s14+s2], $0x80, v4, vm1, $0xb8;
	[tilespmem:$0x18400] =	vst v63  }
0x213: {  	s7 =	simm.s32 @!p0 $0xE400  }
0x214: {  	[tilespmem:s7], [sflag:$0x4] =	stream.indirect_vreg.gather @!p0 [hbm4b:s3+s2], $0x80, v3, vm1, $0xb8;
	[tilespmem:$0x18400] =	vst v63  }
0x215: {  	s7 =	simm.s32 @!p0 $0xEC00  }
0x216: {  	[tilespmem:s7], [sflag:$0x4] =	stream.indirect_vreg.gather @!p0 [hbm4b:s12+s2], $0x80, v3, vm1, $0xb8;
	[tilespmem:$0x18400] =	vst v63  }
0x217: {  	s7 =	simm.s32 @!p0 $0xF400  }
0x218: {  	[tilespmem:s7], [sflag:$0x4] =	stream.indirect_vreg.gather @!p0 [hbm4b:s13+s2], $0x80, v3, vm1, $0xb8;
	[tilespmem:$0x18400] =	vst v63  }
0x219: {  	s31 =	sadd.s32 $0x1, s31;
	s7 =	simm.s32 @!p0 $0xFC00  }
0x21a: {  	[tilespmem:s7], [sflag:$0x4] =	stream.indirect_vreg.gather @!p0 [hbm4b:s14+s2], $0x80, v3, vm1, $0xb8;
	[tilespmem:$0x18400] =	vst v63  }
0x21b: {  	p0 =	sne.s32 s31, $0x10  }
.Ltmp2:
0x21c: {  	s20 =	sadd.s32 s1, s6;
	(pc) =	sbr.rel @p0 .LBB2_2-.Ltmp2, $4  }
0x21d: {  	s1 =	sshll.u32 s20, $0x7  }
0x21e: {  	s1 =	sadd.s32 s4, s1  }
0x21f: {  	s1 =	sadd.s32 $0x800, s1  }
0x220: {  	[hbm4b:s1+s5] =	stream.linear.scatter [tilespmem:s26], [sflag:$0x6], $0x4000, $0x38;
	[tilespmem:$0x18400] =	vst v63  }
0x221: {  	s30 =	sadd.s32 $0x1, s30  }
0x222: {  	_ =	swait.ge [sflag:s28], $0x4000;
	p0 =	sne.s32 s30, s16  }
.Ltmp3:
0x223: {  	[sflag:s28] =	ssyncset.done $0x0;
	(pc) =	sbr.rel @p0 .LBB2_1-.Ltmp3, $4  }
0x224: {  	[sflag:s28] =	ssyncadd.s32 $0xFFFFC000  }
0x225: {  	_ =	swait.ge [sflag:s29], $0x4000  }
0x226: {  	[sflag:s29] =	ssyncset.done $0x0  }
0x227: {  	[sflag:s29] =	ssyncadd.s32 $0xFFFFC000  }
0x228: {  	_ =	sfence.sel $0x180000  }
0x229: {  	[bflag:$0x0] =	sbarrier.arrive $0xFFFF  }
0x22a: {  	_ =	strace $0x90000047  }
0x22b: {  	s0 =	stileid.u32;
	[bflag:$0x2] =	sbarrier.arrive $0xFFFF  }
0x22c: {  	p0 =	sne.s32 s0, $0x0;
	s0 =	rddreg [dreg:$0x4]  }
0x22d: {  	s0 =	sadd.s32 @!p0 $0x100000, s0  }
0x22e: {  	[sflag:s0] =	ssyncadd.tile.s32 @!p0 $0x1;
	_ =	shalt  }
.Lfunc_end2:
_tile_overlayer_lowered:
.L_overlay_start_2:
0x22f: {  	(tag) =	ssettag $0x2  }
0x230: {  	s0 =	rddreg [dreg:$0x0];
	s2 =	stileid.u32  }
0x231: {  	s1 =	rddreg [dreg:$0x1];
	p0 =	sne.s32 s2, $0x0  }
0x232: {  	s3 =	rddreg [dreg:$0x2];
	[bflag:$0x3] =	sbarrier.arrive $0xFFFF;
	s2 =	simm.s32 @!p0 $0x1C07  }
0x233: {  	[timem:s3], [sflag:s2] =	dma.local @!p0 [hbm:s0], s1  }
0x234: {  	s0 =	simm.s32 @!p0 $0x7  }
0x235: {  	_ =	swait.ge @!p0 [sflag:s0], s1  }
0x236: {  	s1 =	ssub.s32 @!p0 $0x0, s1;
	[sflag:s0] =	ssyncset.done @!p0 $0x0  }
0x237: {  	[sflag:s0] =	ssyncadd.s32 @!p0 s1  }
0x238: {  	[bflag:$0x3] =	sbarrier.arrive $0xFFFF  }
0x239: {  	_ =	shalt  }

</sc_bundles>
